<compile_context>
chip_gen: v7x
topology: tpu7x:2x2x1
jax: 0.10.2.dev20260603
libtpu: 0.0.44.dev20260713+nightly
codegen_flags: <defaults>
</compile_context>

<pallas_src>
import functools

import jax
import jax.numpy as jnp
from jax import lax
from jax.experimental import pallas as pl
from jax.experimental.pallas import tpu as pltpu
from jax.experimental.pallas import tpu_sc as plsc

N_REC = 3
D = 768
NW = 32
TILE = 32
TB = 8
TOK = 2048
K_SC = 5


def _sc_router(xf, W, nsc):
    tps = nsc // NW
    nt = tps // TILE
    mesh = plsc.VectorSubcoreMesh(core_axis_name="c", subcore_axis_name="s")

    @functools.partial(
        pl.kernel,
        out_type=[jax.ShapeDtypeStruct((nsc,), jnp.float32)] * 4,
        mesh=mesh,
        scratch_types=[
            pltpu.VMEM((N_REC, D), jnp.float32),
            pltpu.VMEM((TILE, D), jnp.float32),
            pltpu.VMEM((TILE, D), jnp.float32),
            pltpu.VMEM((tps,), jnp.float32),
            pltpu.VMEM((tps,), jnp.float32),
            pltpu.VMEM((tps,), jnp.float32),
            pltpu.VMEM((tps,), jnp.float32),
            pltpu.SemaphoreType.DMA,
            pltpu.SemaphoreType.DMA,
        ],
        compiler_params=pltpu.CompilerParams(
            use_tc_tiling_on_sc=True, needs_layout_passes=False),
    )
    def k(x_hbm, w_hbm, o0_hbm, o1_hbm, o2_hbm, og_hbm,
          w_v, xb0, xb1, l0_v, l1_v, l2_v, gt_v, sem0, sem1):
        wid = lax.axis_index("s") * 2 + lax.axis_index("c")
        base = wid * tps
        pltpu.sync_copy(w_hbm, w_v)
        iota = lax.broadcasted_iota(jnp.int32, (16,), 0)

        def start_copy(t, buf, sem):
            pltpu.async_copy(
                x_hbm.at[pl.ds(base + t * TILE, TILE), :], buf, sem)

        def wait_copy(buf, sem):
            pltpu.make_async_copy(
                x_hbm.at[pl.ds(base, TILE), :], buf, sem).wait()

        def compute_tile(t, buf):
            zeros16 = jnp.zeros((16,), jnp.float32)

            @pl.loop(0, TILE // 16)
            def _(g):
                logit_vecs = [zeros16, zeros16, zeros16]
                for blk in range(16 // TB):

                    @pl.loop(0, D // 16,
                             init_carry=(zeros16,) * (3 * TB), unroll=2)
                    def accs(c, carry):
                        acc = list(carry)
                        c16 = c * 16
                        w0 = w_v[0, pl.ds(c16, 16)]
                        w1 = w_v[1, pl.ds(c16, 16)]
                        w2 = w_v[2, pl.ds(c16, 16)]
                        tokb = g * 16 + blk * TB
                        for tt in range(TB):
                            xv = buf[tokb + tt, pl.ds(c16, 16)]
                            acc[3 * tt] = acc[3 * tt] + xv * w0
                            acc[3 * tt + 1] = acc[3 * tt + 1] + xv * w1
                            acc[3 * tt + 2] = acc[3 * tt + 2] + xv * w2
                        return tuple(acc)

                    for tt in range(TB):
                        mask = iota == (blk * TB + tt)
                        for n in range(3):
                            s = jnp.sum(accs[3 * tt + n])
                            logit_vecs[n] = jnp.where(
                                mask, s, logit_vecs[n])

                l0, l1, l2 = logit_vecs
                m = jnp.maximum(jnp.maximum(l0, l1), l2)
                ssum = jnp.exp(l0 - m) + jnp.exp(l1 - m) + jnp.exp(l2 - m)
                off = t * TILE + g * 16
                gt_v[pl.ds(off, 16)] = 1.0 / ssum
                l0_v[pl.ds(off, 16)] = l0
                l1_v[pl.ds(off, 16)] = l1
                l2_v[pl.ds(off, 16)] = l2

        start_copy(0, xb0, sem0)
        start_copy(1, xb1, sem1)

        @pl.loop(0, nt, step=2)
        def _(t):
            wait_copy(xb0, sem0)
            compute_tile(t, xb0)

            @pl.when(t + 2 < nt)
            def _():
                start_copy(t + 2, xb0, sem0)

            wait_copy(xb1, sem1)
            compute_tile(t + 1, xb1)

            @pl.when(t + 3 < nt)
            def _():
                start_copy(t + 3, xb1, sem1)

        pltpu.sync_copy(l0_v, o0_hbm.at[pl.ds(base, tps)])
        pltpu.sync_copy(l1_v, o1_hbm.at[pl.ds(base, tps)])
        pltpu.sync_copy(l2_v, o2_hbm.at[pl.ds(base, tps)])
        pltpu.sync_copy(gt_v, og_hbm.at[pl.ds(base, tps)])

    return k(xf, W)


def _tc_router(xf, W, B, T):
    tpb = T // TOK

    def body(x_ref, w_ref, gate_ref, logits_ref):
        b = pl.program_id(0)
        j = pl.program_id(1)

        @pl.when(b * tpb + j >= K_SC)
        def _():
            logits = lax.dot_general(
                w_ref[...], x_ref[...], (((1,), (1,)), ((), ())),
                preferred_element_type=jnp.float32)
            m = jnp.max(logits, axis=0, keepdims=True)
            s = jnp.sum(jnp.exp(logits - m), axis=0, keepdims=True)
            logits_ref[:, 0, pl.ds(j, 1), :] = logits[:, None, :]
            gate_ref[0, pl.ds(j, 1), :] = (1.0 / s)

    return pl.pallas_call(
        body,
        grid=(B, tpb),
        in_specs=[
            pl.BlockSpec(
                (TOK, D),
                lambda b, j: (
                    jnp.where(b * tpb + j < K_SC, K_SC, b * tpb + j), 0)),
            pl.BlockSpec((N_REC, D), lambda b, j: (0, 0)),
        ],
        out_specs=[
            pl.BlockSpec((1, tpb, TOK), lambda b, j: (b, 0, 0)),
            pl.BlockSpec((N_REC, 1, tpb, TOK),
                         lambda b, j: (0, b, 0, 0)),
        ],
        out_shape=[
            jax.ShapeDtypeStruct((B, tpb, TOK), jnp.float32),
            jax.ShapeDtypeStruct((N_REC, B, tpb, TOK), jnp.float32),
        ],
        compiler_params=pltpu.CompilerParams(
            dimension_semantics=("arbitrary", "arbitrary")),
    )(xf, W)


def _stitch(gate, logits, l0, l1, l2, gt, B, T):
    tpb = T // TOK

    def body(g_in, lg_in, l0_ref, l1_ref, l2_ref, gt_ref,
             gate_ref, logits_ref):
        c = pl.program_id(0)
        j = lax.rem(c, tpb)

        @pl.when(j == 0)
        def _():
            gate_ref[...] = g_in[...]
            logits_ref[...] = lg_in[...]

        gate_ref[0, pl.ds(j, 1), :] = gt_ref[...].reshape(1, TOK)
        logits_ref[:, 0, pl.ds(j, 1), :] = jnp.concatenate(
            [l0_ref[...].reshape(1, 1, TOK),
             l1_ref[...].reshape(1, 1, TOK),
             l2_ref[...].reshape(1, 1, TOK)], axis=0)

    return pl.pallas_call(
        body,
        grid=(K_SC,),
        in_specs=[
            pl.BlockSpec((1, tpb, TOK), lambda c: (c // tpb, 0, 0)),
            pl.BlockSpec((N_REC, 1, tpb, TOK),
                         lambda c: (0, c // tpb, 0, 0)),
            pl.BlockSpec((TOK,), lambda c: (c,)),
            pl.BlockSpec((TOK,), lambda c: (c,)),
            pl.BlockSpec((TOK,), lambda c: (c,)),
            pl.BlockSpec((TOK,), lambda c: (c,)),
        ],
        out_specs=[
            pl.BlockSpec((1, tpb, TOK), lambda c: (c // tpb, 0, 0)),
            pl.BlockSpec((N_REC, 1, tpb, TOK),
                         lambda c: (0, c // tpb, 0, 0)),
        ],
        out_shape=[
            jax.ShapeDtypeStruct((B, tpb, TOK), jnp.float32),
            jax.ShapeDtypeStruct((N_REC, B, tpb, TOK), jnp.float32),
        ],
        input_output_aliases={0: 0, 1: 1},
        compiler_params=pltpu.CompilerParams(
            dimension_semantics=("arbitrary",)),
    )(gate, logits, l0, l1, l2, gt)


def kernel(x, W):
    B, T, _ = x.shape
    N = B * T
    nsc = K_SC * TOK
    xf = x.reshape(N, D)
    l0, l1, l2, gt = _sc_router(xf, W, nsc)
    gate, logits_t = _tc_router(xf, W, B, T)
    gate, logits_t = _stitch(gate, logits_t, l0, l1, l2, gt, B, T)
    selected = jnp.broadcast_to(
        jnp.arange(T, dtype=jnp.int32)[None, :, None], (B, T, 1))
    return (selected, gate.reshape(B, T, 1),
            jnp.transpose(logits_t.reshape(N_REC, B, T), (1, 2, 0)))

# --- scband reference (transcript-rebuilt; emitter-appended) ---
"""Pipeline reference for scband-token-choice-router-14010183319663 (READ-ONLY COPY).

The authoritative reference and input builder live on the scoring server;
editing this copy changes nothing except your own understanding.
"""

import jax, jax.numpy as jnp
import numpy as np

B, T, D_MODEL = 4, 8192, 768
N_REC = 3
TEMP = 1.0
RECURSION_IDX = 0


def setup_inputs(seed: int = 0) -> dict:
    key = jax.random.key(seed)
    kx, kw = jax.random.split(key)
    x = jax.random.normal(kx, (B, T, D_MODEL), dtype=jnp.float32)
    # LinearRouter weight: nn.Linear(d_model, n_recursions, bias=False), init normal std=0.02
    W = jax.random.normal(kw, (N_REC, D_MODEL), dtype=jnp.float32) * 0.02
    return {"x": x, "W": W}


def reference(x, W):
    # Router head (linear, no bias): logits = (x / temp) @ W^T -> (B, T, N_r)
    raw_logits = jnp.einsum('btd,nd->btn', x / TEMP, W)
    router_probs = jax.nn.softmax(raw_logits, axis=-1)
    # balancing == 'loss' -> no bias added
    router_probs_biased = router_probs
    # top-1 expert (recursion depth) per token
    _, top_expert = jax.lax.top_k(router_probs_biased, 1)
    assignments = top_expert[..., 0]  # (B, T) int
    # gate score = prob of the chosen depth
    gate_scores = jnp.take_along_axis(router_probs, assignments[..., None], axis=-1)[..., 0]
    # active_mask = assignments >= recursion_idx; at recursion_idx == 0 every token is
    # active (assignments >= 0 always), so max_k == T and the per-batch nonzero/pad loop
    # reduces to selected = arange(T) per batch and gate = gate_scores.
    active_mask = assignments >= RECURSION_IDX
    Bv, Tv = assignments.shape
    selected = jnp.broadcast_to(jnp.arange(Tv, dtype=jnp.int32)[None, :, None], (Bv, Tv, 1))
    gate_weights = jnp.where(active_mask, gate_scores, 0.0)[..., None]
    # eval mode: aux_loss / z_loss are None -> return the tensor outputs
    return selected, gate_weights, raw_logits

if __name__ == "__main__":
    import jax
    _d = setup_inputs()
    print(jax.jit(kernel)(*tuple(_d.values())))

</pallas_src>

<mosaic_0001>
#map = affine_map<(d0, d1) -> (0, 0)>
#map1 = affine_map<(d0, d1) -> (0)>
module attributes {stable_mosaic.version = 14 : i64} {
  func.func @k(%arg0: i32, %arg1: i32, %arg2: memref<32768x768xf32, #tpu.memory_space<hbm>>, %arg3: memref<3x768xf32, #tpu.memory_space<hbm>>, %arg4: memref<10240xf32, #tpu.memory_space<hbm>>, %arg5: memref<10240xf32, #tpu.memory_space<hbm>>, %arg6: memref<10240xf32, #tpu.memory_space<hbm>>, %arg7: memref<10240xf32, #tpu.memory_space<hbm>>, %arg8: memref<3x768xf32, #tpu.memory_space<vmem>>, %arg9: memref<32x768xf32, #tpu.memory_space<vmem>>, %arg10: memref<32x768xf32, #tpu.memory_space<vmem>>, %arg11: memref<320xf32, #tpu.memory_space<vmem>>, %arg12: memref<320xf32, #tpu.memory_space<vmem>>, %arg13: memref<320xf32, #tpu.memory_space<vmem>>, %arg14: memref<320xf32, #tpu.memory_space<vmem>>, %arg15: memref<!tpu.dma_semaphore, #tpu.memory_space<semaphore_mem>>, %arg16: memref<!tpu.dma_semaphore, #tpu.memory_space<semaphore_mem>>) attributes {dimension_semantics = [#tpu.dimension_semantics<core_parallel>, #tpu.dimension_semantics<subcore_parallel>], iteration_bounds = array<i64: 2, 16>, scalar_prefetch = 0 : i64, scratch_operands = 9 : i64, tpu.core_type = #tpu.core_type<sc_vector_subcore>, window_params = [{transform_indices = #map}, {transform_indices = #map}, {transform_indices = #map1}, {transform_indices = #map1}, {transform_indices = #map1}, {transform_indices = #map1}]} {
    %mul3A = arith.constant 2 : i32
    %mul3A_0 = arith.muli %arg1, %mul3A : i32
    %add3A = arith.addi %mul3A_0, %arg0 : i32
    %mul3A_1 = arith.constant 320 : i32
    %mul3A_2 = arith.muli %add3A, %mul3A_1 : i32
    "tpu.region"() ({
      %run_scoped3A = tpu.sem_alloc : memref<!tpu.dma_semaphore, #tpu.memory_space<semaphore_mem>>
      tpu.enqueue_dma source(%arg3 : memref<3x768xf32, #tpu.memory_space<hbm>>) target(%arg8 : memref<3x768xf32, #tpu.memory_space<vmem>>) target_semaphore(%run_scoped3A : memref<!tpu.dma_semaphore, #tpu.memory_space<semaphore_mem>>)
      tpu.wait_dma2 semaphore(%run_scoped3A : memref<!tpu.dma_semaphore, #tpu.memory_space<semaphore_mem>>) src(%arg3 : memref<3x768xf32, #tpu.memory_space<hbm>>) dst(%arg8 : memref<3x768xf32, #tpu.memory_space<vmem>>)
      tpu.yield
    }) : () -> ()
    %iota3A = tpu.iota {dimensions = array<i32: 0>} : vector<16xi32>
    %add3A_3 = arith.constant 0 : i32
    %add3A_4 = arith.addi %mul3A_2, %add3A_3 : i32
    %dma_start3A = arith.constant 0 : i32
    %dma_start3A_5 = tpu.memref_slice %arg2[%add3A_4, %dma_start3A] : memref<32768x768xf32, #tpu.memory_space<hbm>> -> memref<32x768xf32, #tpu.memory_space<hbm>>
    %dma_start3A_6 = arith.constant 0 : i32
    %dma_start3A_7 = tpu.memref_slice %arg2[%add3A_4, %dma_start3A_6] : memref<32768x768xf32, #tpu.memory_space<hbm>> -> memref<32x768xf32, #tpu.memory_space<hbm>>
    tpu.enqueue_dma source(%dma_start3A_7 : memref<32x768xf32, #tpu.memory_space<hbm>>) target(%arg9 : memref<32x768xf32, #tpu.memory_space<vmem>>) target_semaphore(%arg15 : memref<!tpu.dma_semaphore, #tpu.memory_space<semaphore_mem>>)
    %add3A_8 = arith.constant 32 : i32
    %add3A_9 = arith.addi %mul3A_2, %add3A_8 : i32
    %dma_start3A_10 = arith.constant 0 : i32
    %dma_start3A_11 = tpu.memref_slice %arg2[%add3A_9, %dma_start3A_10] : memref<32768x768xf32, #tpu.memory_space<hbm>> -> memref<32x768xf32, #tpu.memory_space<hbm>>
    %dma_start3A_12 = arith.constant 0 : i32
    %dma_start3A_13 = tpu.memref_slice %arg2[%add3A_9, %dma_start3A_12] : memref<32768x768xf32, #tpu.memory_space<hbm>> -> memref<32x768xf32, #tpu.memory_space<hbm>>
    tpu.enqueue_dma source(%dma_start3A_13 : memref<32x768xf32, #tpu.memory_space<hbm>>) target(%arg10 : memref<32x768xf32, #tpu.memory_space<vmem>>) target_semaphore(%arg16 : memref<!tpu.dma_semaphore, #tpu.memory_space<semaphore_mem>>)
    %scan3A = arith.constant 0 : i32
    %scan3A_14 = arith.constant 5 : i32
    %scan3A_15 = arith.addi %scan3A, %scan3A_14 : i32
    %scan3A_16 = arith.constant 1 : i32
    scf.for %scan3A_18 = %scan3A to %scan3A_15 step %scan3A_16  : i32 {
      %mul3A_19 = arith.constant 2 : i32
      %mul3A_20 = arith.muli %scan3A_18, %mul3A_19 : i32
      %add3A_21 = arith.constant 0 : i32
      %add3A_22 = arith.addi %add3A_21, %mul3A_20 : i32
      %dma_wait3A = arith.constant 0 : i32
      %dma_wait3A_23 = tpu.memref_slice %arg2[%mul3A_2, %dma_wait3A] : memref<32768x768xf32, #tpu.memory_space<hbm>> -> memref<32x768xf32, #tpu.memory_space<hbm>>
      %dma_wait3A_24 = arith.constant 0 : i32
      %dma_wait3A_25 = tpu.memref_slice %arg2[%mul3A_2, %dma_wait3A_24] : memref<32768x768xf32, #tpu.memory_space<hbm>> -> memref<32x768xf32, #tpu.memory_space<hbm>>
      tpu.wait_dma2 semaphore(%arg15 : memref<!tpu.dma_semaphore, #tpu.memory_space<semaphore_mem>>) src(%dma_wait3A_25 : memref<32x768xf32, #tpu.memory_space<hbm>>) dst(%arg9 : memref<32x768xf32, #tpu.memory_space<vmem>>)
      %broadcast_in_dim3A = arith.constant 0.000000e+00 : f32
      %broadcast_in_dim3A_26 = vector.broadcast %broadcast_in_dim3A : f32 to vector<16xf32>
      %scan3A_27 = arith.constant 0 : i32
      %scan3A_28 = arith.constant 2 : i32
      %scan3A_29 = arith.addi %scan3A_27, %scan3A_28 : i32
      %scan3A_30 = arith.constant 1 : i32
      scf.for %scan3A_56 = %scan3A_27 to %scan3A_29 step %scan3A_30  : i32 {
        %mul3A_57 = arith.constant 1 : i32
        %mul3A_58 = arith.muli %scan3A_56, %mul3A_57 : i32
        %add3A_59 = arith.constant 0 : i32
        %add3A_60 = arith.addi %add3A_59, %mul3A_58 : i32
        %scan3A_61 = arith.constant 0 : i32
        %scan3A_62 = arith.constant 48 : i32
        %scan3A_63 = arith.addi %scan3A_61, %scan3A_62 : i32
        %scan3A_64 = arith.constant 2 : i32
        %scan3A_65:24 = scf.for %scan3A_427 = %scan3A_61 to %scan3A_63 step %scan3A_64 iter_args(%scan3A_428 = %broadcast_in_dim3A_26, %scan3A_429 = %broadcast_in_dim3A_26, %scan3A_430 = %broadcast_in_dim3A_26, %scan3A_431 = %broadcast_in_dim3A_26, %scan3A_432 = %broadcast_in_dim3A_26, %scan3A_433 = %broadcast_in_dim3A_26, %scan3A_434 = %broadcast_in_dim3A_26, %scan3A_435 = %broadcast_in_dim3A_26, %scan3A_436 = %broadcast_in_dim3A_26, %scan3A_437 = %broadcast_in_dim3A_26, %scan3A_438 = %broadcast_in_dim3A_26, %scan3A_439 = %broadcast_in_dim3A_26, %scan3A_440 = %broadcast_in_dim3A_26, %scan3A_441 = %broadcast_in_dim3A_26, %scan3A_442 = %broadcast_in_dim3A_26, %scan3A_443 = %broadcast_in_dim3A_26, %scan3A_444 = %broadcast_in_dim3A_26, %scan3A_445 = %broadcast_in_dim3A_26, %scan3A_446 = %broadcast_in_dim3A_26, %scan3A_447 = %broadcast_in_dim3A_26, %scan3A_448 = %broadcast_in_dim3A_26, %scan3A_449 = %broadcast_in_dim3A_26, %scan3A_450 = %broadcast_in_dim3A_26, %scan3A_451 = %broadcast_in_dim3A_26) -> (vector<16xf32>, vector<16xf32>, vector<16xf32>, vector<16xf32>, vector<16xf32>, vector<16xf32>, vector<16xf32>, vector<16xf32>, vector<16xf32>, vector<16xf32>, vector<16xf32>, vector<16xf32>, vector<16xf32>, vector<16xf32>, vector<16xf32>, vector<16xf32>, vector<16xf32>, vector<16xf32>, vector<16xf32>, vector<16xf32>, vector<16xf32>, vector<16xf32>, vector<16xf32>, vector<16xf32>)  : i32 {
          %mul3A_452 = arith.constant 1 : i32
          %mul3A_453 = arith.muli %scan3A_427, %mul3A_452 : i32
          %add3A_454 = arith.constant 0 : i32
          %add3A_455 = arith.addi %add3A_454, %mul3A_453 : i32
          %mul3A_456 = arith.constant 16 : i32
          %mul3A_457 = arith.muli %add3A_455, %mul3A_456 : i32
          %get3A = arith.constant 0 : i32
          %get3A_458 = arith.index_cast %get3A : i32 to index
          %get3A_459 = arith.index_cast %mul3A_457 : i32 to index
          %get3A_460 = tpu.vector_load %arg8[%get3A_458, %get3A_459] {strides = array<i32>} : memref<3x768xf32, #tpu.memory_space<vmem>>, vector<16xf32>,
          %get3A_461 = arith.constant 1 : i32
          %get3A_462 = arith.index_cast %get3A_461 : i32 to index
          %get3A_463 = arith.index_cast %mul3A_457 : i32 to index
          %get3A_464 = tpu.vector_load %arg8[%get3A_462, %get3A_463] {strides = array<i32>} : memref<3x768xf32, #tpu.memory_space<vmem>>, vector<16xf32>,
          %get3A_465 = arith.constant 2 : i32
          %get3A_466 = arith.index_cast %get3A_465 : i32 to index
          %get3A_467 = arith.index_cast %mul3A_457 : i32 to index
          %get3A_468 = tpu.vector_load %arg8[%get3A_466, %get3A_467] {strides = array<i32>} : memref<3x768xf32, #tpu.memory_space<vmem>>, vector<16xf32>,
          %mul3A_469 = arith.constant 16 : i32
          %mul3A_470 = arith.muli %add3A_60, %mul3A_469 : i32
          %add3A_471 = arith.constant 0 : i32
          %add3A_472 = arith.addi %mul3A_470, %add3A_471 : i32
          %add3A_473 = arith.constant 0 : i32
          %add3A_474 = arith.addi %add3A_472, %add3A_473 : i32
          %get3A_475 = arith.index_cast %add3A_474 : i32 to index
          %get3A_476 = arith.index_cast %mul3A_457 : i32 to index
          %get3A_477 = tpu.vector_load %arg9[%get3A_475, %get3A_476] {strides = array<i32>} : memref<32x768xf32, #tpu.memory_space<vmem>>, vector<16xf32>,
          %mul3A_478 = arith.mulf %get3A_477, %get3A_460 : vector<16xf32>
          %add3A_479 = arith.addf %scan3A_428, %mul3A_478 : vector<16xf32>
          %mul3A_480 = arith.mulf %get3A_477, %get3A_464 : vector<16xf32>
          %add3A_481 = arith.addf %scan3A_429, %mul3A_480 : vector<16xf32>
          %mul3A_482 = arith.mulf %get3A_477, %get3A_468 : vector<16xf32>
          %add3A_483 = arith.addf %scan3A_430, %mul3A_482 : vector<16xf32>
          %add3A_484 = arith.constant 1 : i32
          %add3A_485 = arith.addi %add3A_472, %add3A_484 : i32
          %get3A_486 = arith.index_cast %add3A_485 : i32 to index
          %get3A_487 = arith.index_cast %mul3A_457 : i32 to index
          %get3A_488 = tpu.vector_load %arg9[%get3A_486, %get3A_487] {strides = array<i32>} : memref<32x768xf32, #tpu.memory_space<vmem>>, vector<16xf32>,
          %mul3A_489 = arith.mulf %get3A_488, %get3A_460 : vector<16xf32>
          %add3A_490 = arith.addf %scan3A_431, %mul3A_489 : vector<16xf32>
          %mul3A_491 = arith.mulf %get3A_488, %get3A_464 : vector<16xf32>
          %add3A_492 = arith.addf %scan3A_432, %mul3A_491 : vector<16xf32>
          %mul3A_493 = arith.mulf %get3A_488, %get3A_468 : vector<16xf32>
          %add3A_494 = arith.addf %scan3A_433, %mul3A_493 : vector<16xf32>
          %add3A_495 = arith.constant 2 : i32
          %add3A_496 = arith.addi %add3A_472, %add3A_495 : i32
          %get3A_497 = arith.index_cast %add3A_496 : i32 to index
          %get3A_498 = arith.index_cast %mul3A_457 : i32 to index
          %get3A_499 = tpu.vector_load %arg9[%get3A_497, %get3A_498] {strides = array<i32>} : memref<32x768xf32, #tpu.memory_space<vmem>>, vector<16xf32>,
          %mul3A_500 = arith.mulf %get3A_499, %get3A_460 : vector<16xf32>
          %add3A_501 = arith.addf %scan3A_434, %mul3A_500 : vector<16xf32>
          %mul3A_502 = arith.mulf %get3A_499, %get3A_464 : vector<16xf32>
          %add3A_503 = arith.addf %scan3A_435, %mul3A_502 : vector<16xf32>
          %mul3A_504 = arith.mulf %get3A_499, %get3A_468 : vector<16xf32>
          %add3A_505 = arith.addf %scan3A_436, %mul3A_504 : vector<16xf32>
          %add3A_506 = arith.constant 3 : i32
          %add3A_507 = arith.addi %add3A_472, %add3A_506 : i32
          %get3A_508 = arith.index_cast %add3A_507 : i32 to index
          %get3A_509 = arith.index_cast %mul3A_457 : i32 to index
          %get3A_510 = tpu.vector_load %arg9[%get3A_508, %get3A_509] {strides = array<i32>} : memref<32x768xf32, #tpu.memory_space<vmem>>, vector<16xf32>,
          %mul3A_511 = arith.mulf %get3A_510, %get3A_460 : vector<16xf32>
          %add3A_512 = arith.addf %scan3A_437, %mul3A_511 : vector<16xf32>
          %mul3A_513 = arith.mulf %get3A_510, %get3A_464 : vector<16xf32>
          %add3A_514 = arith.addf %scan3A_438, %mul3A_513 : vector<16xf32>
          %mul3A_515 = arith.mulf %get3A_510, %get3A_468 : vector<16xf32>
          %add3A_516 = arith.addf %scan3A_439, %mul3A_515 : vector<16xf32>
          %add3A_517 = arith.constant 4 : i32
          %add3A_518 = arith.addi %add3A_472, %add3A_517 : i32
          %get3A_519 = arith.index_cast %add3A_518 : i32 to index
          %get3A_520 = arith.index_cast %mul3A_457 : i32 to index
          %get3A_521 = tpu.vector_load %arg9[%get3A_519, %get3A_520] {strides = array<i32>} : memref<32x768xf32, #tpu.memory_space<vmem>>, vector<16xf32>,
          %mul3A_522 = arith.mulf %get3A_521, %get3A_460 : vector<16xf32>
          %add3A_523 = arith.addf %scan3A_440, %mul3A_522 : vector<16xf32>
          %mul3A_524 = arith.mulf %get3A_521, %get3A_464 : vector<16xf32>
          %add3A_525 = arith.addf %scan3A_441, %mul3A_524 : vector<16xf32>
          %mul3A_526 = arith.mulf %get3A_521, %get3A_468 : vector<16xf32>
          %add3A_527 = arith.addf %scan3A_442, %mul3A_526 : vector<16xf32>
          %add3A_528 = arith.constant 5 : i32
          %add3A_529 = arith.addi %add3A_472, %add3A_528 : i32
          %get3A_530 = arith.index_cast %add3A_529 : i32 to index
          %get3A_531 = arith.index_cast %mul3A_457 : i32 to index
          %get3A_532 = tpu.vector_load %arg9[%get3A_530, %get3A_531] {strides = array<i32>} : memref<32x768xf32, #tpu.memory_space<vmem>>, vector<16xf32>,
          %mul3A_533 = arith.mulf %get3A_532, %get3A_460 : vector<16xf32>
          %add3A_534 = arith.addf %scan3A_443, %mul3A_533 : vector<16xf32>
          %mul3A_535 = arith.mulf %get3A_532, %get3A_464 : vector<16xf32>
          %add3A_536 = arith.addf %scan3A_444, %mul3A_535 : vector<16xf32>
          %mul3A_537 = arith.mulf %get3A_532, %get3A_468 : vector<16xf32>
          %add3A_538 = arith.addf %scan3A_445, %mul3A_537 : vector<16xf32>
          %add3A_539 = arith.constant 6 : i32
          %add3A_540 = arith.addi %add3A_472, %add3A_539 : i32
          %get3A_541 = arith.index_cast %add3A_540 : i32 to index
          %get3A_542 = arith.index_cast %mul3A_457 : i32 to index
          %get3A_543 = tpu.vector_load %arg9[%get3A_541, %get3A_542] {strides = array<i32>} : memref<32x768xf32, #tpu.memory_space<vmem>>, vector<16xf32>,
          %mul3A_544 = arith.mulf %get3A_543, %get3A_460 : vector<16xf32>
          %add3A_545 = arith.addf %scan3A_446, %mul3A_544 : vector<16xf32>
          %mul3A_546 = arith.mulf %get3A_543, %get3A_464 : vector<16xf32>
          %add3A_547 = arith.addf %scan3A_447, %mul3A_546 : vector<16xf32>
          %mul3A_548 = arith.mulf %get3A_543, %get3A_468 : vector<16xf32>
          %add3A_549 = arith.addf %scan3A_448, %mul3A_548 : vector<16xf32>
          %add3A_550 = arith.constant 7 : i32
          %add3A_551 = arith.addi %add3A_472, %add3A_550 : i32
          %get3A_552 = arith.index_cast %add3A_551 : i32 to index
          %get3A_553 = arith.index_cast %mul3A_457 : i32 to index
          %get3A_554 = tpu.vector_load %arg9[%get3A_552, %get3A_553] {strides = array<i32>} : memref<32x768xf32, #tpu.memory_space<vmem>>, vector<16xf32>,
          %mul3A_555 = arith.mulf %get3A_554, %get3A_460 : vector<16xf32>
          %add3A_556 = arith.addf %scan3A_449, %mul3A_555 : vector<16xf32>
          %mul3A_557 = arith.mulf %get3A_554, %get3A_464 : vector<16xf32>
          %add3A_558 = arith.addf %scan3A_450, %mul3A_557 : vector<16xf32>
          %mul3A_559 = arith.mulf %get3A_554, %get3A_468 : vector<16xf32>
          %add3A_560 = arith.addf %scan3A_451, %mul3A_559 : vector<16xf32>
          %scan3A_561 = arith.constant 1 : i32
          %scan3A_562 = arith.addi %scan3A_427, %scan3A_561 : i32
          %mul3A_563 = arith.constant 1 : i32
          %mul3A_564 = arith.muli %scan3A_562, %mul3A_563 : i32
          %add3A_565 = arith.constant 0 : i32
          %add3A_566 = arith.addi %add3A_565, %mul3A_564 : i32
          %mul3A_567 = arith.constant 16 : i32
          %mul3A_568 = arith.muli %add3A_566, %mul3A_567 : i32
          %get3A_569 = arith.constant 0 : i32
          %get3A_570 = arith.index_cast %get3A_569 : i32 to index
          %get3A_571 = arith.index_cast %mul3A_568 : i32 to index
          %get3A_572 = tpu.vector_load %arg8[%get3A_570, %get3A_571] {strides = array<i32>} : memref<3x768xf32, #tpu.memory_space<vmem>>, vector<16xf32>,
          %get3A_573 = arith.constant 1 : i32
          %get3A_574 = arith.index_cast %get3A_573 : i32 to index
          %get3A_575 = arith.index_cast %mul3A_568 : i32 to index
          %get3A_576 = tpu.vector_load %arg8[%get3A_574, %get3A_575] {strides = array<i32>} : memref<3x768xf32, #tpu.memory_space<vmem>>, vector<16xf32>,
          %get3A_577 = arith.constant 2 : i32
          %get3A_578 = arith.index_cast %get3A_577 : i32 to index
          %get3A_579 = arith.index_cast %mul3A_568 : i32 to index
          %get3A_580 = tpu.vector_load %arg8[%get3A_578, %get3A_579] {strides = array<i32>} : memref<3x768xf32, #tpu.memory_space<vmem>>, vector<16xf32>,
          %mul3A_581 = arith.constant 16 : i32
          %mul3A_582 = arith.muli %add3A_60, %mul3A_581 : i32
          %add3A_583 = arith.constant 0 : i32
          %add3A_584 = arith.addi %mul3A_582, %add3A_583 : i32
          %add3A_585 = arith.constant 0 : i32
          %add3A_586 = arith.addi %add3A_584, %add3A_585 : i32
          %get3A_587 = arith.index_cast %add3A_586 : i32 to index
          %get3A_588 = arith.index_cast %mul3A_568 : i32 to index
          %get3A_589 = tpu.vector_load %arg9[%get3A_587, %get3A_588] {strides = array<i32>} : memref<32x768xf32, #tpu.memory_space<vmem>>, vector<16xf32>,
          %mul3A_590 = arith.mulf %get3A_589, %get3A_572 : vector<16xf32>
          %add3A_591 = arith.addf %add3A_479, %mul3A_590 : vector<16xf32>
          %mul3A_592 = arith.mulf %get3A_589, %get3A_576 : vector<16xf32>
          %add3A_593 = arith.addf %add3A_481, %mul3A_592 : vector<16xf32>
          %mul3A_594 = arith.mulf %get3A_589, %get3A_580 : vector<16xf32>
          %add3A_595 = arith.addf %add3A_483, %mul3A_594 : vector<16xf32>
          %add3A_596 = arith.constant 1 : i32
          %add3A_597 = arith.addi %add3A_584, %add3A_596 : i32
          %get3A_598 = arith.index_cast %add3A_597 : i32 to index
          %get3A_599 = arith.index_cast %mul3A_568 : i32 to index
          %get3A_600 = tpu.vector_load %arg9[%get3A_598, %get3A_599] {strides = array<i32>} : memref<32x768xf32, #tpu.memory_space<vmem>>, vector<16xf32>,
          %mul3A_601 = arith.mulf %get3A_600, %get3A_572 : vector<16xf32>
          %add3A_602 = arith.addf %add3A_490, %mul3A_601 : vector<16xf32>
          %mul3A_603 = arith.mulf %get3A_600, %get3A_576 : vector<16xf32>
          %add3A_604 = arith.addf %add3A_492, %mul3A_603 : vector<16xf32>
          %mul3A_605 = arith.mulf %get3A_600, %get3A_580 : vector<16xf32>
          %add3A_606 = arith.addf %add3A_494, %mul3A_605 : vector<16xf32>
          %add3A_607 = arith.constant 2 : i32
          %add3A_608 = arith.addi %add3A_584, %add3A_607 : i32
          %get3A_609 = arith.index_cast %add3A_608 : i32 to index
          %get3A_610 = arith.index_cast %mul3A_568 : i32 to index
          %get3A_611 = tpu.vector_load %arg9[%get3A_609, %get3A_610] {strides = array<i32>} : memref<32x768xf32, #tpu.memory_space<vmem>>, vector<16xf32>,
          %mul3A_612 = arith.mulf %get3A_611, %get3A_572 : vector<16xf32>
          %add3A_613 = arith.addf %add3A_501, %mul3A_612 : vector<16xf32>
          %mul3A_614 = arith.mulf %get3A_611, %get3A_576 : vector<16xf32>
          %add3A_615 = arith.addf %add3A_503, %mul3A_614 : vector<16xf32>
          %mul3A_616 = arith.mulf %get3A_611, %get3A_580 : vector<16xf32>
          %add3A_617 = arith.addf %add3A_505, %mul3A_616 : vector<16xf32>
          %add3A_618 = arith.constant 3 : i32
          %add3A_619 = arith.addi %add3A_584, %add3A_618 : i32
          %get3A_620 = arith.index_cast %add3A_619 : i32 to index
          %get3A_621 = arith.index_cast %mul3A_568 : i32 to index
          %get3A_622 = tpu.vector_load %arg9[%get3A_620, %get3A_621] {strides = array<i32>} : memref<32x768xf32, #tpu.memory_space<vmem>>, vector<16xf32>,
          %mul3A_623 = arith.mulf %get3A_622, %get3A_572 : vector<16xf32>
          %add3A_624 = arith.addf %add3A_512, %mul3A_623 : vector<16xf32>
          %mul3A_625 = arith.mulf %get3A_622, %get3A_576 : vector<16xf32>
          %add3A_626 = arith.addf %add3A_514, %mul3A_625 : vector<16xf32>
          %mul3A_627 = arith.mulf %get3A_622, %get3A_580 : vector<16xf32>
          %add3A_628 = arith.addf %add3A_516, %mul3A_627 : vector<16xf32>
          %add3A_629 = arith.constant 4 : i32
          %add3A_630 = arith.addi %add3A_584, %add3A_629 : i32
          %get3A_631 = arith.index_cast %add3A_630 : i32 to index
          %get3A_632 = arith.index_cast %mul3A_568 : i32 to index
          %get3A_633 = tpu.vector_load %arg9[%get3A_631, %get3A_632] {strides = array<i32>} : memref<32x768xf32, #tpu.memory_space<vmem>>, vector<16xf32>,
          %mul3A_634 = arith.mulf %get3A_633, %get3A_572 : vector<16xf32>
          %add3A_635 = arith.addf %add3A_523, %mul3A_634 : vector<16xf32>
          %mul3A_636 = arith.mulf %get3A_633, %get3A_576 : vector<16xf32>
          %add3A_637 = arith.addf %add3A_525, %mul3A_636 : vector<16xf32>
          %mul3A_638 = arith.mulf %get3A_633, %get3A_580 : vector<16xf32>
          %add3A_639 = arith.addf %add3A_527, %mul3A_638 : vector<16xf32>
          %add3A_640 = arith.constant 5 : i32
          %add3A_641 = arith.addi %add3A_584, %add3A_640 : i32
          %get3A_642 = arith.index_cast %add3A_641 : i32 to index
          %get3A_643 = arith.index_cast %mul3A_568 : i32 to index
          %get3A_644 = tpu.vector_load %arg9[%get3A_642, %get3A_643] {strides = array<i32>} : memref<32x768xf32, #tpu.memory_space<vmem>>, vector<16xf32>,
          %mul3A_645 = arith.mulf %get3A_644, %get3A_572 : vector<16xf32>
          %add3A_646 = arith.addf %add3A_534, %mul3A_645 : vector<16xf32>
          %mul3A_647 = arith.mulf %get3A_644, %get3A_576 : vector<16xf32>
          %add3A_648 = arith.addf %add3A_536, %mul3A_647 : vector<16xf32>
          %mul3A_649 = arith.mulf %get3A_644, %get3A_580 : vector<16xf32>
          %add3A_650 = arith.addf %add3A_538, %mul3A_649 : vector<16xf32>
          %add3A_651 = arith.constant 6 : i32
          %add3A_652 = arith.addi %add3A_584, %add3A_651 : i32
          %get3A_653 = arith.index_cast %add3A_652 : i32 to index
          %get3A_654 = arith.index_cast %mul3A_568 : i32 to index
          %get3A_655 = tpu.vector_load %arg9[%get3A_653, %get3A_654] {strides = array<i32>} : memref<32x768xf32, #tpu.memory_space<vmem>>, vector<16xf32>,
          %mul3A_656 = arith.mulf %get3A_655, %get3A_572 : vector<16xf32>
          %add3A_657 = arith.addf %add3A_545, %mul3A_656 : vector<16xf32>
          %mul3A_658 = arith.mulf %get3A_655, %get3A_576 : vector<16xf32>
          %add3A_659 = arith.addf %add3A_547, %mul3A_658 : vector<16xf32>
          %mul3A_660 = arith.mulf %get3A_655, %get3A_580 : vector<16xf32>
          %add3A_661 = arith.addf %add3A_549, %mul3A_660 : vector<16xf32>
          %add3A_662 = arith.constant 7 : i32
          %add3A_663 = arith.addi %add3A_584, %add3A_662 : i32
          %get3A_664 = arith.index_cast %add3A_663 : i32 to index
          %get3A_665 = arith.index_cast %mul3A_568 : i32 to index
          %get3A_666 = tpu.vector_load %arg9[%get3A_664, %get3A_665] {strides = array<i32>} : memref<32x768xf32, #tpu.memory_space<vmem>>, vector<16xf32>,
          %mul3A_667 = arith.mulf %get3A_666, %get3A_572 : vector<16xf32>
          %add3A_668 = arith.addf %add3A_556, %mul3A_667 : vector<16xf32>
          %mul3A_669 = arith.mulf %get3A_666, %get3A_576 : vector<16xf32>
          %add3A_670 = arith.addf %add3A_558, %mul3A_669 : vector<16xf32>
          %mul3A_671 = arith.mulf %get3A_666, %get3A_580 : vector<16xf32>
          %add3A_672 = arith.addf %add3A_560, %mul3A_671 : vector<16xf32>
          scf.yield %add3A_591, %add3A_593, %add3A_595, %add3A_602, %add3A_604, %add3A_606, %add3A_613, %add3A_615, %add3A_617, %add3A_624, %add3A_626, %add3A_628, %add3A_635, %add3A_637, %add3A_639, %add3A_646, %add3A_648, %add3A_650, %add3A_657, %add3A_659, %add3A_661, %add3A_668, %add3A_670, %add3A_672 : vector<16xf32>, vector<16xf32>, vector<16xf32>, vector<16xf32>, vector<16xf32>, vector<16xf32>, vector<16xf32>, vector<16xf32>, vector<16xf32>, vector<16xf32>, vector<16xf32>, vector<16xf32>, vector<16xf32>, vector<16xf32>, vector<16xf32>, vector<16xf32>, vector<16xf32>, vector<16xf32>, vector<16xf32>, vector<16xf32>, vector<16xf32>, vector<16xf32>, vector<16xf32>, vector<16xf32>
        }
        %scan3A_66 = arith.constant 48 : i32
        %eq3A = arith.constant 0 : i32
        %eq3A_67 = vector.broadcast %eq3A : i32 to vector<16xi32>
        %eq3A_68 = arith.cmpi eq, %iota3A, %eq3A_67 : vector<16xi32>
        %reduce_sum3A = arith.constant true
        %reduce_sum3A_69 = vector.broadcast %reduce_sum3A : i1 to vector<16xi1>
        %reduce_sum3A_70 = tpu.scan <sum>, %scan3A_65#0 masked %reduce_sum3A_69 : vector<16xf32>, vector<16xi1> -> vector<16xf32>
        %reduce_sum3A_71 = vector.extract %reduce_sum3A_70[15] : f32 from vector<16xf32>
        %broadcast_in_dim3A_72 = vector.broadcast %reduce_sum3A_71 : f32 to vector<16xf32>
        %select_n3A = arith.select %eq3A_68, %broadcast_in_dim3A_72, %broadcast_in_dim3A_26 : vector<16xi1>, vector<16xf32>
        %reduce_sum3A_73 = arith.constant true
        %reduce_sum3A_74 = vector.broadcast %reduce_sum3A_73 : i1 to vector<16xi1>
        %reduce_sum3A_75 = tpu.scan <sum>, %scan3A_65#1 masked %reduce_sum3A_74 : vector<16xf32>, vector<16xi1> -> vector<16xf32>
        %reduce_sum3A_76 = vector.extract %reduce_sum3A_75[15] : f32 from vector<16xf32>
        %broadcast_in_dim3A_77 = vector.broadcast %reduce_sum3A_76 : f32 to vector<16xf32>
        %select_n3A_78 = arith.select %eq3A_68, %broadcast_in_dim3A_77, %broadcast_in_dim3A_26 : vector<16xi1>, vector<16xf32>
        %reduce_sum3A_79 = arith.constant true
        %reduce_sum3A_80 = vector.broadcast %reduce_sum3A_79 : i1 to vector<16xi1>
        %reduce_sum3A_81 = tpu.scan <sum>, %scan3A_65#2 masked %reduce_sum3A_80 : vector<16xf32>, vector<16xi1> -> vector<16xf32>
        %reduce_sum3A_82 = vector.extract %reduce_sum3A_81[15] : f32 from vector<16xf32>
        %broadcast_in_dim3A_83 = vector.broadcast %reduce_sum3A_82 : f32 to vector<16xf32>
        %select_n3A_84 = arith.select %eq3A_68, %broadcast_in_dim3A_83, %broadcast_in_dim3A_26 : vector<16xi1>, vector<16xf32>
        %eq3A_85 = arith.constant 1 : i32
        %eq3A_86 = vector.broadcast %eq3A_85 : i32 to vector<16xi32>
        %eq3A_87 = arith.cmpi eq, %iota3A, %eq3A_86 : vector<16xi32>
        %reduce_sum3A_88 = arith.constant true
        %reduce_sum3A_89 = vector.broadcast %reduce_sum3A_88 : i1 to vector<16xi1>
        %reduce_sum3A_90 = tpu.scan <sum>, %scan3A_65#3 masked %reduce_sum3A_89 : vector<16xf32>, vector<16xi1> -> vector<16xf32>
        %reduce_sum3A_91 = vector.extract %reduce_sum3A_90[15] : f32 from vector<16xf32>
        %broadcast_in_dim3A_92 = vector.broadcast %reduce_sum3A_91 : f32 to vector<16xf32>
        %select_n3A_93 = arith.select %eq3A_87, %broadcast_in_dim3A_92, %select_n3A : vector<16xi1>, vector<16xf32>
        %reduce_sum3A_94 = arith.constant true
        %reduce_sum3A_95 = vector.broadcast %reduce_sum3A_94 : i1 to vector<16xi1>
        %reduce_sum3A_96 = tpu.scan <sum>, %scan3A_65#4 masked %reduce_sum3A_95 : vector<16xf32>, vector<16xi1> -> vector<16xf32>
        %reduce_sum3A_97 = vector.extract %reduce_sum3A_96[15] : f32 from vector<16xf32>
        %broadcast_in_dim3A_98 = vector.broadcast %reduce_sum3A_97 : f32 to vector<16xf32>
        %select_n3A_99 = arith.select %eq3A_87, %broadcast_in_dim3A_98, %select_n3A_78 : vector<16xi1>, vector<16xf32>
        %reduce_sum3A_100 = arith.constant true
        %reduce_sum3A_101 = vector.broadcast %reduce_sum3A_100 : i1 to vector<16xi1>
        %reduce_sum3A_102 = tpu.scan <sum>, %scan3A_65#5 masked %reduce_sum3A_101 : vector<16xf32>, vector<16xi1> -> vector<16xf32>
        %reduce_sum3A_103 = vector.extract %reduce_sum3A_102[15] : f32 from vector<16xf32>
        %broadcast_in_dim3A_104 = vector.broadcast %reduce_sum3A_103 : f32 to vector<16xf32>
        %select_n3A_105 = arith.select %eq3A_87, %broadcast_in_dim3A_104, %select_n3A_84 : vector<16xi1>, vector<16xf32>
        %eq3A_106 = arith.constant 2 : i32
        %eq3A_107 = vector.broadcast %eq3A_106 : i32 to vector<16xi32>
        %eq3A_108 = arith.cmpi eq, %iota3A, %eq3A_107 : vector<16xi32>
        %reduce_sum3A_109 = arith.constant true
        %reduce_sum3A_110 = vector.broadcast %reduce_sum3A_109 : i1 to vector<16xi1>
        %reduce_sum3A_111 = tpu.scan <sum>, %scan3A_65#6 masked %reduce_sum3A_110 : vector<16xf32>, vector<16xi1> -> vector<16xf32>
        %reduce_sum3A_112 = vector.extract %reduce_sum3A_111[15] : f32 from vector<16xf32>
        %broadcast_in_dim3A_113 = vector.broadcast %reduce_sum3A_112 : f32 to vector<16xf32>
        %select_n3A_114 = arith.select %eq3A_108, %broadcast_in_dim3A_113, %select_n3A_93 : vector<16xi1>, vector<16xf32>
        %reduce_sum3A_115 = arith.constant true
        %reduce_sum3A_116 = vector.broadcast %reduce_sum3A_115 : i1 to vector<16xi1>
        %reduce_sum3A_117 = tpu.scan <sum>, %scan3A_65#7 masked %reduce_sum3A_116 : vector<16xf32>, vector<16xi1> -> vector<16xf32>
        %reduce_sum3A_118 = vector.extract %reduce_sum3A_117[15] : f32 from vector<16xf32>
        %broadcast_in_dim3A_119 = vector.broadcast %reduce_sum3A_118 : f32 to vector<16xf32>
        %select_n3A_120 = arith.select %eq3A_108, %broadcast_in_dim3A_119, %select_n3A_99 : vector<16xi1>, vector<16xf32>
        %reduce_sum3A_121 = arith.constant true
        %reduce_sum3A_122 = vector.broadcast %reduce_sum3A_121 : i1 to vector<16xi1>
        %reduce_sum3A_123 = tpu.scan <sum>, %scan3A_65#8 masked %reduce_sum3A_122 : vector<16xf32>, vector<16xi1> -> vector<16xf32>
        %reduce_sum3A_124 = vector.extract %reduce_sum3A_123[15] : f32 from vector<16xf32>
        %broadcast_in_dim3A_125 = vector.broadcast %reduce_sum3A_124 : f32 to vector<16xf32>
        %select_n3A_126 = arith.select %eq3A_108, %broadcast_in_dim3A_125, %select_n3A_105 : vector<16xi1>, vector<16xf32>
        %eq3A_127 = arith.constant 3 : i32
        %eq3A_128 = vector.broadcast %eq3A_127 : i32 to vector<16xi32>
        %eq3A_129 = arith.cmpi eq, %iota3A, %eq3A_128 : vector<16xi32>
        %reduce_sum3A_130 = arith.constant true
        %reduce_sum3A_131 = vector.broadcast %reduce_sum3A_130 : i1 to vector<16xi1>
        %reduce_sum3A_132 = tpu.scan <sum>, %scan3A_65#9 masked %reduce_sum3A_131 : vector<16xf32>, vector<16xi1> -> vector<16xf32>
        %reduce_sum3A_133 = vector.extract %reduce_sum3A_132[15] : f32 from vector<16xf32>
        %broadcast_in_dim3A_134 = vector.broadcast %reduce_sum3A_133 : f32 to vector<16xf32>
        %select_n3A_135 = arith.select %eq3A_129, %broadcast_in_dim3A_134, %select_n3A_114 : vector<16xi1>, vector<16xf32>
        %reduce_sum3A_136 = arith.constant true
        %reduce_sum3A_137 = vector.broadcast %reduce_sum3A_136 : i1 to vector<16xi1>
        %reduce_sum3A_138 = tpu.scan <sum>, %scan3A_65#10 masked %reduce_sum3A_137 : vector<16xf32>, vector<16xi1> -> vector<16xf32>
        %reduce_sum3A_139 = vector.extract %reduce_sum3A_138[15] : f32 from vector<16xf32>
        %broadcast_in_dim3A_140 = vector.broadcast %reduce_sum3A_139 : f32 to vector<16xf32>
        %select_n3A_141 = arith.select %eq3A_129, %broadcast_in_dim3A_140, %select_n3A_120 : vector<16xi1>, vector<16xf32>
        %reduce_sum3A_142 = arith.constant true
        %reduce_sum3A_143 = vector.broadcast %reduce_sum3A_142 : i1 to vector<16xi1>
        %reduce_sum3A_144 = tpu.scan <sum>, %scan3A_65#11 masked %reduce_sum3A_143 : vector<16xf32>, vector<16xi1> -> vector<16xf32>
        %reduce_sum3A_145 = vector.extract %reduce_sum3A_144[15] : f32 from vector<16xf32>
        %broadcast_in_dim3A_146 = vector.broadcast %reduce_sum3A_145 : f32 to vector<16xf32>
        %select_n3A_147 = arith.select %eq3A_129, %broadcast_in_dim3A_146, %select_n3A_126 : vector<16xi1>, vector<16xf32>
        %eq3A_148 = arith.constant 4 : i32
        %eq3A_149 = vector.broadcast %eq3A_148 : i32 to vector<16xi32>
        %eq3A_150 = arith.cmpi eq, %iota3A, %eq3A_149 : vector<16xi32>
        %reduce_sum3A_151 = arith.constant true
        %reduce_sum3A_152 = vector.broadcast %reduce_sum3A_151 : i1 to vector<16xi1>
        %reduce_sum3A_153 = tpu.scan <sum>, %scan3A_65#12 masked %reduce_sum3A_152 : vector<16xf32>, vector<16xi1> -> vector<16xf32>
        %reduce_sum3A_154 = vector.extract %reduce_sum3A_153[15] : f32 from vector<16xf32>
        %broadcast_in_dim3A_155 = vector.broadcast %reduce_sum3A_154 : f32 to vector<16xf32>
        %select_n3A_156 = arith.select %eq3A_150, %broadcast_in_dim3A_155, %select_n3A_135 : vector<16xi1>, vector<16xf32>
        %reduce_sum3A_157 = arith.constant true
        %reduce_sum3A_158 = vector.broadcast %reduce_sum3A_157 : i1 to vector<16xi1>
        %reduce_sum3A_159 = tpu.scan <sum>, %scan3A_65#13 masked %reduce_sum3A_158 : vector<16xf32>, vector<16xi1> -> vector<16xf32>
        %reduce_sum3A_160 = vector.extract %reduce_sum3A_159[15] : f32 from vector<16xf32>
        %broadcast_in_dim3A_161 = vector.broadcast %reduce_sum3A_160 : f32 to vector<16xf32>
        %select_n3A_162 = arith.select %eq3A_150, %broadcast_in_dim3A_161, %select_n3A_141 : vector<16xi1>, vector<16xf32>
        %reduce_sum3A_163 = arith.constant true
        %reduce_sum3A_164 = vector.broadcast %reduce_sum3A_163 : i1 to vector<16xi1>
        %reduce_sum3A_165 = tpu.scan <sum>, %scan3A_65#14 masked %reduce_sum3A_164 : vector<16xf32>, vector<16xi1> -> vector<16xf32>
        %reduce_sum3A_166 = vector.extract %reduce_sum3A_165[15] : f32 from vector<16xf32>
        %broadcast_in_dim3A_167 = vector.broadcast %reduce_sum3A_166 : f32 to vector<16xf32>
        %select_n3A_168 = arith.select %eq3A_150, %broadcast_in_dim3A_167, %select_n3A_147 : vector<16xi1>, vector<16xf32>
        %eq3A_169 = arith.constant 5 : i32
        %eq3A_170 = vector.broadcast %eq3A_169 : i32 to vector<16xi32>
        %eq3A_171 = arith.cmpi eq, %iota3A, %eq3A_170 : vector<16xi32>
        %reduce_sum3A_172 = arith.constant true
        %reduce_sum3A_173 = vector.broadcast %reduce_sum3A_172 : i1 to vector<16xi1>
        %reduce_sum3A_174 = tpu.scan <sum>, %scan3A_65#15 masked %reduce_sum3A_173 : vector<16xf32>, vector<16xi1> -> vector<16xf32>
        %reduce_sum3A_175 = vector.extract %reduce_sum3A_174[15] : f32 from vector<16xf32>
        %broadcast_in_dim3A_176 = vector.broadcast %reduce_sum3A_175 : f32 to vector<16xf32>
        %select_n3A_177 = arith.select %eq3A_171, %broadcast_in_dim3A_176, %select_n3A_156 : vector<16xi1>, vector<16xf32>
        %reduce_sum3A_178 = arith.constant true
        %reduce_sum3A_179 = vector.broadcast %reduce_sum3A_178 : i1 to vector<16xi1>
        %reduce_sum3A_180 = tpu.scan <sum>, %scan3A_65#16 masked %reduce_sum3A_179 : vector<16xf32>, vector<16xi1> -> vector<16xf32>
        %reduce_sum3A_181 = vector.extract %reduce_sum3A_180[15] : f32 from vector<16xf32>
        %broadcast_in_dim3A_182 = vector.broadcast %reduce_sum3A_181 : f32 to vector<16xf32>
        %select_n3A_183 = arith.select %eq3A_171, %broadcast_in_dim3A_182, %select_n3A_162 : vector<16xi1>, vector<16xf32>
        %reduce_sum3A_184 = arith.constant true
        %reduce_sum3A_185 = vector.broadcast %reduce_sum3A_184 : i1 to vector<16xi1>
        %reduce_sum3A_186 = tpu.scan <sum>, %scan3A_65#17 masked %reduce_sum3A_185 : vector<16xf32>, vector<16xi1> -> vector<16xf32>
        %reduce_sum3A_187 = vector.extract %reduce_sum3A_186[15] : f32 from vector<16xf32>
        %broadcast_in_dim3A_188 = vector.broadcast %reduce_sum3A_187 : f32 to vector<16xf32>
        %select_n3A_189 = arith.select %eq3A_171, %broadcast_in_dim3A_188, %select_n3A_168 : vector<16xi1>, vector<16xf32>
        %eq3A_190 = arith.constant 6 : i32
        %eq3A_191 = vector.broadcast %eq3A_190 : i32 to vector<16xi32>
        %eq3A_192 = arith.cmpi eq, %iota3A, %eq3A_191 : vector<16xi32>
        %reduce_sum3A_193 = arith.constant true
        %reduce_sum3A_194 = vector.broadcast %reduce_sum3A_193 : i1 to vector<16xi1>
        %reduce_sum3A_195 = tpu.scan <sum>, %scan3A_65#18 masked %reduce_sum3A_194 : vector<16xf32>, vector<16xi1> -> vector<16xf32>
        %reduce_sum3A_196 = vector.extract %reduce_sum3A_195[15] : f32 from vector<16xf32>
        %broadcast_in_dim3A_197 = vector.broadcast %reduce_sum3A_196 : f32 to vector<16xf32>
        %select_n3A_198 = arith.select %eq3A_192, %broadcast_in_dim3A_197, %select_n3A_177 : vector<16xi1>, vector<16xf32>
        %reduce_sum3A_199 = arith.constant true
        %reduce_sum3A_200 = vector.broadcast %reduce_sum3A_199 : i1 to vector<16xi1>
        %reduce_sum3A_201 = tpu.scan <sum>, %scan3A_65#19 masked %reduce_sum3A_200 : vector<16xf32>, vector<16xi1> -> vector<16xf32>
        %reduce_sum3A_202 = vector.extract %reduce_sum3A_201[15] : f32 from vector<16xf32>
        %broadcast_in_dim3A_203 = vector.broadcast %reduce_sum3A_202 : f32 to vector<16xf32>
        %select_n3A_204 = arith.select %eq3A_192, %broadcast_in_dim3A_203, %select_n3A_183 : vector<16xi1>, vector<16xf32>
        %reduce_sum3A_205 = arith.constant true
        %reduce_sum3A_206 = vector.broadcast %reduce_sum3A_205 : i1 to vector<16xi1>
        %reduce_sum3A_207 = tpu.scan <sum>, %scan3A_65#20 masked %reduce_sum3A_206 : vector<16xf32>, vector<16xi1> -> vector<16xf32>
        %reduce_sum3A_208 = vector.extract %reduce_sum3A_207[15] : f32 from vector<16xf32>
        %broadcast_in_dim3A_209 = vector.broadcast %reduce_sum3A_208 : f32 to vector<16xf32>
        %select_n3A_210 = arith.select %eq3A_192, %broadcast_in_dim3A_209, %select_n3A_189 : vector<16xi1>, vector<16xf32>
        %eq3A_211 = arith.constant 7 : i32
        %eq3A_212 = vector.broadcast %eq3A_211 : i32 to vector<16xi32>
        %eq3A_213 = arith.cmpi eq, %iota3A, %eq3A_212 : vector<16xi32>
        %reduce_sum3A_214 = arith.constant true
        %reduce_sum3A_215 = vector.broadcast %reduce_sum3A_214 : i1 to vector<16xi1>
        %reduce_sum3A_216 = tpu.scan <sum>, %scan3A_65#21 masked %reduce_sum3A_215 : vector<16xf32>, vector<16xi1> -> vector<16xf32>
        %reduce_sum3A_217 = vector.extract %reduce_sum3A_216[15] : f32 from vector<16xf32>
        %broadcast_in_dim3A_218 = vector.broadcast %reduce_sum3A_217 : f32 to vector<16xf32>
        %select_n3A_219 = arith.select %eq3A_213, %broadcast_in_dim3A_218, %select_n3A_198 : vector<16xi1>, vector<16xf32>
        %reduce_sum3A_220 = arith.constant true
        %reduce_sum3A_221 = vector.broadcast %reduce_sum3A_220 : i1 to vector<16xi1>
        %reduce_sum3A_222 = tpu.scan <sum>, %scan3A_65#22 masked %reduce_sum3A_221 : vector<16xf32>, vector<16xi1> -> vector<16xf32>
        %reduce_sum3A_223 = vector.extract %reduce_sum3A_222[15] : f32 from vector<16xf32>
        %broadcast_in_dim3A_224 = vector.broadcast %reduce_sum3A_223 : f32 to vector<16xf32>
        %select_n3A_225 = arith.select %eq3A_213, %broadcast_in_dim3A_224, %select_n3A_204 : vector<16xi1>, vector<16xf32>
        %reduce_sum3A_226 = arith.constant true
        %reduce_sum3A_227 = vector.broadcast %reduce_sum3A_226 : i1 to vector<16xi1>
        %reduce_sum3A_228 = tpu.scan <sum>, %scan3A_65#23 masked %reduce_sum3A_227 : vector<16xf32>, vector<16xi1> -> vector<16xf32>
        %reduce_sum3A_229 = vector.extract %reduce_sum3A_228[15] : f32 from vector<16xf32>
        %broadcast_in_dim3A_230 = vector.broadcast %reduce_sum3A_229 : f32 to vector<16xf32>
        %select_n3A_231 = arith.select %eq3A_213, %broadcast_in_dim3A_230, %select_n3A_210 : vector<16xi1>, vector<16xf32>
        %scan3A_232 = arith.constant 0 : i32
        %scan3A_233 = arith.constant 48 : i32
        %scan3A_234 = arith.addi %scan3A_232, %scan3A_233 : i32
        %scan3A_235 = arith.constant 2 : i32
        %scan3A_236:24 = scf.for %scan3A_427 = %scan3A_232 to %scan3A_234 step %scan3A_235 iter_args(%scan3A_428 = %broadcast_in_dim3A_26, %scan3A_429 = %broadcast_in_dim3A_26, %scan3A_430 = %broadcast_in_dim3A_26, %scan3A_431 = %broadcast_in_dim3A_26, %scan3A_432 = %broadcast_in_dim3A_26, %scan3A_433 = %broadcast_in_dim3A_26, %scan3A_434 = %broadcast_in_dim3A_26, %scan3A_435 = %broadcast_in_dim3A_26, %scan3A_436 = %broadcast_in_dim3A_26, %scan3A_437 = %broadcast_in_dim3A_26, %scan3A_438 = %broadcast_in_dim3A_26, %scan3A_439 = %broadcast_in_dim3A_26, %scan3A_440 = %broadcast_in_dim3A_26, %scan3A_441 = %broadcast_in_dim3A_26, %scan3A_442 = %broadcast_in_dim3A_26, %scan3A_443 = %broadcast_in_dim3A_26, %scan3A_444 = %broadcast_in_dim3A_26, %scan3A_445 = %broadcast_in_dim3A_26, %scan3A_446 = %broadcast_in_dim3A_26, %scan3A_447 = %broadcast_in_dim3A_26, %scan3A_448 = %broadcast_in_dim3A_26, %scan3A_449 = %broadcast_in_dim3A_26, %scan3A_450 = %broadcast_in_dim3A_26, %scan3A_451 = %broadcast_in_dim3A_26) -> (vector<16xf32>, vector<16xf32>, vector<16xf32>, vector<16xf32>, vector<16xf32>, vector<16xf32>, vector<16xf32>, vector<16xf32>, vector<16xf32>, vector<16xf32>, vector<16xf32>, vector<16xf32>, vector<16xf32>, vector<16xf32>, vector<16xf32>, vector<16xf32>, vector<16xf32>, vector<16xf32>, vector<16xf32>, vector<16xf32>, vector<16xf32>, vector<16xf32>, vector<16xf32>, vector<16xf32>)  : i32 {
          %mul3A_452 = arith.constant 1 : i32
          %mul3A_453 = arith.muli %scan3A_427, %mul3A_452 : i32
          %add3A_454 = arith.constant 0 : i32
          %add3A_455 = arith.addi %add3A_454, %mul3A_453 : i32
          %mul3A_456 = arith.constant 16 : i32
          %mul3A_457 = arith.muli %add3A_455, %mul3A_456 : i32
          %get3A = arith.constant 0 : i32
          %get3A_458 = arith.index_cast %get3A : i32 to index
          %get3A_459 = arith.index_cast %mul3A_457 : i32 to index
          %get3A_460 = tpu.vector_load %arg8[%get3A_458, %get3A_459] {strides = array<i32>} : memref<3x768xf32, #tpu.memory_space<vmem>>, vector<16xf32>,
          %get3A_461 = arith.constant 1 : i32
          %get3A_462 = arith.index_cast %get3A_461 : i32 to index
          %get3A_463 = arith.index_cast %mul3A_457 : i32 to index
          %get3A_464 = tpu.vector_load %arg8[%get3A_462, %get3A_463] {strides = array<i32>} : memref<3x768xf32, #tpu.memory_space<vmem>>, vector<16xf32>,
          %get3A_465 = arith.constant 2 : i32
          %get3A_466 = arith.index_cast %get3A_465 : i32 to index
          %get3A_467 = arith.index_cast %mul3A_457 : i32 to index
          %get3A_468 = tpu.vector_load %arg8[%get3A_466, %get3A_467] {strides = array<i32>} : memref<3x768xf32, #tpu.memory_space<vmem>>, vector<16xf32>,
          %mul3A_469 = arith.constant 16 : i32
          %mul3A_470 = arith.muli %add3A_60, %mul3A_469 : i32
          %add3A_471 = arith.constant 8 : i32
          %add3A_472 = arith.addi %mul3A_470, %add3A_471 : i32
          %add3A_473 = arith.constant 0 : i32
          %add3A_474 = arith.addi %add3A_472, %add3A_473 : i32
          %get3A_475 = arith.index_cast %add3A_474 : i32 to index
          %get3A_476 = arith.index_cast %mul3A_457 : i32 to index
          %get3A_477 = tpu.vector_load %arg9[%get3A_475, %get3A_476] {strides = array<i32>} : memref<32x768xf32, #tpu.memory_space<vmem>>, vector<16xf32>,
          %mul3A_478 = arith.mulf %get3A_477, %get3A_460 : vector<16xf32>
          %add3A_479 = arith.addf %scan3A_428, %mul3A_478 : vector<16xf32>
          %mul3A_480 = arith.mulf %get3A_477, %get3A_464 : vector<16xf32>
          %add3A_481 = arith.addf %scan3A_429, %mul3A_480 : vector<16xf32>
          %mul3A_482 = arith.mulf %get3A_477, %get3A_468 : vector<16xf32>
          %add3A_483 = arith.addf %scan3A_430, %mul3A_482 : vector<16xf32>
          %add3A_484 = arith.constant 1 : i32
          %add3A_485 = arith.addi %add3A_472, %add3A_484 : i32
          %get3A_486 = arith.index_cast %add3A_485 : i32 to index
          %get3A_487 = arith.index_cast %mul3A_457 : i32 to index
          %get3A_488 = tpu.vector_load %arg9[%get3A_486, %get3A_487] {strides = array<i32>} : memref<32x768xf32, #tpu.memory_space<vmem>>, vector<16xf32>,
          %mul3A_489 = arith.mulf %get3A_488, %get3A_460 : vector<16xf32>
          %add3A_490 = arith.addf %scan3A_431, %mul3A_489 : vector<16xf32>
          %mul3A_491 = arith.mulf %get3A_488, %get3A_464 : vector<16xf32>
          %add3A_492 = arith.addf %scan3A_432, %mul3A_491 : vector<16xf32>
          %mul3A_493 = arith.mulf %get3A_488, %get3A_468 : vector<16xf32>
          %add3A_494 = arith.addf %scan3A_433, %mul3A_493 : vector<16xf32>
          %add3A_495 = arith.constant 2 : i32
          %add3A_496 = arith.addi %add3A_472, %add3A_495 : i32
          %get3A_497 = arith.index_cast %add3A_496 : i32 to index
          %get3A_498 = arith.index_cast %mul3A_457 : i32 to index
          %get3A_499 = tpu.vector_load %arg9[%get3A_497, %get3A_498] {strides = array<i32>} : memref<32x768xf32, #tpu.memory_space<vmem>>, vector<16xf32>,
          %mul3A_500 = arith.mulf %get3A_499, %get3A_460 : vector<16xf32>
          %add3A_501 = arith.addf %scan3A_434, %mul3A_500 : vector<16xf32>
          %mul3A_502 = arith.mulf %get3A_499, %get3A_464 : vector<16xf32>
          %add3A_503 = arith.addf %scan3A_435, %mul3A_502 : vector<16xf32>
          %mul3A_504 = arith.mulf %get3A_499, %get3A_468 : vector<16xf32>
          %add3A_505 = arith.addf %scan3A_436, %mul3A_504 : vector<16xf32>
          %add3A_506 = arith.constant 3 : i32
          %add3A_507 = arith.addi %add3A_472, %add3A_506 : i32
          %get3A_508 = arith.index_cast %add3A_507 : i32 to index
          %get3A_509 = arith.index_cast %mul3A_457 : i32 to index
          %get3A_510 = tpu.vector_load %arg9[%get3A_508, %get3A_509] {strides = array<i32>} : memref<32x768xf32, #tpu.memory_space<vmem>>, vector<16xf32>,
          %mul3A_511 = arith.mulf %get3A_510, %get3A_460 : vector<16xf32>
          %add3A_512 = arith.addf %scan3A_437, %mul3A_511 : vector<16xf32>
          %mul3A_513 = arith.mulf %get3A_510, %get3A_464 : vector<16xf32>
          %add3A_514 = arith.addf %scan3A_438, %mul3A_513 : vector<16xf32>
          %mul3A_515 = arith.mulf %get3A_510, %get3A_468 : vector<16xf32>
          %add3A_516 = arith.addf %scan3A_439, %mul3A_515 : vector<16xf32>
          %add3A_517 = arith.constant 4 : i32
          %add3A_518 = arith.addi %add3A_472, %add3A_517 : i32
          %get3A_519 = arith.index_cast %add3A_518 : i32 to index
          %get3A_520 = arith.index_cast %mul3A_457 : i32 to index
          %get3A_521 = tpu.vector_load %arg9[%get3A_519, %get3A_520] {strides = array<i32>} : memref<32x768xf32, #tpu.memory_space<vmem>>, vector<16xf32>,
          %mul3A_522 = arith.mulf %get3A_521, %get3A_460 : vector<16xf32>
          %add3A_523 = arith.addf %scan3A_440, %mul3A_522 : vector<16xf32>
          %mul3A_524 = arith.mulf %get3A_521, %get3A_464 : vector<16xf32>
          %add3A_525 = arith.addf %scan3A_441, %mul3A_524 : vector<16xf32>
          %mul3A_526 = arith.mulf %get3A_521, %get3A_468 : vector<16xf32>
          %add3A_527 = arith.addf %scan3A_442, %mul3A_526 : vector<16xf32>
          %add3A_528 = arith.constant 5 : i32
          %add3A_529 = arith.addi %add3A_472, %add3A_528 : i32
          %get3A_530 = arith.index_cast %add3A_529 : i32 to index
          %get3A_531 = arith.index_cast %mul3A_457 : i32 to index
          %get3A_532 = tpu.vector_load %arg9[%get3A_530, %get3A_531] {strides = array<i32>} : memref<32x768xf32, #tpu.memory_space<vmem>>, vector<16xf32>,
          %mul3A_533 = arith.mulf %get3A_532, %get3A_460 : vector<16xf32>
          %add3A_534 = arith.addf %scan3A_443, %mul3A_533 : vector<16xf32>
          %mul3A_535 = arith.mulf %get3A_532, %get3A_464 : vector<16xf32>
          %add3A_536 = arith.addf %scan3A_444, %mul3A_535 : vector<16xf32>
          %mul3A_537 = arith.mulf %get3A_532, %get3A_468 : vector<16xf32>
          %add3A_538 = arith.addf %scan3A_445, %mul3A_537 : vector<16xf32>
          %add3A_539 = arith.constant 6 : i32
          %add3A_540 = arith.addi %add3A_472, %add3A_539 : i32
          %get3A_541 = arith.index_cast %add3A_540 : i32 to index
          %get3A_542 = arith.index_cast %mul3A_457 : i32 to index
          %get3A_543 = tpu.vector_load %arg9[%get3A_541, %get3A_542] {strides = array<i32>} : memref<32x768xf32, #tpu.memory_space<vmem>>, vector<16xf32>,
          %mul3A_544 = arith.mulf %get3A_543, %get3A_460 : vector<16xf32>
          %add3A_545 = arith.addf %scan3A_446, %mul3A_544 : vector<16xf32>
          %mul3A_546 = arith.mulf %get3A_543, %get3A_464 : vector<16xf32>
          %add3A_547 = arith.addf %scan3A_447, %mul3A_546 : vector<16xf32>
          %mul3A_548 = arith.mulf %get3A_543, %get3A_468 : vector<16xf32>
          %add3A_549 = arith.addf %scan3A_448, %mul3A_548 : vector<16xf32>
          %add3A_550 = arith.constant 7 : i32
          %add3A_551 = arith.addi %add3A_472, %add3A_550 : i32
          %get3A_552 = arith.index_cast %add3A_551 : i32 to index
          %get3A_553 = arith.index_cast %mul3A_457 : i32 to index
          %get3A_554 = tpu.vector_load %arg9[%get3A_552, %get3A_553] {strides = array<i32>} : memref<32x768xf32, #tpu.memory_space<vmem>>, vector<16xf32>,
          %mul3A_555 = arith.mulf %get3A_554, %get3A_460 : vector<16xf32>
          %add3A_556 = arith.addf %scan3A_449, %mul3A_555 : vector<16xf32>
          %mul3A_557 = arith.mulf %get3A_554, %get3A_464 : vector<16xf32>
          %add3A_558 = arith.addf %scan3A_450, %mul3A_557 : vector<16xf32>
          %mul3A_559 = arith.mulf %get3A_554, %get3A_468 : vector<16xf32>
          %add3A_560 = arith.addf %scan3A_451, %mul3A_559 : vector<16xf32>
          %scan3A_561 = arith.constant 1 : i32
          %scan3A_562 = arith.addi %scan3A_427, %scan3A_561 : i32
          %mul3A_563 = arith.constant 1 : i32
          %mul3A_564 = arith.muli %scan3A_562, %mul3A_563 : i32
          %add3A_565 = arith.constant 0 : i32
          %add3A_566 = arith.addi %add3A_565, %mul3A_564 : i32
          %mul3A_567 = arith.constant 16 : i32
          %mul3A_568 = arith.muli %add3A_566, %mul3A_567 : i32
          %get3A_569 = arith.constant 0 : i32
          %get3A_570 = arith.index_cast %get3A_569 : i32 to index
          %get3A_571 = arith.index_cast %mul3A_568 : i32 to index
          %get3A_572 = tpu.vector_load %arg8[%get3A_570, %get3A_571] {strides = array<i32>} : memref<3x768xf32, #tpu.memory_space<vmem>>, vector<16xf32>,
          %get3A_573 = arith.constant 1 : i32
          %get3A_574 = arith.index_cast %get3A_573 : i32 to index
          %get3A_575 = arith.index_cast %mul3A_568 : i32 to index
          %get3A_576 = tpu.vector_load %arg8[%get3A_574, %get3A_575] {strides = array<i32>} : memref<3x768xf32, #tpu.memory_space<vmem>>, vector<16xf32>,
          %get3A_577 = arith.constant 2 : i32
          %get3A_578 = arith.index_cast %get3A_577 : i32 to index
          %get3A_579 = arith.index_cast %mul3A_568 : i32 to index
          %get3A_580 = tpu.vector_load %arg8[%get3A_578, %get3A_579] {strides = array<i32>} : memref<3x768xf32, #tpu.memory_space<vmem>>, vector<16xf32>,
          %mul3A_581 = arith.constant 16 : i32
          %mul3A_582 = arith.muli %add3A_60, %mul3A_581 : i32
          %add3A_583 = arith.constant 8 : i32
          %add3A_584 = arith.addi %mul3A_582, %add3A_583 : i32
          %add3A_585 = arith.constant 0 : i32
          %add3A_586 = arith.addi %add3A_584, %add3A_585 : i32
          %get3A_587 = arith.index_cast %add3A_586 : i32 to index
          %get3A_588 = arith.index_cast %mul3A_568 : i32 to index
          %get3A_589 = tpu.vector_load %arg9[%get3A_587, %get3A_588] {strides = array<i32>} : memref<32x768xf32, #tpu.memory_space<vmem>>, vector<16xf32>,
          %mul3A_590 = arith.mulf %get3A_589, %get3A_572 : vector<16xf32>
          %add3A_591 = arith.addf %add3A_479, %mul3A_590 : vector<16xf32>
          %mul3A_592 = arith.mulf %get3A_589, %get3A_576 : vector<16xf32>
          %add3A_593 = arith.addf %add3A_481, %mul3A_592 : vector<16xf32>
          %mul3A_594 = arith.mulf %get3A_589, %get3A_580 : vector<16xf32>
          %add3A_595 = arith.addf %add3A_483, %mul3A_594 : vector<16xf32>
          %add3A_596 = arith.constant 1 : i32
          %add3A_597 = arith.addi %add3A_584, %add3A_596 : i32
          %get3A_598 = arith.index_cast %add3A_597 : i32 to index
          %get3A_599 = arith.index_cast %mul3A_568 : i32 to index
          %get3A_600 = tpu.vector_load %arg9[%get3A_598, %get3A_599] {strides = array<i32>} : memref<32x768xf32, #tpu.memory_space<vmem>>, vector<16xf32>,
          %mul3A_601 = arith.mulf %get3A_600, %get3A_572 : vector<16xf32>
          %add3A_602 = arith.addf %add3A_490, %mul3A_601 : vector<16xf32>
          %mul3A_603 = arith.mulf %get3A_600, %get3A_576 : vector<16xf32>
          %add3A_604 = arith.addf %add3A_492, %mul3A_603 : vector<16xf32>
          %mul3A_605 = arith.mulf %get3A_600, %get3A_580 : vector<16xf32>
          %add3A_606 = arith.addf %add3A_494, %mul3A_605 : vector<16xf32>
          %add3A_607 = arith.constant 2 : i32
          %add3A_608 = arith.addi %add3A_584, %add3A_607 : i32
          %get3A_609 = arith.index_cast %add3A_608 : i32 to index
          %get3A_610 = arith.index_cast %mul3A_568 : i32 to index
          %get3A_611 = tpu.vector_load %arg9[%get3A_609, %get3A_610] {strides = array<i32>} : memref<32x768xf32, #tpu.memory_space<vmem>>, vector<16xf32>,
          %mul3A_612 = arith.mulf %get3A_611, %get3A_572 : vector<16xf32>
          %add3A_613 = arith.addf %add3A_501, %mul3A_612 : vector<16xf32>
          %mul3A_614 = arith.mulf %get3A_611, %get3A_576 : vector<16xf32>
          %add3A_615 = arith.addf %add3A_503, %mul3A_614 : vector<16xf32>
          %mul3A_616 = arith.mulf %get3A_611, %get3A_580 : vector<16xf32>
          %add3A_617 = arith.addf %add3A_505, %mul3A_616 : vector<16xf32>
          %add3A_618 = arith.constant 3 : i32
          %add3A_619 = arith.addi %add3A_584, %add3A_618 : i32
          %get3A_620 = arith.index_cast %add3A_619 : i32 to index
          %get3A_621 = arith.index_cast %mul3A_568 : i32 to index
          %get3A_622 = tpu.vector_load %arg9[%get3A_620, %get3A_621] {strides = array<i32>} : memref<32x768xf32, #tpu.memory_space<vmem>>, vector<16xf32>,
          %mul3A_623 = arith.mulf %get3A_622, %get3A_572 : vector<16xf32>
          %add3A_624 = arith.addf %add3A_512, %mul3A_623 : vector<16xf32>
          %mul3A_625 = arith.mulf %get3A_622, %get3A_576 : vector<16xf32>
          %add3A_626 = arith.addf %add3A_514, %mul3A_625 : vector<16xf32>
          %mul3A_627 = arith.mulf %get3A_622, %get3A_580 : vector<16xf32>
          %add3A_628 = arith.addf %add3A_516, %mul3A_627 : vector<16xf32>
          %add3A_629 = arith.constant 4 : i32
          %add3A_630 = arith.addi %add3A_584, %add3A_629 : i32
          %get3A_631 = arith.index_cast %add3A_630 : i32 to index
          %get3A_632 = arith.index_cast %mul3A_568 : i32 to index
          %get3A_633 = tpu.vector_load %arg9[%get3A_631, %get3A_632] {strides = array<i32>} : memref<32x768xf32, #tpu.memory_space<vmem>>, vector<16xf32>,
          %mul3A_634 = arith.mulf %get3A_633, %get3A_572 : vector<16xf32>
          %add3A_635 = arith.addf %add3A_523, %mul3A_634 : vector<16xf32>
          %mul3A_636 = arith.mulf %get3A_633, %get3A_576 : vector<16xf32>
          %add3A_637 = arith.addf %add3A_525, %mul3A_636 : vector<16xf32>
          %mul3A_638 = arith.mulf %get3A_633, %get3A_580 : vector<16xf32>
          %add3A_639 = arith.addf %add3A_527, %mul3A_638 : vector<16xf32>
          %add3A_640 = arith.constant 5 : i32
          %add3A_641 = arith.addi %add3A_584, %add3A_640 : i32
          %get3A_642 = arith.index_cast %add3A_641 : i32 to index
          %get3A_643 = arith.index_cast %mul3A_568 : i32 to index
          %get3A_644 = tpu.vector_load %arg9[%get3A_642, %get3A_643] {strides = array<i32>} : memref<32x768xf32, #tpu.memory_space<vmem>>, vector<16xf32>,
          %mul3A_645 = arith.mulf %get3A_644, %get3A_572 : vector<16xf32>
          %add3A_646 = arith.addf %add3A_534, %mul3A_645 : vector<16xf32>
          %mul3A_647 = arith.mulf %get3A_644, %get3A_576 : vector<16xf32>
          %add3A_648 = arith.addf %add3A_536, %mul3A_647 : vector<16xf32>
          %mul3A_649 = arith.mulf %get3A_644, %get3A_580 : vector<16xf32>
          %add3A_650 = arith.addf %add3A_538, %mul3A_649 : vector<16xf32>
          %add3A_651 = arith.constant 6 : i32
          %add3A_652 = arith.addi %add3A_584, %add3A_651 : i32
          %get3A_653 = arith.index_cast %add3A_652 : i32 to index
          %get3A_654 = arith.index_cast %mul3A_568 : i32 to index
          %get3A_655 = tpu.vector_load %arg9[%get3A_653, %get3A_654] {strides = array<i32>} : memref<32x768xf32, #tpu.memory_space<vmem>>, vector<16xf32>,
          %mul3A_656 = arith.mulf %get3A_655, %get3A_572 : vector<16xf32>
          %add3A_657 = arith.addf %add3A_545, %mul3A_656 : vector<16xf32>
          %mul3A_658 = arith.mulf %get3A_655, %get3A_576 : vector<16xf32>
          %add3A_659 = arith.addf %add3A_547, %mul3A_658 : vector<16xf32>
          %mul3A_660 = arith.mulf %get3A_655, %get3A_580 : vector<16xf32>
          %add3A_661 = arith.addf %add3A_549, %mul3A_660 : vector<16xf32>
          %add3A_662 = arith.constant 7 : i32
          %add3A_663 = arith.addi %add3A_584, %add3A_662 : i32
          %get3A_664 = arith.index_cast %add3A_663 : i32 to index
          %get3A_665 = arith.index_cast %mul3A_568 : i32 to index
          %get3A_666 = tpu.vector_load %arg9[%get3A_664, %get3A_665] {strides = array<i32>} : memref<32x768xf32, #tpu.memory_space<vmem>>, vector<16xf32>,
          %mul3A_667 = arith.mulf %get3A_666, %get3A_572 : vector<16xf32>
          %add3A_668 = arith.addf %add3A_556, %mul3A_667 : vector<16xf32>
          %mul3A_669 = arith.mulf %get3A_666, %get3A_576 : vector<16xf32>
          %add3A_670 = arith.addf %add3A_558, %mul3A_669 : vector<16xf32>
          %mul3A_671 = arith.mulf %get3A_666, %get3A_580 : vector<16xf32>
          %add3A_672 = arith.addf %add3A_560, %mul3A_671 : vector<16xf32>
          scf.yield %add3A_591, %add3A_593, %add3A_595, %add3A_602, %add3A_604, %add3A_606, %add3A_613, %add3A_615, %add3A_617, %add3A_624, %add3A_626, %add3A_628, %add3A_635, %add3A_637, %add3A_639, %add3A_646, %add3A_648, %add3A_650, %add3A_657, %add3A_659, %add3A_661, %add3A_668, %add3A_670, %add3A_672 : vector<16xf32>, vector<16xf32>, vector<16xf32>, vector<16xf32>, vector<16xf32>, vector<16xf32>, vector<16xf32>, vector<16xf32>, vector<16xf32>, vector<16xf32>, vector<16xf32>, vector<16xf32>, vector<16xf32>, vector<16xf32>, vector<16xf32>, vector<16xf32>, vector<16xf32>, vector<16xf32>, vector<16xf32>, vector<16xf32>, vector<16xf32>, vector<16xf32>, vector<16xf32>, vector<16xf32>
        }
        %scan3A_237 = arith.constant 48 : i32
        %eq3A_238 = arith.constant 8 : i32
        %eq3A_239 = vector.broadcast %eq3A_238 : i32 to vector<16xi32>
        %eq3A_240 = arith.cmpi eq, %iota3A, %eq3A_239 : vector<16xi32>
        %reduce_sum3A_241 = arith.constant true
        %reduce_sum3A_242 = vector.broadcast %reduce_sum3A_241 : i1 to vector<16xi1>
        %reduce_sum3A_243 = tpu.scan <sum>, %scan3A_236#0 masked %reduce_sum3A_242 : vector<16xf32>, vector<16xi1> -> vector<16xf32>
        %reduce_sum3A_244 = vector.extract %reduce_sum3A_243[15] : f32 from vector<16xf32>
        %broadcast_in_dim3A_245 = vector.broadcast %reduce_sum3A_244 : f32 to vector<16xf32>
        %select_n3A_246 = arith.select %eq3A_240, %broadcast_in_dim3A_245, %select_n3A_219 : vector<16xi1>, vector<16xf32>
        %reduce_sum3A_247 = arith.constant true
        %reduce_sum3A_248 = vector.broadcast %reduce_sum3A_247 : i1 to vector<16xi1>
        %reduce_sum3A_249 = tpu.scan <sum>, %scan3A_236#1 masked %reduce_sum3A_248 : vector<16xf32>, vector<16xi1> -> vector<16xf32>
        %reduce_sum3A_250 = vector.extract %reduce_sum3A_249[15] : f32 from vector<16xf32>
        %broadcast_in_dim3A_251 = vector.broadcast %reduce_sum3A_250 : f32 to vector<16xf32>
        %select_n3A_252 = arith.select %eq3A_240, %broadcast_in_dim3A_251, %select_n3A_225 : vector<16xi1>, vector<16xf32>
        %reduce_sum3A_253 = arith.constant true
        %reduce_sum3A_254 = vector.broadcast %reduce_sum3A_253 : i1 to vector<16xi1>
        %reduce_sum3A_255 = tpu.scan <sum>, %scan3A_236#2 masked %reduce_sum3A_254 : vector<16xf32>, vector<16xi1> -> vector<16xf32>
        %reduce_sum3A_256 = vector.extract %reduce_sum3A_255[15] : f32 from vector<16xf32>
        %broadcast_in_dim3A_257 = vector.broadcast %reduce_sum3A_256 : f32 to vector<16xf32>
        %select_n3A_258 = arith.select %eq3A_240, %broadcast_in_dim3A_257, %select_n3A_231 : vector<16xi1>, vector<16xf32>
        %eq3A_259 = arith.constant 9 : i32
        %eq3A_260 = vector.broadcast %eq3A_259 : i32 to vector<16xi32>
        %eq3A_261 = arith.cmpi eq, %iota3A, %eq3A_260 : vector<16xi32>
        %reduce_sum3A_262 = arith.constant true
        %reduce_sum3A_263 = vector.broadcast %reduce_sum3A_262 : i1 to vector<16xi1>
        %reduce_sum3A_264 = tpu.scan <sum>, %scan3A_236#3 masked %reduce_sum3A_263 : vector<16xf32>, vector<16xi1> -> vector<16xf32>
        %reduce_sum3A_265 = vector.extract %reduce_sum3A_264[15] : f32 from vector<16xf32>
        %broadcast_in_dim3A_266 = vector.broadcast %reduce_sum3A_265 : f32 to vector<16xf32>
        %select_n3A_267 = arith.select %eq3A_261, %broadcast_in_dim3A_266, %select_n3A_246 : vector<16xi1>, vector<16xf32>
        %reduce_sum3A_268 = arith.constant true
        %reduce_sum3A_269 = vector.broadcast %reduce_sum3A_268 : i1 to vector<16xi1>
        %reduce_sum3A_270 = tpu.scan <sum>, %scan3A_236#4 masked %reduce_sum3A_269 : vector<16xf32>, vector<16xi1> -> vector<16xf32>
        %reduce_sum3A_271 = vector.extract %reduce_sum3A_270[15] : f32 from vector<16xf32>
        %broadcast_in_dim3A_272 = vector.broadcast %reduce_sum3A_271 : f32 to vector<16xf32>
        %select_n3A_273 = arith.select %eq3A_261, %broadcast_in_dim3A_272, %select_n3A_252 : vector<16xi1>, vector<16xf32>
        %reduce_sum3A_274 = arith.constant true
        %reduce_sum3A_275 = vector.broadcast %reduce_sum3A_274 : i1 to vector<16xi1>
        %reduce_sum3A_276 = tpu.scan <sum>, %scan3A_236#5 masked %reduce_sum3A_275 : vector<16xf32>, vector<16xi1> -> vector<16xf32>
        %reduce_sum3A_277 = vector.extract %reduce_sum3A_276[15] : f32 from vector<16xf32>
        %broadcast_in_dim3A_278 = vector.broadcast %reduce_sum3A_277 : f32 to vector<16xf32>
        %select_n3A_279 = arith.select %eq3A_261, %broadcast_in_dim3A_278, %select_n3A_258 : vector<16xi1>, vector<16xf32>
        %eq3A_280 = arith.constant 10 : i32
        %eq3A_281 = vector.broadcast %eq3A_280 : i32 to vector<16xi32>
        %eq3A_282 = arith.cmpi eq, %iota3A, %eq3A_281 : vector<16xi32>
        %reduce_sum3A_283 = arith.constant true
        %reduce_sum3A_284 = vector.broadcast %reduce_sum3A_283 : i1 to vector<16xi1>
        %reduce_sum3A_285 = tpu.scan <sum>, %scan3A_236#6 masked %reduce_sum3A_284 : vector<16xf32>, vector<16xi1> -> vector<16xf32>
        %reduce_sum3A_286 = vector.extract %reduce_sum3A_285[15] : f32 from vector<16xf32>
        %broadcast_in_dim3A_287 = vector.broadcast %reduce_sum3A_286 : f32 to vector<16xf32>
        %select_n3A_288 = arith.select %eq3A_282, %broadcast_in_dim3A_287, %select_n3A_267 : vector<16xi1>, vector<16xf32>
        %reduce_sum3A_289 = arith.constant true
        %reduce_sum3A_290 = vector.broadcast %reduce_sum3A_289 : i1 to vector<16xi1>
        %reduce_sum3A_291 = tpu.scan <sum>, %scan3A_236#7 masked %reduce_sum3A_290 : vector<16xf32>, vector<16xi1> -> vector<16xf32>
        %reduce_sum3A_292 = vector.extract %reduce_sum3A_291[15] : f32 from vector<16xf32>
        %broadcast_in_dim3A_293 = vector.broadcast %reduce_sum3A_292 : f32 to vector<16xf32>
        %select_n3A_294 = arith.select %eq3A_282, %broadcast_in_dim3A_293, %select_n3A_273 : vector<16xi1>, vector<16xf32>
        %reduce_sum3A_295 = arith.constant true
        %reduce_sum3A_296 = vector.broadcast %reduce_sum3A_295 : i1 to vector<16xi1>
        %reduce_sum3A_297 = tpu.scan <sum>, %scan3A_236#8 masked %reduce_sum3A_296 : vector<16xf32>, vector<16xi1> -> vector<16xf32>
        %reduce_sum3A_298 = vector.extract %reduce_sum3A_297[15] : f32 from vector<16xf32>
        %broadcast_in_dim3A_299 = vector.broadcast %reduce_sum3A_298 : f32 to vector<16xf32>
        %select_n3A_300 = arith.select %eq3A_282, %broadcast_in_dim3A_299, %select_n3A_279 : vector<16xi1>, vector<16xf32>
        %eq3A_301 = arith.constant 11 : i32
        %eq3A_302 = vector.broadcast %eq3A_301 : i32 to vector<16xi32>
        %eq3A_303 = arith.cmpi eq, %iota3A, %eq3A_302 : vector<16xi32>
        %reduce_sum3A_304 = arith.constant true
        %reduce_sum3A_305 = vector.broadcast %reduce_sum3A_304 : i1 to vector<16xi1>
        %reduce_sum3A_306 = tpu.scan <sum>, %scan3A_236#9 masked %reduce_sum3A_305 : vector<16xf32>, vector<16xi1> -> vector<16xf32>
        %reduce_sum3A_307 = vector.extract %reduce_sum3A_306[15] : f32 from vector<16xf32>
        %broadcast_in_dim3A_308 = vector.broadcast %reduce_sum3A_307 : f32 to vector<16xf32>
        %select_n3A_309 = arith.select %eq3A_303, %broadcast_in_dim3A_308, %select_n3A_288 : vector<16xi1>, vector<16xf32>
        %reduce_sum3A_310 = arith.constant true
        %reduce_sum3A_311 = vector.broadcast %reduce_sum3A_310 : i1 to vector<16xi1>
        %reduce_sum3A_312 = tpu.scan <sum>, %scan3A_236#10 masked %reduce_sum3A_311 : vector<16xf32>, vector<16xi1> -> vector<16xf32>
        %reduce_sum3A_313 = vector.extract %reduce_sum3A_312[15] : f32 from vector<16xf32>
        %broadcast_in_dim3A_314 = vector.broadcast %reduce_sum3A_313 : f32 to vector<16xf32>
        %select_n3A_315 = arith.select %eq3A_303, %broadcast_in_dim3A_314, %select_n3A_294 : vector<16xi1>, vector<16xf32>
        %reduce_sum3A_316 = arith.constant true
        %reduce_sum3A_317 = vector.broadcast %reduce_sum3A_316 : i1 to vector<16xi1>
        %reduce_sum3A_318 = tpu.scan <sum>, %scan3A_236#11 masked %reduce_sum3A_317 : vector<16xf32>, vector<16xi1> -> vector<16xf32>
        %reduce_sum3A_319 = vector.extract %reduce_sum3A_318[15] : f32 from vector<16xf32>
        %broadcast_in_dim3A_320 = vector.broadcast %reduce_sum3A_319 : f32 to vector<16xf32>
        %select_n3A_321 = arith.select %eq3A_303, %broadcast_in_dim3A_320, %select_n3A_300 : vector<16xi1>, vector<16xf32>
        %eq3A_322 = arith.constant 12 : i32
        %eq3A_323 = vector.broadcast %eq3A_322 : i32 to vector<16xi32>
        %eq3A_324 = arith.cmpi eq, %iota3A, %eq3A_323 : vector<16xi32>
        %reduce_sum3A_325 = arith.constant true
        %reduce_sum3A_326 = vector.broadcast %reduce_sum3A_325 : i1 to vector<16xi1>
        %reduce_sum3A_327 = tpu.scan <sum>, %scan3A_236#12 masked %reduce_sum3A_326 : vector<16xf32>, vector<16xi1> -> vector<16xf32>
        %reduce_sum3A_328 = vector.extract %reduce_sum3A_327[15] : f32 from vector<16xf32>
        %broadcast_in_dim3A_329 = vector.broadcast %reduce_sum3A_328 : f32 to vector<16xf32>
        %select_n3A_330 = arith.select %eq3A_324, %broadcast_in_dim3A_329, %select_n3A_309 : vector<16xi1>, vector<16xf32>
        %reduce_sum3A_331 = arith.constant true
        %reduce_sum3A_332 = vector.broadcast %reduce_sum3A_331 : i1 to vector<16xi1>
        %reduce_sum3A_333 = tpu.scan <sum>, %scan3A_236#13 masked %reduce_sum3A_332 : vector<16xf32>, vector<16xi1> -> vector<16xf32>
        %reduce_sum3A_334 = vector.extract %reduce_sum3A_333[15] : f32 from vector<16xf32>
        %broadcast_in_dim3A_335 = vector.broadcast %reduce_sum3A_334 : f32 to vector<16xf32>
        %select_n3A_336 = arith.select %eq3A_324, %broadcast_in_dim3A_335, %select_n3A_315 : vector<16xi1>, vector<16xf32>
        %reduce_sum3A_337 = arith.constant true
        %reduce_sum3A_338 = vector.broadcast %reduce_sum3A_337 : i1 to vector<16xi1>
        %reduce_sum3A_339 = tpu.scan <sum>, %scan3A_236#14 masked %reduce_sum3A_338 : vector<16xf32>, vector<16xi1> -> vector<16xf32>
        %reduce_sum3A_340 = vector.extract %reduce_sum3A_339[15] : f32 from vector<16xf32>
        %broadcast_in_dim3A_341 = vector.broadcast %reduce_sum3A_340 : f32 to vector<16xf32>
        %select_n3A_342 = arith.select %eq3A_324, %broadcast_in_dim3A_341, %select_n3A_321 : vector<16xi1>, vector<16xf32>
        %eq3A_343 = arith.constant 13 : i32
        %eq3A_344 = vector.broadcast %eq3A_343 : i32 to vector<16xi32>
        %eq3A_345 = arith.cmpi eq, %iota3A, %eq3A_344 : vector<16xi32>
        %reduce_sum3A_346 = arith.constant true
        %reduce_sum3A_347 = vector.broadcast %reduce_sum3A_346 : i1 to vector<16xi1>
        %reduce_sum3A_348 = tpu.scan <sum>, %scan3A_236#15 masked %reduce_sum3A_347 : vector<16xf32>, vector<16xi1> -> vector<16xf32>
        %reduce_sum3A_349 = vector.extract %reduce_sum3A_348[15] : f32 from vector<16xf32>
        %broadcast_in_dim3A_350 = vector.broadcast %reduce_sum3A_349 : f32 to vector<16xf32>
        %select_n3A_351 = arith.select %eq3A_345, %broadcast_in_dim3A_350, %select_n3A_330 : vector<16xi1>, vector<16xf32>
        %reduce_sum3A_352 = arith.constant true
        %reduce_sum3A_353 = vector.broadcast %reduce_sum3A_352 : i1 to vector<16xi1>
        %reduce_sum3A_354 = tpu.scan <sum>, %scan3A_236#16 masked %reduce_sum3A_353 : vector<16xf32>, vector<16xi1> -> vector<16xf32>
        %reduce_sum3A_355 = vector.extract %reduce_sum3A_354[15] : f32 from vector<16xf32>
        %broadcast_in_dim3A_356 = vector.broadcast %reduce_sum3A_355 : f32 to vector<16xf32>
        %select_n3A_357 = arith.select %eq3A_345, %broadcast_in_dim3A_356, %select_n3A_336 : vector<16xi1>, vector<16xf32>
        %reduce_sum3A_358 = arith.constant true
        %reduce_sum3A_359 = vector.broadcast %reduce_sum3A_358 : i1 to vector<16xi1>
        %reduce_sum3A_360 = tpu.scan <sum>, %scan3A_236#17 masked %reduce_sum3A_359 : vector<16xf32>, vector<16xi1> -> vector<16xf32>
        %reduce_sum3A_361 = vector.extract %reduce_sum3A_360[15] : f32 from vector<16xf32>
        %broadcast_in_dim3A_362 = vector.broadcast %reduce_sum3A_361 : f32 to vector<16xf32>
        %select_n3A_363 = arith.select %eq3A_345, %broadcast_in_dim3A_362, %select_n3A_342 : vector<16xi1>, vector<16xf32>
        %eq3A_364 = arith.constant 14 : i32
        %eq3A_365 = vector.broadcast %eq3A_364 : i32 to vector<16xi32>
        %eq3A_366 = arith.cmpi eq, %iota3A, %eq3A_365 : vector<16xi32>
        %reduce_sum3A_367 = arith.constant true
        %reduce_sum3A_368 = vector.broadcast %reduce_sum3A_367 : i1 to vector<16xi1>
        %reduce_sum3A_369 = tpu.scan <sum>, %scan3A_236#18 masked %reduce_sum3A_368 : vector<16xf32>, vector<16xi1> -> vector<16xf32>
        %reduce_sum3A_370 = vector.extract %reduce_sum3A_369[15] : f32 from vector<16xf32>
        %broadcast_in_dim3A_371 = vector.broadcast %reduce_sum3A_370 : f32 to vector<16xf32>
        %select_n3A_372 = arith.select %eq3A_366, %broadcast_in_dim3A_371, %select_n3A_351 : vector<16xi1>, vector<16xf32>
        %reduce_sum3A_373 = arith.constant true
        %reduce_sum3A_374 = vector.broadcast %reduce_sum3A_373 : i1 to vector<16xi1>
        %reduce_sum3A_375 = tpu.scan <sum>, %scan3A_236#19 masked %reduce_sum3A_374 : vector<16xf32>, vector<16xi1> -> vector<16xf32>
        %reduce_sum3A_376 = vector.extract %reduce_sum3A_375[15] : f32 from vector<16xf32>
        %broadcast_in_dim3A_377 = vector.broadcast %reduce_sum3A_376 : f32 to vector<16xf32>
        %select_n3A_378 = arith.select %eq3A_366, %broadcast_in_dim3A_377, %select_n3A_357 : vector<16xi1>, vector<16xf32>
        %reduce_sum3A_379 = arith.constant true
        %reduce_sum3A_380 = vector.broadcast %reduce_sum3A_379 : i1 to vector<16xi1>
        %reduce_sum3A_381 = tpu.scan <sum>, %scan3A_236#20 masked %reduce_sum3A_380 : vector<16xf32>, vector<16xi1> -> vector<16xf32>
        %reduce_sum3A_382 = vector.extract %reduce_sum3A_381[15] : f32 from vector<16xf32>
        %broadcast_in_dim3A_383 = vector.broadcast %reduce_sum3A_382 : f32 to vector<16xf32>
        %select_n3A_384 = arith.select %eq3A_366, %broadcast_in_dim3A_383, %select_n3A_363 : vector<16xi1>, vector<16xf32>
        %eq3A_385 = arith.constant 15 : i32
        %eq3A_386 = vector.broadcast %eq3A_385 : i32 to vector<16xi32>
        %eq3A_387 = arith.cmpi eq, %iota3A, %eq3A_386 : vector<16xi32>
        %reduce_sum3A_388 = arith.constant true
        %reduce_sum3A_389 = vector.broadcast %reduce_sum3A_388 : i1 to vector<16xi1>
        %reduce_sum3A_390 = tpu.scan <sum>, %scan3A_236#21 masked %reduce_sum3A_389 : vector<16xf32>, vector<16xi1> -> vector<16xf32>
        %reduce_sum3A_391 = vector.extract %reduce_sum3A_390[15] : f32 from vector<16xf32>
        %broadcast_in_dim3A_392 = vector.broadcast %reduce_sum3A_391 : f32 to vector<16xf32>
        %select_n3A_393 = arith.select %eq3A_387, %broadcast_in_dim3A_392, %select_n3A_372 : vector<16xi1>, vector<16xf32>
        %reduce_sum3A_394 = arith.constant true
        %reduce_sum3A_395 = vector.broadcast %reduce_sum3A_394 : i1 to vector<16xi1>
        %reduce_sum3A_396 = tpu.scan <sum>, %scan3A_236#22 masked %reduce_sum3A_395 : vector<16xf32>, vector<16xi1> -> vector<16xf32>
        %reduce_sum3A_397 = vector.extract %reduce_sum3A_396[15] : f32 from vector<16xf32>
        %broadcast_in_dim3A_398 = vector.broadcast %reduce_sum3A_397 : f32 to vector<16xf32>
        %select_n3A_399 = arith.select %eq3A_387, %broadcast_in_dim3A_398, %select_n3A_378 : vector<16xi1>, vector<16xf32>
        %reduce_sum3A_400 = arith.constant true
        %reduce_sum3A_401 = vector.broadcast %reduce_sum3A_400 : i1 to vector<16xi1>
        %reduce_sum3A_402 = tpu.scan <sum>, %scan3A_236#23 masked %reduce_sum3A_401 : vector<16xf32>, vector<16xi1> -> vector<16xf32>
        %reduce_sum3A_403 = vector.extract %reduce_sum3A_402[15] : f32 from vector<16xf32>
        %broadcast_in_dim3A_404 = vector.broadcast %reduce_sum3A_403 : f32 to vector<16xf32>
        %select_n3A_405 = arith.select %eq3A_387, %broadcast_in_dim3A_404, %select_n3A_384 : vector<16xi1>, vector<16xf32>
        %max3A = arith.maximumf %select_n3A_393, %select_n3A_399 : vector<16xf32>
        %max3A_406 = arith.maximumf %max3A, %select_n3A_405 : vector<16xf32>
        %sub3A = arith.subf %select_n3A_393, %max3A_406 : vector<16xf32>
        %exp3A = math.exp %sub3A : vector<16xf32>
        %sub3A_407 = arith.subf %select_n3A_399, %max3A_406 : vector<16xf32>
        %exp3A_408 = math.exp %sub3A_407 : vector<16xf32>
        %add3A_409 = arith.addf %exp3A, %exp3A_408 : vector<16xf32>
        %sub3A_410 = arith.subf %select_n3A_405, %max3A_406 : vector<16xf32>
        %exp3A_411 = math.exp %sub3A_410 : vector<16xf32>
        %add3A_412 = arith.addf %add3A_409, %exp3A_411 : vector<16xf32>
        %mul3A_413 = arith.constant 32 : i32
        %mul3A_414 = arith.muli %add3A_22, %mul3A_413 : i32
        %mul3A_415 = arith.constant 16 : i32
        %mul3A_416 = arith.muli %add3A_60, %mul3A_415 : i32
        %add3A_417 = arith.addi %mul3A_414, %mul3A_416 : i32
        %div3A = arith.constant 1.000000e+00 : f32
        %div3A_418 = vector.broadcast %div3A : f32 to vector<16xf32>
        %div3A_419 = arith.divf %div3A_418, %add3A_412 : vector<16xf32>
        %swap3A = arith.index_cast %add3A_417 : i32 to index
        %swap3A_420 = tpu.vector_load %arg14[%swap3A] {strides = array<i32>} : memref<320xf32, #tpu.memory_space<vmem>>, vector<16xf32>,
        tpu.vector_store %arg14[%swap3A], %div3A_419 {strides = array<i32>} : memref<320xf32, #tpu.memory_space<vmem>>, vector<16xf32>,
        %swap3A_421 = arith.index_cast %add3A_417 : i32 to index
        %swap3A_422 = tpu.vector_load %arg11[%swap3A_421] {strides = array<i32>} : memref<320xf32, #tpu.memory_space<vmem>>, vector<16xf32>,
        tpu.vector_store %arg11[%swap3A_421], %select_n3A_393 {strides = array<i32>} : memref<320xf32, #tpu.memory_space<vmem>>, vector<16xf32>,
        %swap3A_423 = arith.index_cast %add3A_417 : i32 to index
        %swap3A_424 = tpu.vector_load %arg12[%swap3A_423] {strides = array<i32>} : memref<320xf32, #tpu.memory_space<vmem>>, vector<16xf32>,
        tpu.vector_store %arg12[%swap3A_423], %select_n3A_399 {strides = array<i32>} : memref<320xf32, #tpu.memory_space<vmem>>, vector<16xf32>,
        %swap3A_425 = arith.index_cast %add3A_417 : i32 to index
        %swap3A_426 = tpu.vector_load %arg13[%swap3A_425] {strides = array<i32>} : memref<320xf32, #tpu.memory_space<vmem>>, vector<16xf32>,
        tpu.vector_store %arg13[%swap3A_425], %select_n3A_405 {strides = array<i32>} : memref<320xf32, #tpu.memory_space<vmem>>, vector<16xf32>,
      }
      %scan3A_31 = arith.constant 2 : i32
      %add3A_32 = arith.constant 2 : i32
      %add3A_33 = arith.addi %add3A_22, %add3A_32 : i32
      %lt3A = arith.constant 10 : i32
      %lt3A_34 = arith.cmpi slt, %add3A_33, %lt3A : i32
      %convert_element_type3A = arith.extui %lt3A_34 : i1 to i32
      %cond3A = arith.constant 0 : i32
      %cond3A_35 = arith.cmpi ne, %convert_element_type3A, %cond3A : i32
      scf.if %cond3A_35 {
        %add3A_56 = arith.constant 2 : i32
        %add3A_57 = arith.addi %add3A_22, %add3A_56 : i32
        %mul3A_58 = arith.constant 32 : i32
        %mul3A_59 = arith.muli %add3A_57, %mul3A_58 : i32
        %add3A_60 = arith.addi %mul3A_2, %mul3A_59 : i32
        %dma_start3A_61 = arith.constant 0 : i32
        %dma_start3A_62 = tpu.memref_slice %arg2[%add3A_60, %dma_start3A_61] : memref<32768x768xf32, #tpu.memory_space<hbm>> -> memref<32x768xf32, #tpu.memory_space<hbm>>
        %dma_start3A_63 = arith.constant 0 : i32
        %dma_start3A_64 = tpu.memref_slice %arg2[%add3A_60, %dma_start3A_63] : memref<32768x768xf32, #tpu.memory_space<hbm>> -> memref<32x768xf32, #tpu.memory_space<hbm>>
        tpu.enqueue_dma source(%dma_start3A_64 : memref<32x768xf32, #tpu.memory_space<hbm>>) target(%arg9 : memref<32x768xf32, #tpu.memory_space<vmem>>) target_semaphore(%arg15 : memref<!tpu.dma_semaphore, #tpu.memory_space<semaphore_mem>>)
      } else {
      }
      %dma_wait3A_36 = arith.constant 0 : i32
      %dma_wait3A_37 = tpu.memref_slice %arg2[%mul3A_2, %dma_wait3A_36] : memref<32768x768xf32, #tpu.memory_space<hbm>> -> memref<32x768xf32, #tpu.memory_space<hbm>>
      %dma_wait3A_38 = arith.constant 0 : i32
      %dma_wait3A_39 = tpu.memref_slice %arg2[%mul3A_2, %dma_wait3A_38] : memref<32768x768xf32, #tpu.memory_space<hbm>> -> memref<32x768xf32, #tpu.memory_space<hbm>>
      tpu.wait_dma2 semaphore(%arg16 : memref<!tpu.dma_semaphore, #tpu.memory_space<semaphore_mem>>) src(%dma_wait3A_39 : memref<32x768xf32, #tpu.memory_space<hbm>>) dst(%arg10 : memref<32x768xf32, #tpu.memory_space<vmem>>)
      %add3A_40 = arith.constant 1 : i32
      %add3A_41 = arith.addi %add3A_22, %add3A_40 : i32
      %broadcast_in_dim3A_42 = arith.constant 0.000000e+00 : f32
      %broadcast_in_dim3A_43 = vector.broadcast %broadcast_in_dim3A_42 : f32 to vector<16xf32>
      %scan3A_44 = arith.constant 0 : i32
      %scan3A_45 = arith.constant 2 : i32
      %scan3A_46 = arith.addi %scan3A_44, %scan3A_45 : i32
      %scan3A_47 = arith.constant 1 : i32
      scf.for %scan3A_56 = %scan3A_44 to %scan3A_46 step %scan3A_47  : i32 {
        %mul3A_57 = arith.constant 1 : i32
        %mul3A_58 = arith.muli %scan3A_56, %mul3A_57 : i32
        %add3A_59 = arith.constant 0 : i32
        %add3A_60 = arith.addi %add3A_59, %mul3A_58 : i32
        %scan3A_61 = arith.constant 0 : i32
        %scan3A_62 = arith.constant 48 : i32
        %scan3A_63 = arith.addi %scan3A_61, %scan3A_62 : i32
        %scan3A_64 = arith.constant 2 : i32
        %scan3A_65:24 = scf.for %scan3A_427 = %scan3A_61 to %scan3A_63 step %scan3A_64 iter_args(%scan3A_428 = %broadcast_in_dim3A_43, %scan3A_429 = %broadcast_in_dim3A_43, %scan3A_430 = %broadcast_in_dim3A_43, %scan3A_431 = %broadcast_in_dim3A_43, %scan3A_432 = %broadcast_in_dim3A_43, %scan3A_433 = %broadcast_in_dim3A_43, %scan3A_434 = %broadcast_in_dim3A_43, %scan3A_435 = %broadcast_in_dim3A_43, %scan3A_436 = %broadcast_in_dim3A_43, %scan3A_437 = %broadcast_in_dim3A_43, %scan3A_438 = %broadcast_in_dim3A_43, %scan3A_439 = %broadcast_in_dim3A_43, %scan3A_440 = %broadcast_in_dim3A_43, %scan3A_441 = %broadcast_in_dim3A_43, %scan3A_442 = %broadcast_in_dim3A_43, %scan3A_443 = %broadcast_in_dim3A_43, %scan3A_444 = %broadcast_in_dim3A_43, %scan3A_445 = %broadcast_in_dim3A_43, %scan3A_446 = %broadcast_in_dim3A_43, %scan3A_447 = %broadcast_in_dim3A_43, %scan3A_448 = %broadcast_in_dim3A_43, %scan3A_449 = %broadcast_in_dim3A_43, %scan3A_450 = %broadcast_in_dim3A_43, %scan3A_451 = %broadcast_in_dim3A_43) -> (vector<16xf32>, vector<16xf32>, vector<16xf32>, vector<16xf32>, vector<16xf32>, vector<16xf32>, vector<16xf32>, vector<16xf32>, vector<16xf32>, vector<16xf32>, vector<16xf32>, vector<16xf32>, vector<16xf32>, vector<16xf32>, vector<16xf32>, vector<16xf32>, vector<16xf32>, vector<16xf32>, vector<16xf32>, vector<16xf32>, vector<16xf32>, vector<16xf32>, vector<16xf32>, vector<16xf32>)  : i32 {
          %mul3A_452 = arith.constant 1 : i32
          %mul3A_453 = arith.muli %scan3A_427, %mul3A_452 : i32
          %add3A_454 = arith.constant 0 : i32
          %add3A_455 = arith.addi %add3A_454, %mul3A_453 : i32
          %mul3A_456 = arith.constant 16 : i32
          %mul3A_457 = arith.muli %add3A_455, %mul3A_456 : i32
          %get3A = arith.constant 0 : i32
          %get3A_458 = arith.index_cast %get3A : i32 to index
          %get3A_459 = arith.index_cast %mul3A_457 : i32 to index
          %get3A_460 = tpu.vector_load %arg8[%get3A_458, %get3A_459] {strides = array<i32>} : memref<3x768xf32, #tpu.memory_space<vmem>>, vector<16xf32>,
          %get3A_461 = arith.constant 1 : i32
          %get3A_462 = arith.index_cast %get3A_461 : i32 to index
          %get3A_463 = arith.index_cast %mul3A_457 : i32 to index
          %get3A_464 = tpu.vector_load %arg8[%get3A_462, %get3A_463] {strides = array<i32>} : memref<3x768xf32, #tpu.memory_space<vmem>>, vector<16xf32>,
          %get3A_465 = arith.constant 2 : i32
          %get3A_466 = arith.index_cast %get3A_465 : i32 to index
          %get3A_467 = arith.index_cast %mul3A_457 : i32 to index
          %get3A_468 = tpu.vector_load %arg8[%get3A_466, %get3A_467] {strides = array<i32>} : memref<3x768xf32, #tpu.memory_space<vmem>>, vector<16xf32>,
          %mul3A_469 = arith.constant 16 : i32
          %mul3A_470 = arith.muli %add3A_60, %mul3A_469 : i32
          %add3A_471 = arith.constant 0 : i32
          %add3A_472 = arith.addi %mul3A_470, %add3A_471 : i32
          %add3A_473 = arith.constant 0 : i32
          %add3A_474 = arith.addi %add3A_472, %add3A_473 : i32
          %get3A_475 = arith.index_cast %add3A_474 : i32 to index
          %get3A_476 = arith.index_cast %mul3A_457 : i32 to index
          %get3A_477 = tpu.vector_load %arg10[%get3A_475, %get3A_476] {strides = array<i32>} : memref<32x768xf32, #tpu.memory_space<vmem>>, vector<16xf32>,
          %mul3A_478 = arith.mulf %get3A_477, %get3A_460 : vector<16xf32>
          %add3A_479 = arith.addf %scan3A_428, %mul3A_478 : vector<16xf32>
          %mul3A_480 = arith.mulf %get3A_477, %get3A_464 : vector<16xf32>
          %add3A_481 = arith.addf %scan3A_429, %mul3A_480 : vector<16xf32>
          %mul3A_482 = arith.mulf %get3A_477, %get3A_468 : vector<16xf32>
          %add3A_483 = arith.addf %scan3A_430, %mul3A_482 : vector<16xf32>
          %add3A_484 = arith.constant 1 : i32
          %add3A_485 = arith.addi %add3A_472, %add3A_484 : i32
          %get3A_486 = arith.index_cast %add3A_485 : i32 to index
          %get3A_487 = arith.index_cast %mul3A_457 : i32 to index
          %get3A_488 = tpu.vector_load %arg10[%get3A_486, %get3A_487] {strides = array<i32>} : memref<32x768xf32, #tpu.memory_space<vmem>>, vector<16xf32>,
          %mul3A_489 = arith.mulf %get3A_488, %get3A_460 : vector<16xf32>
          %add3A_490 = arith.addf %scan3A_431, %mul3A_489 : vector<16xf32>
          %mul3A_491 = arith.mulf %get3A_488, %get3A_464 : vector<16xf32>
          %add3A_492 = arith.addf %scan3A_432, %mul3A_491 : vector<16xf32>
          %mul3A_493 = arith.mulf %get3A_488, %get3A_468 : vector<16xf32>
          %add3A_494 = arith.addf %scan3A_433, %mul3A_493 : vector<16xf32>
          %add3A_495 = arith.constant 2 : i32
          %add3A_496 = arith.addi %add3A_472, %add3A_495 : i32
          %get3A_497 = arith.index_cast %add3A_496 : i32 to index
          %get3A_498 = arith.index_cast %mul3A_457 : i32 to index
          %get3A_499 = tpu.vector_load %arg10[%get3A_497, %get3A_498] {strides = array<i32>} : memref<32x768xf32, #tpu.memory_space<vmem>>, vector<16xf32>,
          %mul3A_500 = arith.mulf %get3A_499, %get3A_460 : vector<16xf32>
          %add3A_501 = arith.addf %scan3A_434, %mul3A_500 : vector<16xf32>
          %mul3A_502 = arith.mulf %get3A_499, %get3A_464 : vector<16xf32>
          %add3A_503 = arith.addf %scan3A_435, %mul3A_502 : vector<16xf32>
          %mul3A_504 = arith.mulf %get3A_499, %get3A_468 : vector<16xf32>
          %add3A_505 = arith.addf %scan3A_436, %mul3A_504 : vector<16xf32>
          %add3A_506 = arith.constant 3 : i32
          %add3A_507 = arith.addi %add3A_472, %add3A_506 : i32
          %get3A_508 = arith.index_cast %add3A_507 : i32 to index
          %get3A_509 = arith.index_cast %mul3A_457 : i32 to index
          %get3A_510 = tpu.vector_load %arg10[%get3A_508, %get3A_509] {strides = array<i32>} : memref<32x768xf32, #tpu.memory_space<vmem>>, vector<16xf32>,
          %mul3A_511 = arith.mulf %get3A_510, %get3A_460 : vector<16xf32>
          %add3A_512 = arith.addf %scan3A_437, %mul3A_511 : vector<16xf32>
          %mul3A_513 = arith.mulf %get3A_510, %get3A_464 : vector<16xf32>
          %add3A_514 = arith.addf %scan3A_438, %mul3A_513 : vector<16xf32>
          %mul3A_515 = arith.mulf %get3A_510, %get3A_468 : vector<16xf32>
          %add3A_516 = arith.addf %scan3A_439, %mul3A_515 : vector<16xf32>
          %add3A_517 = arith.constant 4 : i32
          %add3A_518 = arith.addi %add3A_472, %add3A_517 : i32
          %get3A_519 = arith.index_cast %add3A_518 : i32 to index
          %get3A_520 = arith.index_cast %mul3A_457 : i32 to index
          %get3A_521 = tpu.vector_load %arg10[%get3A_519, %get3A_520] {strides = array<i32>} : memref<32x768xf32, #tpu.memory_space<vmem>>, vector<16xf32>,
          %mul3A_522 = arith.mulf %get3A_521, %get3A_460 : vector<16xf32>
          %add3A_523 = arith.addf %scan3A_440, %mul3A_522 : vector<16xf32>
          %mul3A_524 = arith.mulf %get3A_521, %get3A_464 : vector<16xf32>
          %add3A_525 = arith.addf %scan3A_441, %mul3A_524 : vector<16xf32>
          %mul3A_526 = arith.mulf %get3A_521, %get3A_468 : vector<16xf32>
          %add3A_527 = arith.addf %scan3A_442, %mul3A_526 : vector<16xf32>
          %add3A_528 = arith.constant 5 : i32
          %add3A_529 = arith.addi %add3A_472, %add3A_528 : i32
          %get3A_530 = arith.index_cast %add3A_529 : i32 to index
          %get3A_531 = arith.index_cast %mul3A_457 : i32 to index
          %get3A_532 = tpu.vector_load %arg10[%get3A_530, %get3A_531] {strides = array<i32>} : memref<32x768xf32, #tpu.memory_space<vmem>>, vector<16xf32>,
          %mul3A_533 = arith.mulf %get3A_532, %get3A_460 : vector<16xf32>
          %add3A_534 = arith.addf %scan3A_443, %mul3A_533 : vector<16xf32>
          %mul3A_535 = arith.mulf %get3A_532, %get3A_464 : vector<16xf32>
          %add3A_536 = arith.addf %scan3A_444, %mul3A_535 : vector<16xf32>
          %mul3A_537 = arith.mulf %get3A_532, %get3A_468 : vector<16xf32>
          %add3A_538 = arith.addf %scan3A_445, %mul3A_537 : vector<16xf32>
          %add3A_539 = arith.constant 6 : i32
          %add3A_540 = arith.addi %add3A_472, %add3A_539 : i32
          %get3A_541 = arith.index_cast %add3A_540 : i32 to index
          %get3A_542 = arith.index_cast %mul3A_457 : i32 to index
          %get3A_543 = tpu.vector_load %arg10[%get3A_541, %get3A_542] {strides = array<i32>} : memref<32x768xf32, #tpu.memory_space<vmem>>, vector<16xf32>,
          %mul3A_544 = arith.mulf %get3A_543, %get3A_460 : vector<16xf32>
          %add3A_545 = arith.addf %scan3A_446, %mul3A_544 : vector<16xf32>
          %mul3A_546 = arith.mulf %get3A_543, %get3A_464 : vector<16xf32>
          %add3A_547 = arith.addf %scan3A_447, %mul3A_546 : vector<16xf32>
          %mul3A_548 = arith.mulf %get3A_543, %get3A_468 : vector<16xf32>
          %add3A_549 = arith.addf %scan3A_448, %mul3A_548 : vector<16xf32>
          %add3A_550 = arith.constant 7 : i32
          %add3A_551 = arith.addi %add3A_472, %add3A_550 : i32
          %get3A_552 = arith.index_cast %add3A_551 : i32 to index
          %get3A_553 = arith.index_cast %mul3A_457 : i32 to index
          %get3A_554 = tpu.vector_load %arg10[%get3A_552, %get3A_553] {strides = array<i32>} : memref<32x768xf32, #tpu.memory_space<vmem>>, vector<16xf32>,
          %mul3A_555 = arith.mulf %get3A_554, %get3A_460 : vector<16xf32>
          %add3A_556 = arith.addf %scan3A_449, %mul3A_555 : vector<16xf32>
          %mul3A_557 = arith.mulf %get3A_554, %get3A_464 : vector<16xf32>
          %add3A_558 = arith.addf %scan3A_450, %mul3A_557 : vector<16xf32>
          %mul3A_559 = arith.mulf %get3A_554, %get3A_468 : vector<16xf32>
          %add3A_560 = arith.addf %scan3A_451, %mul3A_559 : vector<16xf32>
          %scan3A_561 = arith.constant 1 : i32
          %scan3A_562 = arith.addi %scan3A_427, %scan3A_561 : i32
          %mul3A_563 = arith.constant 1 : i32
          %mul3A_564 = arith.muli %scan3A_562, %mul3A_563 : i32
          %add3A_565 = arith.constant 0 : i32
          %add3A_566 = arith.addi %add3A_565, %mul3A_564 : i32
          %mul3A_567 = arith.constant 16 : i32
          %mul3A_568 = arith.muli %add3A_566, %mul3A_567 : i32
          %get3A_569 = arith.constant 0 : i32
          %get3A_570 = arith.index_cast %get3A_569 : i32 to index
          %get3A_571 = arith.index_cast %mul3A_568 : i32 to index
          %get3A_572 = tpu.vector_load %arg8[%get3A_570, %get3A_571] {strides = array<i32>} : memref<3x768xf32, #tpu.memory_space<vmem>>, vector<16xf32>,
          %get3A_573 = arith.constant 1 : i32
          %get3A_574 = arith.index_cast %get3A_573 : i32 to index
          %get3A_575 = arith.index_cast %mul3A_568 : i32 to index
          %get3A_576 = tpu.vector_load %arg8[%get3A_574, %get3A_575] {strides = array<i32>} : memref<3x768xf32, #tpu.memory_space<vmem>>, vector<16xf32>,
          %get3A_577 = arith.constant 2 : i32
          %get3A_578 = arith.index_cast %get3A_577 : i32 to index
          %get3A_579 = arith.index_cast %mul3A_568 : i32 to index
          %get3A_580 = tpu.vector_load %arg8[%get3A_578, %get3A_579] {strides = array<i32>} : memref<3x768xf32, #tpu.memory_space<vmem>>, vector<16xf32>,
          %mul3A_581 = arith.constant 16 : i32
          %mul3A_582 = arith.muli %add3A_60, %mul3A_581 : i32
          %add3A_583 = arith.constant 0 : i32
          %add3A_584 = arith.addi %mul3A_582, %add3A_583 : i32
          %add3A_585 = arith.constant 0 : i32
          %add3A_586 = arith.addi %add3A_584, %add3A_585 : i32
          %get3A_587 = arith.index_cast %add3A_586 : i32 to index
          %get3A_588 = arith.index_cast %mul3A_568 : i32 to index
          %get3A_589 = tpu.vector_load %arg10[%get3A_587, %get3A_588] {strides = array<i32>} : memref<32x768xf32, #tpu.memory_space<vmem>>, vector<16xf32>,
          %mul3A_590 = arith.mulf %get3A_589, %get3A_572 : vector<16xf32>
          %add3A_591 = arith.addf %add3A_479, %mul3A_590 : vector<16xf32>
          %mul3A_592 = arith.mulf %get3A_589, %get3A_576 : vector<16xf32>
          %add3A_593 = arith.addf %add3A_481, %mul3A_592 : vector<16xf32>
          %mul3A_594 = arith.mulf %get3A_589, %get3A_580 : vector<16xf32>
          %add3A_595 = arith.addf %add3A_483, %mul3A_594 : vector<16xf32>
          %add3A_596 = arith.constant 1 : i32
          %add3A_597 = arith.addi %add3A_584, %add3A_596 : i32
          %get3A_598 = arith.index_cast %add3A_597 : i32 to index
          %get3A_599 = arith.index_cast %mul3A_568 : i32 to index
          %get3A_600 = tpu.vector_load %arg10[%get3A_598, %get3A_599] {strides = array<i32>} : memref<32x768xf32, #tpu.memory_space<vmem>>, vector<16xf32>,
          %mul3A_601 = arith.mulf %get3A_600, %get3A_572 : vector<16xf32>
          %add3A_602 = arith.addf %add3A_490, %mul3A_601 : vector<16xf32>
          %mul3A_603 = arith.mulf %get3A_600, %get3A_576 : vector<16xf32>
          %add3A_604 = arith.addf %add3A_492, %mul3A_603 : vector<16xf32>
          %mul3A_605 = arith.mulf %get3A_600, %get3A_580 : vector<16xf32>
          %add3A_606 = arith.addf %add3A_494, %mul3A_605 : vector<16xf32>
          %add3A_607 = arith.constant 2 : i32
          %add3A_608 = arith.addi %add3A_584, %add3A_607 : i32
          %get3A_609 = arith.index_cast %add3A_608 : i32 to index
          %get3A_610 = arith.index_cast %mul3A_568 : i32 to index
          %get3A_611 = tpu.vector_load %arg10[%get3A_609, %get3A_610] {strides = array<i32>} : memref<32x768xf32, #tpu.memory_space<vmem>>, vector<16xf32>,
          %mul3A_612 = arith.mulf %get3A_611, %get3A_572 : vector<16xf32>
          %add3A_613 = arith.addf %add3A_501, %mul3A_612 : vector<16xf32>
          %mul3A_614 = arith.mulf %get3A_611, %get3A_576 : vector<16xf32>
          %add3A_615 = arith.addf %add3A_503, %mul3A_614 : vector<16xf32>
          %mul3A_616 = arith.mulf %get3A_611, %get3A_580 : vector<16xf32>
          %add3A_617 = arith.addf %add3A_505, %mul3A_616 : vector<16xf32>
          %add3A_618 = arith.constant 3 : i32
          %add3A_619 = arith.addi %add3A_584, %add3A_618 : i32
          %get3A_620 = arith.index_cast %add3A_619 : i32 to index
          %get3A_621 = arith.index_cast %mul3A_568 : i32 to index
          %get3A_622 = tpu.vector_load %arg10[%get3A_620, %get3A_621] {strides = array<i32>} : memref<32x768xf32, #tpu.memory_space<vmem>>, vector<16xf32>,
          %mul3A_623 = arith.mulf %get3A_622, %get3A_572 : vector<16xf32>
          %add3A_624 = arith.addf %add3A_512, %mul3A_623 : vector<16xf32>
          %mul3A_625 = arith.mulf %get3A_622, %get3A_576 : vector<16xf32>
          %add3A_626 = arith.addf %add3A_514, %mul3A_625 : vector<16xf32>
          %mul3A_627 = arith.mulf %get3A_622, %get3A_580 : vector<16xf32>
          %add3A_628 = arith.addf %add3A_516, %mul3A_627 : vector<16xf32>
          %add3A_629 = arith.constant 4 : i32
          %add3A_630 = arith.addi %add3A_584, %add3A_629 : i32
          %get3A_631 = arith.index_cast %add3A_630 : i32 to index
          %get3A_632 = arith.index_cast %mul3A_568 : i32 to index
          %get3A_633 = tpu.vector_load %arg10[%get3A_631, %get3A_632] {strides = array<i32>} : memref<32x768xf32, #tpu.memory_space<vmem>>, vector<16xf32>,
          %mul3A_634 = arith.mulf %get3A_633, %get3A_572 : vector<16xf32>
          %add3A_635 = arith.addf %add3A_523, %mul3A_634 : vector<16xf32>
          %mul3A_636 = arith.mulf %get3A_633, %get3A_576 : vector<16xf32>
          %add3A_637 = arith.addf %add3A_525, %mul3A_636 : vector<16xf32>
          %mul3A_638 = arith.mulf %get3A_633, %get3A_580 : vector<16xf32>
          %add3A_639 = arith.addf %add3A_527, %mul3A_638 : vector<16xf32>
          %add3A_640 = arith.constant 5 : i32
          %add3A_641 = arith.addi %add3A_584, %add3A_640 : i32
          %get3A_642 = arith.index_cast %add3A_641 : i32 to index
          %get3A_643 = arith.index_cast %mul3A_568 : i32 to index
          %get3A_644 = tpu.vector_load %arg10[%get3A_642, %get3A_643] {strides = array<i32>} : memref<32x768xf32, #tpu.memory_space<vmem>>, vector<16xf32>,
          %mul3A_645 = arith.mulf %get3A_644, %get3A_572 : vector<16xf32>
          %add3A_646 = arith.addf %add3A_534, %mul3A_645 : vector<16xf32>
          %mul3A_647 = arith.mulf %get3A_644, %get3A_576 : vector<16xf32>
          %add3A_648 = arith.addf %add3A_536, %mul3A_647 : vector<16xf32>
          %mul3A_649 = arith.mulf %get3A_644, %get3A_580 : vector<16xf32>
          %add3A_650 = arith.addf %add3A_538, %mul3A_649 : vector<16xf32>
          %add3A_651 = arith.constant 6 : i32
          %add3A_652 = arith.addi %add3A_584, %add3A_651 : i32
          %get3A_653 = arith.index_cast %add3A_652 : i32 to index
          %get3A_654 = arith.index_cast %mul3A_568 : i32 to index
          %get3A_655 = tpu.vector_load %arg10[%get3A_653, %get3A_654] {strides = array<i32>} : memref<32x768xf32, #tpu.memory_space<vmem>>, vector<16xf32>,
          %mul3A_656 = arith.mulf %get3A_655, %get3A_572 : vector<16xf32>
          %add3A_657 = arith.addf %add3A_545, %mul3A_656 : vector<16xf32>
          %mul3A_658 = arith.mulf %get3A_655, %get3A_576 : vector<16xf32>
          %add3A_659 = arith.addf %add3A_547, %mul3A_658 : vector<16xf32>
          %mul3A_660 = arith.mulf %get3A_655, %get3A_580 : vector<16xf32>
          %add3A_661 = arith.addf %add3A_549, %mul3A_660 : vector<16xf32>
          %add3A_662 = arith.constant 7 : i32
          %add3A_663 = arith.addi %add3A_584, %add3A_662 : i32
          %get3A_664 = arith.index_cast %add3A_663 : i32 to index
          %get3A_665 = arith.index_cast %mul3A_568 : i32 to index
          %get3A_666 = tpu.vector_load %arg10[%get3A_664, %get3A_665] {strides = array<i32>} : memref<32x768xf32, #tpu.memory_space<vmem>>, vector<16xf32>,
          %mul3A_667 = arith.mulf %get3A_666, %get3A_572 : vector<16xf32>
          %add3A_668 = arith.addf %add3A_556, %mul3A_667 : vector<16xf32>
          %mul3A_669 = arith.mulf %get3A_666, %get3A_576 : vector<16xf32>
          %add3A_670 = arith.addf %add3A_558, %mul3A_669 : vector<16xf32>
          %mul3A_671 = arith.mulf %get3A_666, %get3A_580 : vector<16xf32>
          %add3A_672 = arith.addf %add3A_560, %mul3A_671 : vector<16xf32>
          scf.yield %add3A_591, %add3A_593, %add3A_595, %add3A_602, %add3A_604, %add3A_606, %add3A_613, %add3A_615, %add3A_617, %add3A_624, %add3A_626, %add3A_628, %add3A_635, %add3A_637, %add3A_639, %add3A_646, %add3A_648, %add3A_650, %add3A_657, %add3A_659, %add3A_661, %add3A_668, %add3A_670, %add3A_672 : vector<16xf32>, vector<16xf32>, vector<16xf32>, vector<16xf32>, vector<16xf32>, vector<16xf32>, vector<16xf32>, vector<16xf32>, vector<16xf32>, vector<16xf32>, vector<16xf32>, vector<16xf32>, vector<16xf32>, vector<16xf32>, vector<16xf32>, vector<16xf32>, vector<16xf32>, vector<16xf32>, vector<16xf32>, vector<16xf32>, vector<16xf32>, vector<16xf32>, vector<16xf32>, vector<16xf32>
        }
        %scan3A_66 = arith.constant 48 : i32
        %eq3A = arith.constant 0 : i32
        %eq3A_67 = vector.broadcast %eq3A : i32 to vector<16xi32>
        %eq3A_68 = arith.cmpi eq, %iota3A, %eq3A_67 : vector<16xi32>
        %reduce_sum3A = arith.constant true
        %reduce_sum3A_69 = vector.broadcast %reduce_sum3A : i1 to vector<16xi1>
        %reduce_sum3A_70 = tpu.scan <sum>, %scan3A_65#0 masked %reduce_sum3A_69 : vector<16xf32>, vector<16xi1> -> vector<16xf32>
        %reduce_sum3A_71 = vector.extract %reduce_sum3A_70[15] : f32 from vector<16xf32>
        %broadcast_in_dim3A_72 = vector.broadcast %reduce_sum3A_71 : f32 to vector<16xf32>
        %select_n3A = arith.select %eq3A_68, %broadcast_in_dim3A_72, %broadcast_in_dim3A_43 : vector<16xi1>, vector<16xf32>
        %reduce_sum3A_73 = arith.constant true
        %reduce_sum3A_74 = vector.broadcast %reduce_sum3A_73 : i1 to vector<16xi1>
        %reduce_sum3A_75 = tpu.scan <sum>, %scan3A_65#1 masked %reduce_sum3A_74 : vector<16xf32>, vector<16xi1> -> vector<16xf32>
        %reduce_sum3A_76 = vector.extract %reduce_sum3A_75[15] : f32 from vector<16xf32>
        %broadcast_in_dim3A_77 = vector.broadcast %reduce_sum3A_76 : f32 to vector<16xf32>
        %select_n3A_78 = arith.select %eq3A_68, %broadcast_in_dim3A_77, %broadcast_in_dim3A_43 : vector<16xi1>, vector<16xf32>
        %reduce_sum3A_79 = arith.constant true
        %reduce_sum3A_80 = vector.broadcast %reduce_sum3A_79 : i1 to vector<16xi1>
        %reduce_sum3A_81 = tpu.scan <sum>, %scan3A_65#2 masked %reduce_sum3A_80 : vector<16xf32>, vector<16xi1> -> vector<16xf32>
        %reduce_sum3A_82 = vector.extract %reduce_sum3A_81[15] : f32 from vector<16xf32>
        %broadcast_in_dim3A_83 = vector.broadcast %reduce_sum3A_82 : f32 to vector<16xf32>
        %select_n3A_84 = arith.select %eq3A_68, %broadcast_in_dim3A_83, %broadcast_in_dim3A_43 : vector<16xi1>, vector<16xf32>
        %eq3A_85 = arith.constant 1 : i32
        %eq3A_86 = vector.broadcast %eq3A_85 : i32 to vector<16xi32>
        %eq3A_87 = arith.cmpi eq, %iota3A, %eq3A_86 : vector<16xi32>
        %reduce_sum3A_88 = arith.constant true
        %reduce_sum3A_89 = vector.broadcast %reduce_sum3A_88 : i1 to vector<16xi1>
        %reduce_sum3A_90 = tpu.scan <sum>, %scan3A_65#3 masked %reduce_sum3A_89 : vector<16xf32>, vector<16xi1> -> vector<16xf32>
        %reduce_sum3A_91 = vector.extract %reduce_sum3A_90[15] : f32 from vector<16xf32>
        %broadcast_in_dim3A_92 = vector.broadcast %reduce_sum3A_91 : f32 to vector<16xf32>
        %select_n3A_93 = arith.select %eq3A_87, %broadcast_in_dim3A_92, %select_n3A : vector<16xi1>, vector<16xf32>
        %reduce_sum3A_94 = arith.constant true
        %reduce_sum3A_95 = vector.broadcast %reduce_sum3A_94 : i1 to vector<16xi1>
        %reduce_sum3A_96 = tpu.scan <sum>, %scan3A_65#4 masked %reduce_sum3A_95 : vector<16xf32>, vector<16xi1> -> vector<16xf32>
        %reduce_sum3A_97 = vector.extract %reduce_sum3A_96[15] : f32 from vector<16xf32>
        %broadcast_in_dim3A_98 = vector.broadcast %reduce_sum3A_97 : f32 to vector<16xf32>
        %select_n3A_99 = arith.select %eq3A_87, %broadcast_in_dim3A_98, %select_n3A_78 : vector<16xi1>, vector<16xf32>
        %reduce_sum3A_100 = arith.constant true
        %reduce_sum3A_101 = vector.broadcast %reduce_sum3A_100 : i1 to vector<16xi1>
        %reduce_sum3A_102 = tpu.scan <sum>, %scan3A_65#5 masked %reduce_sum3A_101 : vector<16xf32>, vector<16xi1> -> vector<16xf32>
        %reduce_sum3A_103 = vector.extract %reduce_sum3A_102[15] : f32 from vector<16xf32>
        %broadcast_in_dim3A_104 = vector.broadcast %reduce_sum3A_103 : f32 to vector<16xf32>
        %select_n3A_105 = arith.select %eq3A_87, %broadcast_in_dim3A_104, %select_n3A_84 : vector<16xi1>, vector<16xf32>
        %eq3A_106 = arith.constant 2 : i32
        %eq3A_107 = vector.broadcast %eq3A_106 : i32 to vector<16xi32>
        %eq3A_108 = arith.cmpi eq, %iota3A, %eq3A_107 : vector<16xi32>
        %reduce_sum3A_109 = arith.constant true
        %reduce_sum3A_110 = vector.broadcast %reduce_sum3A_109 : i1 to vector<16xi1>
        %reduce_sum3A_111 = tpu.scan <sum>, %scan3A_65#6 masked %reduce_sum3A_110 : vector<16xf32>, vector<16xi1> -> vector<16xf32>
        %reduce_sum3A_112 = vector.extract %reduce_sum3A_111[15] : f32 from vector<16xf32>
        %broadcast_in_dim3A_113 = vector.broadcast %reduce_sum3A_112 : f32 to vector<16xf32>
        %select_n3A_114 = arith.select %eq3A_108, %broadcast_in_dim3A_113, %select_n3A_93 : vector<16xi1>, vector<16xf32>
        %reduce_sum3A_115 = arith.constant true
        %reduce_sum3A_116 = vector.broadcast %reduce_sum3A_115 : i1 to vector<16xi1>
        %reduce_sum3A_117 = tpu.scan <sum>, %scan3A_65#7 masked %reduce_sum3A_116 : vector<16xf32>, vector<16xi1> -> vector<16xf32>
        %reduce_sum3A_118 = vector.extract %reduce_sum3A_117[15] : f32 from vector<16xf32>
        %broadcast_in_dim3A_119 = vector.broadcast %reduce_sum3A_118 : f32 to vector<16xf32>
        %select_n3A_120 = arith.select %eq3A_108, %broadcast_in_dim3A_119, %select_n3A_99 : vector<16xi1>, vector<16xf32>
        %reduce_sum3A_121 = arith.constant true
        %reduce_sum3A_122 = vector.broadcast %reduce_sum3A_121 : i1 to vector<16xi1>
        %reduce_sum3A_123 = tpu.scan <sum>, %scan3A_65#8 masked %reduce_sum3A_122 : vector<16xf32>, vector<16xi1> -> vector<16xf32>
        %reduce_sum3A_124 = vector.extract %reduce_sum3A_123[15] : f32 from vector<16xf32>
        %broadcast_in_dim3A_125 = vector.broadcast %reduce_sum3A_124 : f32 to vector<16xf32>
        %select_n3A_126 = arith.select %eq3A_108, %broadcast_in_dim3A_125, %select_n3A_105 : vector<16xi1>, vector<16xf32>
        %eq3A_127 = arith.constant 3 : i32
        %eq3A_128 = vector.broadcast %eq3A_127 : i32 to vector<16xi32>
        %eq3A_129 = arith.cmpi eq, %iota3A, %eq3A_128 : vector<16xi32>
        %reduce_sum3A_130 = arith.constant true
        %reduce_sum3A_131 = vector.broadcast %reduce_sum3A_130 : i1 to vector<16xi1>
        %reduce_sum3A_132 = tpu.scan <sum>, %scan3A_65#9 masked %reduce_sum3A_131 : vector<16xf32>, vector<16xi1> -> vector<16xf32>
        %reduce_sum3A_133 = vector.extract %reduce_sum3A_132[15] : f32 from vector<16xf32>
        %broadcast_in_dim3A_134 = vector.broadcast %reduce_sum3A_133 : f32 to vector<16xf32>
        %select_n3A_135 = arith.select %eq3A_129, %broadcast_in_dim3A_134, %select_n3A_114 : vector<16xi1>, vector<16xf32>
        %reduce_sum3A_136 = arith.constant true
        %reduce_sum3A_137 = vector.broadcast %reduce_sum3A_136 : i1 to vector<16xi1>
        %reduce_sum3A_138 = tpu.scan <sum>, %scan3A_65#10 masked %reduce_sum3A_137 : vector<16xf32>, vector<16xi1> -> vector<16xf32>
        %reduce_sum3A_139 = vector.extract %reduce_sum3A_138[15] : f32 from vector<16xf32>
        %broadcast_in_dim3A_140 = vector.broadcast %reduce_sum3A_139 : f32 to vector<16xf32>
        %select_n3A_141 = arith.select %eq3A_129, %broadcast_in_dim3A_140, %select_n3A_120 : vector<16xi1>, vector<16xf32>
        %reduce_sum3A_142 = arith.constant true
        %reduce_sum3A_143 = vector.broadcast %reduce_sum3A_142 : i1 to vector<16xi1>
        %reduce_sum3A_144 = tpu.scan <sum>, %scan3A_65#11 masked %reduce_sum3A_143 : vector<16xf32>, vector<16xi1> -> vector<16xf32>
        %reduce_sum3A_145 = vector.extract %reduce_sum3A_144[15] : f32 from vector<16xf32>
        %broadcast_in_dim3A_146 = vector.broadcast %reduce_sum3A_145 : f32 to vector<16xf32>
        %select_n3A_147 = arith.select %eq3A_129, %broadcast_in_dim3A_146, %select_n3A_126 : vector<16xi1>, vector<16xf32>
        %eq3A_148 = arith.constant 4 : i32
        %eq3A_149 = vector.broadcast %eq3A_148 : i32 to vector<16xi32>
        %eq3A_150 = arith.cmpi eq, %iota3A, %eq3A_149 : vector<16xi32>
        %reduce_sum3A_151 = arith.constant true
        %reduce_sum3A_152 = vector.broadcast %reduce_sum3A_151 : i1 to vector<16xi1>
        %reduce_sum3A_153 = tpu.scan <sum>, %scan3A_65#12 masked %reduce_sum3A_152 : vector<16xf32>, vector<16xi1> -> vector<16xf32>
        %reduce_sum3A_154 = vector.extract %reduce_sum3A_153[15] : f32 from vector<16xf32>
        %broadcast_in_dim3A_155 = vector.broadcast %reduce_sum3A_154 : f32 to vector<16xf32>
        %select_n3A_156 = arith.select %eq3A_150, %broadcast_in_dim3A_155, %select_n3A_135 : vector<16xi1>, vector<16xf32>
        %reduce_sum3A_157 = arith.constant true
        %reduce_sum3A_158 = vector.broadcast %reduce_sum3A_157 : i1 to vector<16xi1>
        %reduce_sum3A_159 = tpu.scan <sum>, %scan3A_65#13 masked %reduce_sum3A_158 : vector<16xf32>, vector<16xi1> -> vector<16xf32>
        %reduce_sum3A_160 = vector.extract %reduce_sum3A_159[15] : f32 from vector<16xf32>
        %broadcast_in_dim3A_161 = vector.broadcast %reduce_sum3A_160 : f32 to vector<16xf32>
        %select_n3A_162 = arith.select %eq3A_150, %broadcast_in_dim3A_161, %select_n3A_141 : vector<16xi1>, vector<16xf32>
        %reduce_sum3A_163 = arith.constant true
        %reduce_sum3A_164 = vector.broadcast %reduce_sum3A_163 : i1 to vector<16xi1>
        %reduce_sum3A_165 = tpu.scan <sum>, %scan3A_65#14 masked %reduce_sum3A_164 : vector<16xf32>, vector<16xi1> -> vector<16xf32>
        %reduce_sum3A_166 = vector.extract %reduce_sum3A_165[15] : f32 from vector<16xf32>
        %broadcast_in_dim3A_167 = vector.broadcast %reduce_sum3A_166 : f32 to vector<16xf32>
        %select_n3A_168 = arith.select %eq3A_150, %broadcast_in_dim3A_167, %select_n3A_147 : vector<16xi1>, vector<16xf32>
        %eq3A_169 = arith.constant 5 : i32
        %eq3A_170 = vector.broadcast %eq3A_169 : i32 to vector<16xi32>
        %eq3A_171 = arith.cmpi eq, %iota3A, %eq3A_170 : vector<16xi32>
        %reduce_sum3A_172 = arith.constant true
        %reduce_sum3A_173 = vector.broadcast %reduce_sum3A_172 : i1 to vector<16xi1>
        %reduce_sum3A_174 = tpu.scan <sum>, %scan3A_65#15 masked %reduce_sum3A_173 : vector<16xf32>, vector<16xi1> -> vector<16xf32>
        %reduce_sum3A_175 = vector.extract %reduce_sum3A_174[15] : f32 from vector<16xf32>
        %broadcast_in_dim3A_176 = vector.broadcast %reduce_sum3A_175 : f32 to vector<16xf32>
        %select_n3A_177 = arith.select %eq3A_171, %broadcast_in_dim3A_176, %select_n3A_156 : vector<16xi1>, vector<16xf32>
        %reduce_sum3A_178 = arith.constant true
        %reduce_sum3A_179 = vector.broadcast %reduce_sum3A_178 : i1 to vector<16xi1>
        %reduce_sum3A_180 = tpu.scan <sum>, %scan3A_65#16 masked %reduce_sum3A_179 : vector<16xf32>, vector<16xi1> -> vector<16xf32>
        %reduce_sum3A_181 = vector.extract %reduce_sum3A_180[15] : f32 from vector<16xf32>
        %broadcast_in_dim3A_182 = vector.broadcast %reduce_sum3A_181 : f32 to vector<16xf32>
        %select_n3A_183 = arith.select %eq3A_171, %broadcast_in_dim3A_182, %select_n3A_162 : vector<16xi1>, vector<16xf32>
        %reduce_sum3A_184 = arith.constant true
        %reduce_sum3A_185 = vector.broadcast %reduce_sum3A_184 : i1 to vector<16xi1>
        %reduce_sum3A_186 = tpu.scan <sum>, %scan3A_65#17 masked %reduce_sum3A_185 : vector<16xf32>, vector<16xi1> -> vector<16xf32>
        %reduce_sum3A_187 = vector.extract %reduce_sum3A_186[15] : f32 from vector<16xf32>
        %broadcast_in_dim3A_188 = vector.broadcast %reduce_sum3A_187 : f32 to vector<16xf32>
        %select_n3A_189 = arith.select %eq3A_171, %broadcast_in_dim3A_188, %select_n3A_168 : vector<16xi1>, vector<16xf32>
        %eq3A_190 = arith.constant 6 : i32
        %eq3A_191 = vector.broadcast %eq3A_190 : i32 to vector<16xi32>
        %eq3A_192 = arith.cmpi eq, %iota3A, %eq3A_191 : vector<16xi32>
        %reduce_sum3A_193 = arith.constant true
        %reduce_sum3A_194 = vector.broadcast %reduce_sum3A_193 : i1 to vector<16xi1>
        %reduce_sum3A_195 = tpu.scan <sum>, %scan3A_65#18 masked %reduce_sum3A_194 : vector<16xf32>, vector<16xi1> -> vector<16xf32>
        %reduce_sum3A_196 = vector.extract %reduce_sum3A_195[15] : f32 from vector<16xf32>
        %broadcast_in_dim3A_197 = vector.broadcast %reduce_sum3A_196 : f32 to vector<16xf32>
        %select_n3A_198 = arith.select %eq3A_192, %broadcast_in_dim3A_197, %select_n3A_177 : vector<16xi1>, vector<16xf32>
        %reduce_sum3A_199 = arith.constant true
        %reduce_sum3A_200 = vector.broadcast %reduce_sum3A_199 : i1 to vector<16xi1>
        %reduce_sum3A_201 = tpu.scan <sum>, %scan3A_65#19 masked %reduce_sum3A_200 : vector<16xf32>, vector<16xi1> -> vector<16xf32>
        %reduce_sum3A_202 = vector.extract %reduce_sum3A_201[15] : f32 from vector<16xf32>
        %broadcast_in_dim3A_203 = vector.broadcast %reduce_sum3A_202 : f32 to vector<16xf32>
        %select_n3A_204 = arith.select %eq3A_192, %broadcast_in_dim3A_203, %select_n3A_183 : vector<16xi1>, vector<16xf32>
        %reduce_sum3A_205 = arith.constant true
        %reduce_sum3A_206 = vector.broadcast %reduce_sum3A_205 : i1 to vector<16xi1>
        %reduce_sum3A_207 = tpu.scan <sum>, %scan3A_65#20 masked %reduce_sum3A_206 : vector<16xf32>, vector<16xi1> -> vector<16xf32>
        %reduce_sum3A_208 = vector.extract %reduce_sum3A_207[15] : f32 from vector<16xf32>
        %broadcast_in_dim3A_209 = vector.broadcast %reduce_sum3A_208 : f32 to vector<16xf32>
        %select_n3A_210 = arith.select %eq3A_192, %broadcast_in_dim3A_209, %select_n3A_189 : vector<16xi1>, vector<16xf32>
        %eq3A_211 = arith.constant 7 : i32
        %eq3A_212 = vector.broadcast %eq3A_211 : i32 to vector<16xi32>
        %eq3A_213 = arith.cmpi eq, %iota3A, %eq3A_212 : vector<16xi32>
        %reduce_sum3A_214 = arith.constant true
        %reduce_sum3A_215 = vector.broadcast %reduce_sum3A_214 : i1 to vector<16xi1>
        %reduce_sum3A_216 = tpu.scan <sum>, %scan3A_65#21 masked %reduce_sum3A_215 : vector<16xf32>, vector<16xi1> -> vector<16xf32>
        %reduce_sum3A_217 = vector.extract %reduce_sum3A_216[15] : f32 from vector<16xf32>
        %broadcast_in_dim3A_218 = vector.broadcast %reduce_sum3A_217 : f32 to vector<16xf32>
        %select_n3A_219 = arith.select %eq3A_213, %broadcast_in_dim3A_218, %select_n3A_198 : vector<16xi1>, vector<16xf32>
        %reduce_sum3A_220 = arith.constant true
        %reduce_sum3A_221 = vector.broadcast %reduce_sum3A_220 : i1 to vector<16xi1>
        %reduce_sum3A_222 = tpu.scan <sum>, %scan3A_65#22 masked %reduce_sum3A_221 : vector<16xf32>, vector<16xi1> -> vector<16xf32>
        %reduce_sum3A_223 = vector.extract %reduce_sum3A_222[15] : f32 from vector<16xf32>
        %broadcast_in_dim3A_224 = vector.broadcast %reduce_sum3A_223 : f32 to vector<16xf32>
        %select_n3A_225 = arith.select %eq3A_213, %broadcast_in_dim3A_224, %select_n3A_204 : vector<16xi1>, vector<16xf32>
        %reduce_sum3A_226 = arith.constant true
        %reduce_sum3A_227 = vector.broadcast %reduce_sum3A_226 : i1 to vector<16xi1>
        %reduce_sum3A_228 = tpu.scan <sum>, %scan3A_65#23 masked %reduce_sum3A_227 : vector<16xf32>, vector<16xi1> -> vector<16xf32>
        %reduce_sum3A_229 = vector.extract %reduce_sum3A_228[15] : f32 from vector<16xf32>
        %broadcast_in_dim3A_230 = vector.broadcast %reduce_sum3A_229 : f32 to vector<16xf32>
        %select_n3A_231 = arith.select %eq3A_213, %broadcast_in_dim3A_230, %select_n3A_210 : vector<16xi1>, vector<16xf32>
        %scan3A_232 = arith.constant 0 : i32
        %scan3A_233 = arith.constant 48 : i32
        %scan3A_234 = arith.addi %scan3A_232, %scan3A_233 : i32
        %scan3A_235 = arith.constant 2 : i32
        %scan3A_236:24 = scf.for %scan3A_427 = %scan3A_232 to %scan3A_234 step %scan3A_235 iter_args(%scan3A_428 = %broadcast_in_dim3A_43, %scan3A_429 = %broadcast_in_dim3A_43, %scan3A_430 = %broadcast_in_dim3A_43, %scan3A_431 = %broadcast_in_dim3A_43, %scan3A_432 = %broadcast_in_dim3A_43, %scan3A_433 = %broadcast_in_dim3A_43, %scan3A_434 = %broadcast_in_dim3A_43, %scan3A_435 = %broadcast_in_dim3A_43, %scan3A_436 = %broadcast_in_dim3A_43, %scan3A_437 = %broadcast_in_dim3A_43, %scan3A_438 = %broadcast_in_dim3A_43, %scan3A_439 = %broadcast_in_dim3A_43, %scan3A_440 = %broadcast_in_dim3A_43, %scan3A_441 = %broadcast_in_dim3A_43, %scan3A_442 = %broadcast_in_dim3A_43, %scan3A_443 = %broadcast_in_dim3A_43, %scan3A_444 = %broadcast_in_dim3A_43, %scan3A_445 = %broadcast_in_dim3A_43, %scan3A_446 = %broadcast_in_dim3A_43, %scan3A_447 = %broadcast_in_dim3A_43, %scan3A_448 = %broadcast_in_dim3A_43, %scan3A_449 = %broadcast_in_dim3A_43, %scan3A_450 = %broadcast_in_dim3A_43, %scan3A_451 = %broadcast_in_dim3A_43) -> (vector<16xf32>, vector<16xf32>, vector<16xf32>, vector<16xf32>, vector<16xf32>, vector<16xf32>, vector<16xf32>, vector<16xf32>, vector<16xf32>, vector<16xf32>, vector<16xf32>, vector<16xf32>, vector<16xf32>, vector<16xf32>, vector<16xf32>, vector<16xf32>, vector<16xf32>, vector<16xf32>, vector<16xf32>, vector<16xf32>, vector<16xf32>, vector<16xf32>, vector<16xf32>, vector<16xf32>)  : i32 {
          %mul3A_452 = arith.constant 1 : i32
          %mul3A_453 = arith.muli %scan3A_427, %mul3A_452 : i32
          %add3A_454 = arith.constant 0 : i32
          %add3A_455 = arith.addi %add3A_454, %mul3A_453 : i32
          %mul3A_456 = arith.constant 16 : i32
          %mul3A_457 = arith.muli %add3A_455, %mul3A_456 : i32
          %get3A = arith.constant 0 : i32
          %get3A_458 = arith.index_cast %get3A : i32 to index
          %get3A_459 = arith.index_cast %mul3A_457 : i32 to index
          %get3A_460 = tpu.vector_load %arg8[%get3A_458, %get3A_459] {strides = array<i32>} : memref<3x768xf32, #tpu.memory_space<vmem>>, vector<16xf32>,
          %get3A_461 = arith.constant 1 : i32
          %get3A_462 = arith.index_cast %get3A_461 : i32 to index
          %get3A_463 = arith.index_cast %mul3A_457 : i32 to index
          %get3A_464 = tpu.vector_load %arg8[%get3A_462, %get3A_463] {strides = array<i32>} : memref<3x768xf32, #tpu.memory_space<vmem>>, vector<16xf32>,
          %get3A_465 = arith.constant 2 : i32
          %get3A_466 = arith.index_cast %get3A_465 : i32 to index
          %get3A_467 = arith.index_cast %mul3A_457 : i32 to index
          %get3A_468 = tpu.vector_load %arg8[%get3A_466, %get3A_467] {strides = array<i32>} : memref<3x768xf32, #tpu.memory_space<vmem>>, vector<16xf32>,
          %mul3A_469 = arith.constant 16 : i32
          %mul3A_470 = arith.muli %add3A_60, %mul3A_469 : i32
          %add3A_471 = arith.constant 8 : i32
          %add3A_472 = arith.addi %mul3A_470, %add3A_471 : i32
          %add3A_473 = arith.constant 0 : i32
          %add3A_474 = arith.addi %add3A_472, %add3A_473 : i32
          %get3A_475 = arith.index_cast %add3A_474 : i32 to index
          %get3A_476 = arith.index_cast %mul3A_457 : i32 to index
          %get3A_477 = tpu.vector_load %arg10[%get3A_475, %get3A_476] {strides = array<i32>} : memref<32x768xf32, #tpu.memory_space<vmem>>, vector<16xf32>,
          %mul3A_478 = arith.mulf %get3A_477, %get3A_460 : vector<16xf32>
          %add3A_479 = arith.addf %scan3A_428, %mul3A_478 : vector<16xf32>
          %mul3A_480 = arith.mulf %get3A_477, %get3A_464 : vector<16xf32>
          %add3A_481 = arith.addf %scan3A_429, %mul3A_480 : vector<16xf32>
          %mul3A_482 = arith.mulf %get3A_477, %get3A_468 : vector<16xf32>
          %add3A_483 = arith.addf %scan3A_430, %mul3A_482 : vector<16xf32>
          %add3A_484 = arith.constant 1 : i32
          %add3A_485 = arith.addi %add3A_472, %add3A_484 : i32
          %get3A_486 = arith.index_cast %add3A_485 : i32 to index
          %get3A_487 = arith.index_cast %mul3A_457 : i32 to index
          %get3A_488 = tpu.vector_load %arg10[%get3A_486, %get3A_487] {strides = array<i32>} : memref<32x768xf32, #tpu.memory_space<vmem>>, vector<16xf32>,
          %mul3A_489 = arith.mulf %get3A_488, %get3A_460 : vector<16xf32>
          %add3A_490 = arith.addf %scan3A_431, %mul3A_489 : vector<16xf32>
          %mul3A_491 = arith.mulf %get3A_488, %get3A_464 : vector<16xf32>
          %add3A_492 = arith.addf %scan3A_432, %mul3A_491 : vector<16xf32>
          %mul3A_493 = arith.mulf %get3A_488, %get3A_468 : vector<16xf32>
          %add3A_494 = arith.addf %scan3A_433, %mul3A_493 : vector<16xf32>
          %add3A_495 = arith.constant 2 : i32
          %add3A_496 = arith.addi %add3A_472, %add3A_495 : i32
          %get3A_497 = arith.index_cast %add3A_496 : i32 to index
          %get3A_498 = arith.index_cast %mul3A_457 : i32 to index
          %get3A_499 = tpu.vector_load %arg10[%get3A_497, %get3A_498] {strides = array<i32>} : memref<32x768xf32, #tpu.memory_space<vmem>>, vector<16xf32>,
          %mul3A_500 = arith.mulf %get3A_499, %get3A_460 : vector<16xf32>
          %add3A_501 = arith.addf %scan3A_434, %mul3A_500 : vector<16xf32>
          %mul3A_502 = arith.mulf %get3A_499, %get3A_464 : vector<16xf32>
          %add3A_503 = arith.addf %scan3A_435, %mul3A_502 : vector<16xf32>
          %mul3A_504 = arith.mulf %get3A_499, %get3A_468 : vector<16xf32>
          %add3A_505 = arith.addf %scan3A_436, %mul3A_504 : vector<16xf32>
          %add3A_506 = arith.constant 3 : i32
          %add3A_507 = arith.addi %add3A_472, %add3A_506 : i32
          %get3A_508 = arith.index_cast %add3A_507 : i32 to index
          %get3A_509 = arith.index_cast %mul3A_457 : i32 to index
          %get3A_510 = tpu.vector_load %arg10[%get3A_508, %get3A_509] {strides = array<i32>} : memref<32x768xf32, #tpu.memory_space<vmem>>, vector<16xf32>,
          %mul3A_511 = arith.mulf %get3A_510, %get3A_460 : vector<16xf32>
          %add3A_512 = arith.addf %scan3A_437, %mul3A_511 : vector<16xf32>
          %mul3A_513 = arith.mulf %get3A_510, %get3A_464 : vector<16xf32>
          %add3A_514 = arith.addf %scan3A_438, %mul3A_513 : vector<16xf32>
          %mul3A_515 = arith.mulf %get3A_510, %get3A_468 : vector<16xf32>
          %add3A_516 = arith.addf %scan3A_439, %mul3A_515 : vector<16xf32>
          %add3A_517 = arith.constant 4 : i32
          %add3A_518 = arith.addi %add3A_472, %add3A_517 : i32
          %get3A_519 = arith.index_cast %add3A_518 : i32 to index
          %get3A_520 = arith.index_cast %mul3A_457 : i32 to index
          %get3A_521 = tpu.vector_load %arg10[%get3A_519, %get3A_520] {strides = array<i32>} : memref<32x768xf32, #tpu.memory_space<vmem>>, vector<16xf32>,
          %mul3A_522 = arith.mulf %get3A_521, %get3A_460 : vector<16xf32>
          %add3A_523 = arith.addf %scan3A_440, %mul3A_522 : vector<16xf32>
          %mul3A_524 = arith.mulf %get3A_521, %get3A_464 : vector<16xf32>
          %add3A_525 = arith.addf %scan3A_441, %mul3A_524 : vector<16xf32>
          %mul3A_526 = arith.mulf %get3A_521, %get3A_468 : vector<16xf32>
          %add3A_527 = arith.addf %scan3A_442, %mul3A_526 : vector<16xf32>
          %add3A_528 = arith.constant 5 : i32
          %add3A_529 = arith.addi %add3A_472, %add3A_528 : i32
          %get3A_530 = arith.index_cast %add3A_529 : i32 to index
          %get3A_531 = arith.index_cast %mul3A_457 : i32 to index
          %get3A_532 = tpu.vector_load %arg10[%get3A_530, %get3A_531] {strides = array<i32>} : memref<32x768xf32, #tpu.memory_space<vmem>>, vector<16xf32>,
          %mul3A_533 = arith.mulf %get3A_532, %get3A_460 : vector<16xf32>
          %add3A_534 = arith.addf %scan3A_443, %mul3A_533 : vector<16xf32>
          %mul3A_535 = arith.mulf %get3A_532, %get3A_464 : vector<16xf32>
          %add3A_536 = arith.addf %scan3A_444, %mul3A_535 : vector<16xf32>
          %mul3A_537 = arith.mulf %get3A_532, %get3A_468 : vector<16xf32>
          %add3A_538 = arith.addf %scan3A_445, %mul3A_537 : vector<16xf32>
          %add3A_539 = arith.constant 6 : i32
          %add3A_540 = arith.addi %add3A_472, %add3A_539 : i32
          %get3A_541 = arith.index_cast %add3A_540 : i32 to index
          %get3A_542 = arith.index_cast %mul3A_457 : i32 to index
          %get3A_543 = tpu.vector_load %arg10[%get3A_541, %get3A_542] {strides = array<i32>} : memref<32x768xf32, #tpu.memory_space<vmem>>, vector<16xf32>,
          %mul3A_544 = arith.mulf %get3A_543, %get3A_460 : vector<16xf32>
          %add3A_545 = arith.addf %scan3A_446, %mul3A_544 : vector<16xf32>
          %mul3A_546 = arith.mulf %get3A_543, %get3A_464 : vector<16xf32>
          %add3A_547 = arith.addf %scan3A_447, %mul3A_546 : vector<16xf32>
          %mul3A_548 = arith.mulf %get3A_543, %get3A_468 : vector<16xf32>
          %add3A_549 = arith.addf %scan3A_448, %mul3A_548 : vector<16xf32>
          %add3A_550 = arith.constant 7 : i32
          %add3A_551 = arith.addi %add3A_472, %add3A_550 : i32
          %get3A_552 = arith.index_cast %add3A_551 : i32 to index
          %get3A_553 = arith.index_cast %mul3A_457 : i32 to index
          %get3A_554 = tpu.vector_load %arg10[%get3A_552, %get3A_553] {strides = array<i32>} : memref<32x768xf32, #tpu.memory_space<vmem>>, vector<16xf32>,
          %mul3A_555 = arith.mulf %get3A_554, %get3A_460 : vector<16xf32>
          %add3A_556 = arith.addf %scan3A_449, %mul3A_555 : vector<16xf32>
          %mul3A_557 = arith.mulf %get3A_554, %get3A_464 : vector<16xf32>
          %add3A_558 = arith.addf %scan3A_450, %mul3A_557 : vector<16xf32>
          %mul3A_559 = arith.mulf %get3A_554, %get3A_468 : vector<16xf32>
          %add3A_560 = arith.addf %scan3A_451, %mul3A_559 : vector<16xf32>
          %scan3A_561 = arith.constant 1 : i32
          %scan3A_562 = arith.addi %scan3A_427, %scan3A_561 : i32
          %mul3A_563 = arith.constant 1 : i32
          %mul3A_564 = arith.muli %scan3A_562, %mul3A_563 : i32
          %add3A_565 = arith.constant 0 : i32
          %add3A_566 = arith.addi %add3A_565, %mul3A_564 : i32
          %mul3A_567 = arith.constant 16 : i32
          %mul3A_568 = arith.muli %add3A_566, %mul3A_567 : i32
          %get3A_569 = arith.constant 0 : i32
          %get3A_570 = arith.index_cast %get3A_569 : i32 to index
          %get3A_571 = arith.index_cast %mul3A_568 : i32 to index
          %get3A_572 = tpu.vector_load %arg8[%get3A_570, %get3A_571] {strides = array<i32>} : memref<3x768xf32, #tpu.memory_space<vmem>>, vector<16xf32>,
          %get3A_573 = arith.constant 1 : i32
          %get3A_574 = arith.index_cast %get3A_573 : i32 to index
          %get3A_575 = arith.index_cast %mul3A_568 : i32 to index
          %get3A_576 = tpu.vector_load %arg8[%get3A_574, %get3A_575] {strides = array<i32>} : memref<3x768xf32, #tpu.memory_space<vmem>>, vector<16xf32>,
          %get3A_577 = arith.constant 2 : i32
          %get3A_578 = arith.index_cast %get3A_577 : i32 to index
          %get3A_579 = arith.index_cast %mul3A_568 : i32 to index
          %get3A_580 = tpu.vector_load %arg8[%get3A_578, %get3A_579] {strides = array<i32>} : memref<3x768xf32, #tpu.memory_space<vmem>>, vector<16xf32>,
          %mul3A_581 = arith.constant 16 : i32
          %mul3A_582 = arith.muli %add3A_60, %mul3A_581 : i32
          %add3A_583 = arith.constant 8 : i32
          %add3A_584 = arith.addi %mul3A_582, %add3A_583 : i32
          %add3A_585 = arith.constant 0 : i32
          %add3A_586 = arith.addi %add3A_584, %add3A_585 : i32
          %get3A_587 = arith.index_cast %add3A_586 : i32 to index
          %get3A_588 = arith.index_cast %mul3A_568 : i32 to index
          %get3A_589 = tpu.vector_load %arg10[%get3A_587, %get3A_588] {strides = array<i32>} : memref<32x768xf32, #tpu.memory_space<vmem>>, vector<16xf32>,
          %mul3A_590 = arith.mulf %get3A_589, %get3A_572 : vector<16xf32>
          %add3A_591 = arith.addf %add3A_479, %mul3A_590 : vector<16xf32>
          %mul3A_592 = arith.mulf %get3A_589, %get3A_576 : vector<16xf32>
          %add3A_593 = arith.addf %add3A_481, %mul3A_592 : vector<16xf32>
          %mul3A_594 = arith.mulf %get3A_589, %get3A_580 : vector<16xf32>
          %add3A_595 = arith.addf %add3A_483, %mul3A_594 : vector<16xf32>
          %add3A_596 = arith.constant 1 : i32
          %add3A_597 = arith.addi %add3A_584, %add3A_596 : i32
          %get3A_598 = arith.index_cast %add3A_597 : i32 to index
          %get3A_599 = arith.index_cast %mul3A_568 : i32 to index
          %get3A_600 = tpu.vector_load %arg10[%get3A_598, %get3A_599] {strides = array<i32>} : memref<32x768xf32, #tpu.memory_space<vmem>>, vector<16xf32>,
          %mul3A_601 = arith.mulf %get3A_600, %get3A_572 : vector<16xf32>
          %add3A_602 = arith.addf %add3A_490, %mul3A_601 : vector<16xf32>
          %mul3A_603 = arith.mulf %get3A_600, %get3A_576 : vector<16xf32>
          %add3A_604 = arith.addf %add3A_492, %mul3A_603 : vector<16xf32>
          %mul3A_605 = arith.mulf %get3A_600, %get3A_580 : vector<16xf32>
          %add3A_606 = arith.addf %add3A_494, %mul3A_605 : vector<16xf32>
          %add3A_607 = arith.constant 2 : i32
          %add3A_608 = arith.addi %add3A_584, %add3A_607 : i32
          %get3A_609 = arith.index_cast %add3A_608 : i32 to index
          %get3A_610 = arith.index_cast %mul3A_568 : i32 to index
          %get3A_611 = tpu.vector_load %arg10[%get3A_609, %get3A_610] {strides = array<i32>} : memref<32x768xf32, #tpu.memory_space<vmem>>, vector<16xf32>,
          %mul3A_612 = arith.mulf %get3A_611, %get3A_572 : vector<16xf32>
          %add3A_613 = arith.addf %add3A_501, %mul3A_612 : vector<16xf32>
          %mul3A_614 = arith.mulf %get3A_611, %get3A_576 : vector<16xf32>
          %add3A_615 = arith.addf %add3A_503, %mul3A_614 : vector<16xf32>
          %mul3A_616 = arith.mulf %get3A_611, %get3A_580 : vector<16xf32>
          %add3A_617 = arith.addf %add3A_505, %mul3A_616 : vector<16xf32>
          %add3A_618 = arith.constant 3 : i32
          %add3A_619 = arith.addi %add3A_584, %add3A_618 : i32
          %get3A_620 = arith.index_cast %add3A_619 : i32 to index
          %get3A_621 = arith.index_cast %mul3A_568 : i32 to index
          %get3A_622 = tpu.vector_load %arg10[%get3A_620, %get3A_621] {strides = array<i32>} : memref<32x768xf32, #tpu.memory_space<vmem>>, vector<16xf32>,
          %mul3A_623 = arith.mulf %get3A_622, %get3A_572 : vector<16xf32>
          %add3A_624 = arith.addf %add3A_512, %mul3A_623 : vector<16xf32>
          %mul3A_625 = arith.mulf %get3A_622, %get3A_576 : vector<16xf32>
          %add3A_626 = arith.addf %add3A_514, %mul3A_625 : vector<16xf32>
          %mul3A_627 = arith.mulf %get3A_622, %get3A_580 : vector<16xf32>
          %add3A_628 = arith.addf %add3A_516, %mul3A_627 : vector<16xf32>
          %add3A_629 = arith.constant 4 : i32
          %add3A_630 = arith.addi %add3A_584, %add3A_629 : i32
          %get3A_631 = arith.index_cast %add3A_630 : i32 to index
          %get3A_632 = arith.index_cast %mul3A_568 : i32 to index
          %get3A_633 = tpu.vector_load %arg10[%get3A_631, %get3A_632] {strides = array<i32>} : memref<32x768xf32, #tpu.memory_space<vmem>>, vector<16xf32>,
          %mul3A_634 = arith.mulf %get3A_633, %get3A_572 : vector<16xf32>
          %add3A_635 = arith.addf %add3A_523, %mul3A_634 : vector<16xf32>
          %mul3A_636 = arith.mulf %get3A_633, %get3A_576 : vector<16xf32>
          %add3A_637 = arith.addf %add3A_525, %mul3A_636 : vector<16xf32>
          %mul3A_638 = arith.mulf %get3A_633, %get3A_580 : vector<16xf32>
          %add3A_639 = arith.addf %add3A_527, %mul3A_638 : vector<16xf32>
          %add3A_640 = arith.constant 5 : i32
          %add3A_641 = arith.addi %add3A_584, %add3A_640 : i32
          %get3A_642 = arith.index_cast %add3A_641 : i32 to index
          %get3A_643 = arith.index_cast %mul3A_568 : i32 to index
          %get3A_644 = tpu.vector_load %arg10[%get3A_642, %get3A_643] {strides = array<i32>} : memref<32x768xf32, #tpu.memory_space<vmem>>, vector<16xf32>,
          %mul3A_645 = arith.mulf %get3A_644, %get3A_572 : vector<16xf32>
          %add3A_646 = arith.addf %add3A_534, %mul3A_645 : vector<16xf32>
          %mul3A_647 = arith.mulf %get3A_644, %get3A_576 : vector<16xf32>
          %add3A_648 = arith.addf %add3A_536, %mul3A_647 : vector<16xf32>
          %mul3A_649 = arith.mulf %get3A_644, %get3A_580 : vector<16xf32>
          %add3A_650 = arith.addf %add3A_538, %mul3A_649 : vector<16xf32>
          %add3A_651 = arith.constant 6 : i32
          %add3A_652 = arith.addi %add3A_584, %add3A_651 : i32
          %get3A_653 = arith.index_cast %add3A_652 : i32 to index
          %get3A_654 = arith.index_cast %mul3A_568 : i32 to index
          %get3A_655 = tpu.vector_load %arg10[%get3A_653, %get3A_654] {strides = array<i32>} : memref<32x768xf32, #tpu.memory_space<vmem>>, vector<16xf32>,
          %mul3A_656 = arith.mulf %get3A_655, %get3A_572 : vector<16xf32>
          %add3A_657 = arith.addf %add3A_545, %mul3A_656 : vector<16xf32>
          %mul3A_658 = arith.mulf %get3A_655, %get3A_576 : vector<16xf32>
          %add3A_659 = arith.addf %add3A_547, %mul3A_658 : vector<16xf32>
          %mul3A_660 = arith.mulf %get3A_655, %get3A_580 : vector<16xf32>
          %add3A_661 = arith.addf %add3A_549, %mul3A_660 : vector<16xf32>
          %add3A_662 = arith.constant 7 : i32
          %add3A_663 = arith.addi %add3A_584, %add3A_662 : i32
          %get3A_664 = arith.index_cast %add3A_663 : i32 to index
          %get3A_665 = arith.index_cast %mul3A_568 : i32 to index
          %get3A_666 = tpu.vector_load %arg10[%get3A_664, %get3A_665] {strides = array<i32>} : memref<32x768xf32, #tpu.memory_space<vmem>>, vector<16xf32>,
          %mul3A_667 = arith.mulf %get3A_666, %get3A_572 : vector<16xf32>
          %add3A_668 = arith.addf %add3A_556, %mul3A_667 : vector<16xf32>
          %mul3A_669 = arith.mulf %get3A_666, %get3A_576 : vector<16xf32>
          %add3A_670 = arith.addf %add3A_558, %mul3A_669 : vector<16xf32>
          %mul3A_671 = arith.mulf %get3A_666, %get3A_580 : vector<16xf32>
          %add3A_672 = arith.addf %add3A_560, %mul3A_671 : vector<16xf32>
          scf.yield %add3A_591, %add3A_593, %add3A_595, %add3A_602, %add3A_604, %add3A_606, %add3A_613, %add3A_615, %add3A_617, %add3A_624, %add3A_626, %add3A_628, %add3A_635, %add3A_637, %add3A_639, %add3A_646, %add3A_648, %add3A_650, %add3A_657, %add3A_659, %add3A_661, %add3A_668, %add3A_670, %add3A_672 : vector<16xf32>, vector<16xf32>, vector<16xf32>, vector<16xf32>, vector<16xf32>, vector<16xf32>, vector<16xf32>, vector<16xf32>, vector<16xf32>, vector<16xf32>, vector<16xf32>, vector<16xf32>, vector<16xf32>, vector<16xf32>, vector<16xf32>, vector<16xf32>, vector<16xf32>, vector<16xf32>, vector<16xf32>, vector<16xf32>, vector<16xf32>, vector<16xf32>, vector<16xf32>, vector<16xf32>
        }
        %scan3A_237 = arith.constant 48 : i32
        %eq3A_238 = arith.constant 8 : i32
        %eq3A_239 = vector.broadcast %eq3A_238 : i32 to vector<16xi32>
        %eq3A_240 = arith.cmpi eq, %iota3A, %eq3A_239 : vector<16xi32>
        %reduce_sum3A_241 = arith.constant true
        %reduce_sum3A_242 = vector.broadcast %reduce_sum3A_241 : i1 to vector<16xi1>
        %reduce_sum3A_243 = tpu.scan <sum>, %scan3A_236#0 masked %reduce_sum3A_242 : vector<16xf32>, vector<16xi1> -> vector<16xf32>
        %reduce_sum3A_244 = vector.extract %reduce_sum3A_243[15] : f32 from vector<16xf32>
        %broadcast_in_dim3A_245 = vector.broadcast %reduce_sum3A_244 : f32 to vector<16xf32>
        %select_n3A_246 = arith.select %eq3A_240, %broadcast_in_dim3A_245, %select_n3A_219 : vector<16xi1>, vector<16xf32>
        %reduce_sum3A_247 = arith.constant true
        %reduce_sum3A_248 = vector.broadcast %reduce_sum3A_247 : i1 to vector<16xi1>
        %reduce_sum3A_249 = tpu.scan <sum>, %scan3A_236#1 masked %reduce_sum3A_248 : vector<16xf32>, vector<16xi1> -> vector<16xf32>
        %reduce_sum3A_250 = vector.extract %reduce_sum3A_249[15] : f32 from vector<16xf32>
        %broadcast_in_dim3A_251 = vector.broadcast %reduce_sum3A_250 : f32 to vector<16xf32>
        %select_n3A_252 = arith.select %eq3A_240, %broadcast_in_dim3A_251, %select_n3A_225 : vector<16xi1>, vector<16xf32>
        %reduce_sum3A_253 = arith.constant true
        %reduce_sum3A_254 = vector.broadcast %reduce_sum3A_253 : i1 to vector<16xi1>
        %reduce_sum3A_255 = tpu.scan <sum>, %scan3A_236#2 masked %reduce_sum3A_254 : vector<16xf32>, vector<16xi1> -> vector<16xf32>
        %reduce_sum3A_256 = vector.extract %reduce_sum3A_255[15] : f32 from vector<16xf32>
        %broadcast_in_dim3A_257 = vector.broadcast %reduce_sum3A_256 : f32 to vector<16xf32>
        %select_n3A_258 = arith.select %eq3A_240, %broadcast_in_dim3A_257, %select_n3A_231 : vector<16xi1>, vector<16xf32>
        %eq3A_259 = arith.constant 9 : i32
        %eq3A_260 = vector.broadcast %eq3A_259 : i32 to vector<16xi32>
        %eq3A_261 = arith.cmpi eq, %iota3A, %eq3A_260 : vector<16xi32>
        %reduce_sum3A_262 = arith.constant true
        %reduce_sum3A_263 = vector.broadcast %reduce_sum3A_262 : i1 to vector<16xi1>
        %reduce_sum3A_264 = tpu.scan <sum>, %scan3A_236#3 masked %reduce_sum3A_263 : vector<16xf32>, vector<16xi1> -> vector<16xf32>
        %reduce_sum3A_265 = vector.extract %reduce_sum3A_264[15] : f32 from vector<16xf32>
        %broadcast_in_dim3A_266 = vector.broadcast %reduce_sum3A_265 : f32 to vector<16xf32>
        %select_n3A_267 = arith.select %eq3A_261, %broadcast_in_dim3A_266, %select_n3A_246 : vector<16xi1>, vector<16xf32>
        %reduce_sum3A_268 = arith.constant true
        %reduce_sum3A_269 = vector.broadcast %reduce_sum3A_268 : i1 to vector<16xi1>
        %reduce_sum3A_270 = tpu.scan <sum>, %scan3A_236#4 masked %reduce_sum3A_269 : vector<16xf32>, vector<16xi1> -> vector<16xf32>
        %reduce_sum3A_271 = vector.extract %reduce_sum3A_270[15] : f32 from vector<16xf32>
        %broadcast_in_dim3A_272 = vector.broadcast %reduce_sum3A_271 : f32 to vector<16xf32>
        %select_n3A_273 = arith.select %eq3A_261, %broadcast_in_dim3A_272, %select_n3A_252 : vector<16xi1>, vector<16xf32>
        %reduce_sum3A_274 = arith.constant true
        %reduce_sum3A_275 = vector.broadcast %reduce_sum3A_274 : i1 to vector<16xi1>
        %reduce_sum3A_276 = tpu.scan <sum>, %scan3A_236#5 masked %reduce_sum3A_275 : vector<16xf32>, vector<16xi1> -> vector<16xf32>
        %reduce_sum3A_277 = vector.extract %reduce_sum3A_276[15] : f32 from vector<16xf32>
        %broadcast_in_dim3A_278 = vector.broadcast %reduce_sum3A_277 : f32 to vector<16xf32>
        %select_n3A_279 = arith.select %eq3A_261, %broadcast_in_dim3A_278, %select_n3A_258 : vector<16xi1>, vector<16xf32>
        %eq3A_280 = arith.constant 10 : i32
        %eq3A_281 = vector.broadcast %eq3A_280 : i32 to vector<16xi32>
        %eq3A_282 = arith.cmpi eq, %iota3A, %eq3A_281 : vector<16xi32>
        %reduce_sum3A_283 = arith.constant true
        %reduce_sum3A_284 = vector.broadcast %reduce_sum3A_283 : i1 to vector<16xi1>
        %reduce_sum3A_285 = tpu.scan <sum>, %scan3A_236#6 masked %reduce_sum3A_284 : vector<16xf32>, vector<16xi1> -> vector<16xf32>
        %reduce_sum3A_286 = vector.extract %reduce_sum3A_285[15] : f32 from vector<16xf32>
        %broadcast_in_dim3A_287 = vector.broadcast %reduce_sum3A_286 : f32 to vector<16xf32>
        %select_n3A_288 = arith.select %eq3A_282, %broadcast_in_dim3A_287, %select_n3A_267 : vector<16xi1>, vector<16xf32>
        %reduce_sum3A_289 = arith.constant true
        %reduce_sum3A_290 = vector.broadcast %reduce_sum3A_289 : i1 to vector<16xi1>
        %reduce_sum3A_291 = tpu.scan <sum>, %scan3A_236#7 masked %reduce_sum3A_290 : vector<16xf32>, vector<16xi1> -> vector<16xf32>
        %reduce_sum3A_292 = vector.extract %reduce_sum3A_291[15] : f32 from vector<16xf32>
        %broadcast_in_dim3A_293 = vector.broadcast %reduce_sum3A_292 : f32 to vector<16xf32>
        %select_n3A_294 = arith.select %eq3A_282, %broadcast_in_dim3A_293, %select_n3A_273 : vector<16xi1>, vector<16xf32>
        %reduce_sum3A_295 = arith.constant true
        %reduce_sum3A_296 = vector.broadcast %reduce_sum3A_295 : i1 to vector<16xi1>
        %reduce_sum3A_297 = tpu.scan <sum>, %scan3A_236#8 masked %reduce_sum3A_296 : vector<16xf32>, vector<16xi1> -> vector<16xf32>
        %reduce_sum3A_298 = vector.extract %reduce_sum3A_297[15] : f32 from vector<16xf32>
        %broadcast_in_dim3A_299 = vector.broadcast %reduce_sum3A_298 : f32 to vector<16xf32>
        %select_n3A_300 = arith.select %eq3A_282, %broadcast_in_dim3A_299, %select_n3A_279 : vector<16xi1>, vector<16xf32>
        %eq3A_301 = arith.constant 11 : i32
        %eq3A_302 = vector.broadcast %eq3A_301 : i32 to vector<16xi32>
        %eq3A_303 = arith.cmpi eq, %iota3A, %eq3A_302 : vector<16xi32>
        %reduce_sum3A_304 = arith.constant true
        %reduce_sum3A_305 = vector.broadcast %reduce_sum3A_304 : i1 to vector<16xi1>
        %reduce_sum3A_306 = tpu.scan <sum>, %scan3A_236#9 masked %reduce_sum3A_305 : vector<16xf32>, vector<16xi1> -> vector<16xf32>
        %reduce_sum3A_307 = vector.extract %reduce_sum3A_306[15] : f32 from vector<16xf32>
        %broadcast_in_dim3A_308 = vector.broadcast %reduce_sum3A_307 : f32 to vector<16xf32>
        %select_n3A_309 = arith.select %eq3A_303, %broadcast_in_dim3A_308, %select_n3A_288 : vector<16xi1>, vector<16xf32>
        %reduce_sum3A_310 = arith.constant true
        %reduce_sum3A_311 = vector.broadcast %reduce_sum3A_310 : i1 to vector<16xi1>
        %reduce_sum3A_312 = tpu.scan <sum>, %scan3A_236#10 masked %reduce_sum3A_311 : vector<16xf32>, vector<16xi1> -> vector<16xf32>
        %reduce_sum3A_313 = vector.extract %reduce_sum3A_312[15] : f32 from vector<16xf32>
        %broadcast_in_dim3A_314 = vector.broadcast %reduce_sum3A_313 : f32 to vector<16xf32>
        %select_n3A_315 = arith.select %eq3A_303, %broadcast_in_dim3A_314, %select_n3A_294 : vector<16xi1>, vector<16xf32>
        %reduce_sum3A_316 = arith.constant true
        %reduce_sum3A_317 = vector.broadcast %reduce_sum3A_316 : i1 to vector<16xi1>
        %reduce_sum3A_318 = tpu.scan <sum>, %scan3A_236#11 masked %reduce_sum3A_317 : vector<16xf32>, vector<16xi1> -> vector<16xf32>
        %reduce_sum3A_319 = vector.extract %reduce_sum3A_318[15] : f32 from vector<16xf32>
        %broadcast_in_dim3A_320 = vector.broadcast %reduce_sum3A_319 : f32 to vector<16xf32>
        %select_n3A_321 = arith.select %eq3A_303, %broadcast_in_dim3A_320, %select_n3A_300 : vector<16xi1>, vector<16xf32>
        %eq3A_322 = arith.constant 12 : i32
        %eq3A_323 = vector.broadcast %eq3A_322 : i32 to vector<16xi32>
        %eq3A_324 = arith.cmpi eq, %iota3A, %eq3A_323 : vector<16xi32>
        %reduce_sum3A_325 = arith.constant true
        %reduce_sum3A_326 = vector.broadcast %reduce_sum3A_325 : i1 to vector<16xi1>
        %reduce_sum3A_327 = tpu.scan <sum>, %scan3A_236#12 masked %reduce_sum3A_326 : vector<16xf32>, vector<16xi1> -> vector<16xf32>
        %reduce_sum3A_328 = vector.extract %reduce_sum3A_327[15] : f32 from vector<16xf32>
        %broadcast_in_dim3A_329 = vector.broadcast %reduce_sum3A_328 : f32 to vector<16xf32>
        %select_n3A_330 = arith.select %eq3A_324, %broadcast_in_dim3A_329, %select_n3A_309 : vector<16xi1>, vector<16xf32>
        %reduce_sum3A_331 = arith.constant true
        %reduce_sum3A_332 = vector.broadcast %reduce_sum3A_331 : i1 to vector<16xi1>
        %reduce_sum3A_333 = tpu.scan <sum>, %scan3A_236#13 masked %reduce_sum3A_332 : vector<16xf32>, vector<16xi1> -> vector<16xf32>
        %reduce_sum3A_334 = vector.extract %reduce_sum3A_333[15] : f32 from vector<16xf32>
        %broadcast_in_dim3A_335 = vector.broadcast %reduce_sum3A_334 : f32 to vector<16xf32>
        %select_n3A_336 = arith.select %eq3A_324, %broadcast_in_dim3A_335, %select_n3A_315 : vector<16xi1>, vector<16xf32>
        %reduce_sum3A_337 = arith.constant true
        %reduce_sum3A_338 = vector.broadcast %reduce_sum3A_337 : i1 to vector<16xi1>
        %reduce_sum3A_339 = tpu.scan <sum>, %scan3A_236#14 masked %reduce_sum3A_338 : vector<16xf32>, vector<16xi1> -> vector<16xf32>
        %reduce_sum3A_340 = vector.extract %reduce_sum3A_339[15] : f32 from vector<16xf32>
        %broadcast_in_dim3A_341 = vector.broadcast %reduce_sum3A_340 : f32 to vector<16xf32>
        %select_n3A_342 = arith.select %eq3A_324, %broadcast_in_dim3A_341, %select_n3A_321 : vector<16xi1>, vector<16xf32>
        %eq3A_343 = arith.constant 13 : i32
        %eq3A_344 = vector.broadcast %eq3A_343 : i32 to vector<16xi32>
        %eq3A_345 = arith.cmpi eq, %iota3A, %eq3A_344 : vector<16xi32>
        %reduce_sum3A_346 = arith.constant true
        %reduce_sum3A_347 = vector.broadcast %reduce_sum3A_346 : i1 to vector<16xi1>
        %reduce_sum3A_348 = tpu.scan <sum>, %scan3A_236#15 masked %reduce_sum3A_347 : vector<16xf32>, vector<16xi1> -> vector<16xf32>
        %reduce_sum3A_349 = vector.extract %reduce_sum3A_348[15] : f32 from vector<16xf32>
        %broadcast_in_dim3A_350 = vector.broadcast %reduce_sum3A_349 : f32 to vector<16xf32>
        %select_n3A_351 = arith.select %eq3A_345, %broadcast_in_dim3A_350, %select_n3A_330 : vector<16xi1>, vector<16xf32>
        %reduce_sum3A_352 = arith.constant true
        %reduce_sum3A_353 = vector.broadcast %reduce_sum3A_352 : i1 to vector<16xi1>
        %reduce_sum3A_354 = tpu.scan <sum>, %scan3A_236#16 masked %reduce_sum3A_353 : vector<16xf32>, vector<16xi1> -> vector<16xf32>
        %reduce_sum3A_355 = vector.extract %reduce_sum3A_354[15] : f32 from vector<16xf32>
        %broadcast_in_dim3A_356 = vector.broadcast %reduce_sum3A_355 : f32 to vector<16xf32>
        %select_n3A_357 = arith.select %eq3A_345, %broadcast_in_dim3A_356, %select_n3A_336 : vector<16xi1>, vector<16xf32>
        %reduce_sum3A_358 = arith.constant true
        %reduce_sum3A_359 = vector.broadcast %reduce_sum3A_358 : i1 to vector<16xi1>
        %reduce_sum3A_360 = tpu.scan <sum>, %scan3A_236#17 masked %reduce_sum3A_359 : vector<16xf32>, vector<16xi1> -> vector<16xf32>
        %reduce_sum3A_361 = vector.extract %reduce_sum3A_360[15] : f32 from vector<16xf32>
        %broadcast_in_dim3A_362 = vector.broadcast %reduce_sum3A_361 : f32 to vector<16xf32>
        %select_n3A_363 = arith.select %eq3A_345, %broadcast_in_dim3A_362, %select_n3A_342 : vector<16xi1>, vector<16xf32>
        %eq3A_364 = arith.constant 14 : i32
        %eq3A_365 = vector.broadcast %eq3A_364 : i32 to vector<16xi32>
        %eq3A_366 = arith.cmpi eq, %iota3A, %eq3A_365 : vector<16xi32>
        %reduce_sum3A_367 = arith.constant true
        %reduce_sum3A_368 = vector.broadcast %reduce_sum3A_367 : i1 to vector<16xi1>
        %reduce_sum3A_369 = tpu.scan <sum>, %scan3A_236#18 masked %reduce_sum3A_368 : vector<16xf32>, vector<16xi1> -> vector<16xf32>
        %reduce_sum3A_370 = vector.extract %reduce_sum3A_369[15] : f32 from vector<16xf32>
        %broadcast_in_dim3A_371 = vector.broadcast %reduce_sum3A_370 : f32 to vector<16xf32>
        %select_n3A_372 = arith.select %eq3A_366, %broadcast_in_dim3A_371, %select_n3A_351 : vector<16xi1>, vector<16xf32>
        %reduce_sum3A_373 = arith.constant true
        %reduce_sum3A_374 = vector.broadcast %reduce_sum3A_373 : i1 to vector<16xi1>
        %reduce_sum3A_375 = tpu.scan <sum>, %scan3A_236#19 masked %reduce_sum3A_374 : vector<16xf32>, vector<16xi1> -> vector<16xf32>
        %reduce_sum3A_376 = vector.extract %reduce_sum3A_375[15] : f32 from vector<16xf32>
        %broadcast_in_dim3A_377 = vector.broadcast %reduce_sum3A_376 : f32 to vector<16xf32>
        %select_n3A_378 = arith.select %eq3A_366, %broadcast_in_dim3A_377, %select_n3A_357 : vector<16xi1>, vector<16xf32>
        %reduce_sum3A_379 = arith.constant true
        %reduce_sum3A_380 = vector.broadcast %reduce_sum3A_379 : i1 to vector<16xi1>
        %reduce_sum3A_381 = tpu.scan <sum>, %scan3A_236#20 masked %reduce_sum3A_380 : vector<16xf32>, vector<16xi1> -> vector<16xf32>
        %reduce_sum3A_382 = vector.extract %reduce_sum3A_381[15] : f32 from vector<16xf32>
        %broadcast_in_dim3A_383 = vector.broadcast %reduce_sum3A_382 : f32 to vector<16xf32>
        %select_n3A_384 = arith.select %eq3A_366, %broadcast_in_dim3A_383, %select_n3A_363 : vector<16xi1>, vector<16xf32>
        %eq3A_385 = arith.constant 15 : i32
        %eq3A_386 = vector.broadcast %eq3A_385 : i32 to vector<16xi32>
        %eq3A_387 = arith.cmpi eq, %iota3A, %eq3A_386 : vector<16xi32>
        %reduce_sum3A_388 = arith.constant true
        %reduce_sum3A_389 = vector.broadcast %reduce_sum3A_388 : i1 to vector<16xi1>
        %reduce_sum3A_390 = tpu.scan <sum>, %scan3A_236#21 masked %reduce_sum3A_389 : vector<16xf32>, vector<16xi1> -> vector<16xf32>
        %reduce_sum3A_391 = vector.extract %reduce_sum3A_390[15] : f32 from vector<16xf32>
        %broadcast_in_dim3A_392 = vector.broadcast %reduce_sum3A_391 : f32 to vector<16xf32>
        %select_n3A_393 = arith.select %eq3A_387, %broadcast_in_dim3A_392, %select_n3A_372 : vector<16xi1>, vector<16xf32>
        %reduce_sum3A_394 = arith.constant true
        %reduce_sum3A_395 = vector.broadcast %reduce_sum3A_394 : i1 to vector<16xi1>
        %reduce_sum3A_396 = tpu.scan <sum>, %scan3A_236#22 masked %reduce_sum3A_395 : vector<16xf32>, vector<16xi1> -> vector<16xf32>
        %reduce_sum3A_397 = vector.extract %reduce_sum3A_396[15] : f32 from vector<16xf32>
        %broadcast_in_dim3A_398 = vector.broadcast %reduce_sum3A_397 : f32 to vector<16xf32>
        %select_n3A_399 = arith.select %eq3A_387, %broadcast_in_dim3A_398, %select_n3A_378 : vector<16xi1>, vector<16xf32>
        %reduce_sum3A_400 = arith.constant true
        %reduce_sum3A_401 = vector.broadcast %reduce_sum3A_400 : i1 to vector<16xi1>
        %reduce_sum3A_402 = tpu.scan <sum>, %scan3A_236#23 masked %reduce_sum3A_401 : vector<16xf32>, vector<16xi1> -> vector<16xf32>
        %reduce_sum3A_403 = vector.extract %reduce_sum3A_402[15] : f32 from vector<16xf32>
        %broadcast_in_dim3A_404 = vector.broadcast %reduce_sum3A_403 : f32 to vector<16xf32>
        %select_n3A_405 = arith.select %eq3A_387, %broadcast_in_dim3A_404, %select_n3A_384 : vector<16xi1>, vector<16xf32>
        %max3A = arith.maximumf %select_n3A_393, %select_n3A_399 : vector<16xf32>
        %max3A_406 = arith.maximumf %max3A, %select_n3A_405 : vector<16xf32>
        %sub3A = arith.subf %select_n3A_393, %max3A_406 : vector<16xf32>
        %exp3A = math.exp %sub3A : vector<16xf32>
        %sub3A_407 = arith.subf %select_n3A_399, %max3A_406 : vector<16xf32>
        %exp3A_408 = math.exp %sub3A_407 : vector<16xf32>
        %add3A_409 = arith.addf %exp3A, %exp3A_408 : vector<16xf32>
        %sub3A_410 = arith.subf %select_n3A_405, %max3A_406 : vector<16xf32>
        %exp3A_411 = math.exp %sub3A_410 : vector<16xf32>
        %add3A_412 = arith.addf %add3A_409, %exp3A_411 : vector<16xf32>
        %mul3A_413 = arith.constant 32 : i32
        %mul3A_414 = arith.muli %add3A_41, %mul3A_413 : i32
        %mul3A_415 = arith.constant 16 : i32
        %mul3A_416 = arith.muli %add3A_60, %mul3A_415 : i32
        %add3A_417 = arith.addi %mul3A_414, %mul3A_416 : i32
        %div3A = arith.constant 1.000000e+00 : f32
        %div3A_418 = vector.broadcast %div3A : f32 to vector<16xf32>
        %div3A_419 = arith.divf %div3A_418, %add3A_412 : vector<16xf32>
        %swap3A = arith.index_cast %add3A_417 : i32 to index
        %swap3A_420 = tpu.vector_load %arg14[%swap3A] {strides = array<i32>} : memref<320xf32, #tpu.memory_space<vmem>>, vector<16xf32>,
        tpu.vector_store %arg14[%swap3A], %div3A_419 {strides = array<i32>} : memref<320xf32, #tpu.memory_space<vmem>>, vector<16xf32>,
        %swap3A_421 = arith.index_cast %add3A_417 : i32 to index
        %swap3A_422 = tpu.vector_load %arg11[%swap3A_421] {strides = array<i32>} : memref<320xf32, #tpu.memory_space<vmem>>, vector<16xf32>,
        tpu.vector_store %arg11[%swap3A_421], %select_n3A_393 {strides = array<i32>} : memref<320xf32, #tpu.memory_space<vmem>>, vector<16xf32>,
        %swap3A_423 = arith.index_cast %add3A_417 : i32 to index
        %swap3A_424 = tpu.vector_load %arg12[%swap3A_423] {strides = array<i32>} : memref<320xf32, #tpu.memory_space<vmem>>, vector<16xf32>,
        tpu.vector_store %arg12[%swap3A_423], %select_n3A_399 {strides = array<i32>} : memref<320xf32, #tpu.memory_space<vmem>>, vector<16xf32>,
        %swap3A_425 = arith.index_cast %add3A_417 : i32 to index
        %swap3A_426 = tpu.vector_load %arg13[%swap3A_425] {strides = array<i32>} : memref<320xf32, #tpu.memory_space<vmem>>, vector<16xf32>,
        tpu.vector_store %arg13[%swap3A_425], %select_n3A_405 {strides = array<i32>} : memref<320xf32, #tpu.memory_space<vmem>>, vector<16xf32>,
      }
      %scan3A_48 = arith.constant 2 : i32
      %add3A_49 = arith.constant 3 : i32
      %add3A_50 = arith.addi %add3A_22, %add3A_49 : i32
      %lt3A_51 = arith.constant 10 : i32
      %lt3A_52 = arith.cmpi slt, %add3A_50, %lt3A_51 : i32
      %convert_element_type3A_53 = arith.extui %lt3A_52 : i1 to i32
      %cond3A_54 = arith.constant 0 : i32
      %cond3A_55 = arith.cmpi ne, %convert_element_type3A_53, %cond3A_54 : i32
      scf.if %cond3A_55 {
        %add3A_56 = arith.constant 3 : i32
        %add3A_57 = arith.addi %add3A_22, %add3A_56 : i32
        %mul3A_58 = arith.constant 32 : i32
        %mul3A_59 = arith.muli %add3A_57, %mul3A_58 : i32
        %add3A_60 = arith.addi %mul3A_2, %mul3A_59 : i32
        %dma_start3A_61 = arith.constant 0 : i32
        %dma_start3A_62 = tpu.memref_slice %arg2[%add3A_60, %dma_start3A_61] : memref<32768x768xf32, #tpu.memory_space<hbm>> -> memref<32x768xf32, #tpu.memory_space<hbm>>
        %dma_start3A_63 = arith.constant 0 : i32
        %dma_start3A_64 = tpu.memref_slice %arg2[%add3A_60, %dma_start3A_63] : memref<32768x768xf32, #tpu.memory_space<hbm>> -> memref<32x768xf32, #tpu.memory_space<hbm>>
        tpu.enqueue_dma source(%dma_start3A_64 : memref<32x768xf32, #tpu.memory_space<hbm>>) target(%arg10 : memref<32x768xf32, #tpu.memory_space<vmem>>) target_semaphore(%arg16 : memref<!tpu.dma_semaphore, #tpu.memory_space<semaphore_mem>>)
      } else {
      }
    }
    %scan3A_17 = arith.constant 5 : i32
    "tpu.region"() ({
      %run_scoped3A = tpu.sem_alloc : memref<!tpu.dma_semaphore, #tpu.memory_space<semaphore_mem>>
      %dma_start3A_18 = tpu.memref_slice %arg4[%mul3A_2] : memref<10240xf32, #tpu.memory_space<hbm>> -> memref<320xf32, #tpu.memory_space<hbm>>
      %dma_start3A_19 = tpu.memref_slice %arg4[%mul3A_2] : memref<10240xf32, #tpu.memory_space<hbm>> -> memref<320xf32, #tpu.memory_space<hbm>>
      tpu.enqueue_dma source(%arg11 : memref<320xf32, #tpu.memory_space<vmem>>) target(%dma_start3A_19 : memref<320xf32, #tpu.memory_space<hbm>>) target_semaphore(%run_scoped3A : memref<!tpu.dma_semaphore, #tpu.memory_space<semaphore_mem>>)
      %dma_wait3A = tpu.memref_slice %arg4[%mul3A_2] : memref<10240xf32, #tpu.memory_space<hbm>> -> memref<320xf32, #tpu.memory_space<hbm>>
      %dma_wait3A_20 = tpu.memref_slice %arg4[%mul3A_2] : memref<10240xf32, #tpu.memory_space<hbm>> -> memref<320xf32, #tpu.memory_space<hbm>>
      tpu.wait_dma2 semaphore(%run_scoped3A : memref<!tpu.dma_semaphore, #tpu.memory_space<semaphore_mem>>) src(%arg11 : memref<320xf32, #tpu.memory_space<vmem>>) dst(%dma_wait3A_20 : memref<320xf32, #tpu.memory_space<hbm>>)
      tpu.yield
    }) : () -> ()
    "tpu.region"() ({
      %run_scoped3A = tpu.sem_alloc : memref<!tpu.dma_semaphore, #tpu.memory_space<semaphore_mem>>
      %dma_start3A_18 = tpu.memref_slice %arg5[%mul3A_2] : memref<10240xf32, #tpu.memory_space<hbm>> -> memref<320xf32, #tpu.memory_space<hbm>>
      %dma_start3A_19 = tpu.memref_slice %arg5[%mul3A_2] : memref<10240xf32, #tpu.memory_space<hbm>> -> memref<320xf32, #tpu.memory_space<hbm>>
      tpu.enqueue_dma source(%arg12 : memref<320xf32, #tpu.memory_space<vmem>>) target(%dma_start3A_19 : memref<320xf32, #tpu.memory_space<hbm>>) target_semaphore(%run_scoped3A : memref<!tpu.dma_semaphore, #tpu.memory_space<semaphore_mem>>)
      %dma_wait3A = tpu.memref_slice %arg5[%mul3A_2] : memref<10240xf32, #tpu.memory_space<hbm>> -> memref<320xf32, #tpu.memory_space<hbm>>
      %dma_wait3A_20 = tpu.memref_slice %arg5[%mul3A_2] : memref<10240xf32, #tpu.memory_space<hbm>> -> memref<320xf32, #tpu.memory_space<hbm>>
      tpu.wait_dma2 semaphore(%run_scoped3A : memref<!tpu.dma_semaphore, #tpu.memory_space<semaphore_mem>>) src(%arg12 : memref<320xf32, #tpu.memory_space<vmem>>) dst(%dma_wait3A_20 : memref<320xf32, #tpu.memory_space<hbm>>)
      tpu.yield
    }) : () -> ()
    "tpu.region"() ({
      %run_scoped3A = tpu.sem_alloc : memref<!tpu.dma_semaphore, #tpu.memory_space<semaphore_mem>>
      %dma_start3A_18 = tpu.memref_slice %arg6[%mul3A_2] : memref<10240xf32, #tpu.memory_space<hbm>> -> memref<320xf32, #tpu.memory_space<hbm>>
      %dma_start3A_19 = tpu.memref_slice %arg6[%mul3A_2] : memref<10240xf32, #tpu.memory_space<hbm>> -> memref<320xf32, #tpu.memory_space<hbm>>
      tpu.enqueue_dma source(%arg13 : memref<320xf32, #tpu.memory_space<vmem>>) target(%dma_start3A_19 : memref<320xf32, #tpu.memory_space<hbm>>) target_semaphore(%run_scoped3A : memref<!tpu.dma_semaphore, #tpu.memory_space<semaphore_mem>>)
      %dma_wait3A = tpu.memref_slice %arg6[%mul3A_2] : memref<10240xf32, #tpu.memory_space<hbm>> -> memref<320xf32, #tpu.memory_space<hbm>>
      %dma_wait3A_20 = tpu.memref_slice %arg6[%mul3A_2] : memref<10240xf32, #tpu.memory_space<hbm>> -> memref<320xf32, #tpu.memory_space<hbm>>
      tpu.wait_dma2 semaphore(%run_scoped3A : memref<!tpu.dma_semaphore, #tpu.memory_space<semaphore_mem>>) src(%arg13 : memref<320xf32, #tpu.memory_space<vmem>>) dst(%dma_wait3A_20 : memref<320xf32, #tpu.memory_space<hbm>>)
      tpu.yield
    }) : () -> ()
    "tpu.region"() ({
      %run_scoped3A = tpu.sem_alloc : memref<!tpu.dma_semaphore, #tpu.memory_space<semaphore_mem>>
      %dma_start3A_18 = tpu.memref_slice %arg7[%mul3A_2] : memref<10240xf32, #tpu.memory_space<hbm>> -> memref<320xf32, #tpu.memory_space<hbm>>
      %dma_start3A_19 = tpu.memref_slice %arg7[%mul3A_2] : memref<10240xf32, #tpu.memory_space<hbm>> -> memref<320xf32, #tpu.memory_space<hbm>>
      tpu.enqueue_dma source(%arg14 : memref<320xf32, #tpu.memory_space<vmem>>) target(%dma_start3A_19 : memref<320xf32, #tpu.memory_space<hbm>>) target_semaphore(%run_scoped3A : memref<!tpu.dma_semaphore, #tpu.memory_space<semaphore_mem>>)
      %dma_wait3A = tpu.memref_slice %arg7[%mul3A_2] : memref<10240xf32, #tpu.memory_space<hbm>> -> memref<320xf32, #tpu.memory_space<hbm>>
      %dma_wait3A_20 = tpu.memref_slice %arg7[%mul3A_2] : memref<10240xf32, #tpu.memory_space<hbm>> -> memref<320xf32, #tpu.memory_space<hbm>>
      tpu.wait_dma2 semaphore(%run_scoped3A : memref<!tpu.dma_semaphore, #tpu.memory_space<semaphore_mem>>) src(%arg14 : memref<320xf32, #tpu.memory_space<vmem>>) dst(%dma_wait3A_20 : memref<320xf32, #tpu.memory_space<hbm>>)
      tpu.yield
    }) : () -> ()
    return
  }
}

module attributes {stable_mosaic.version = 14 : i64} {
  func.func @body(%arg0: i32, %arg1: i32, %arg2: memref<2048x768xf32, #tpu.memory_space<vmem>>, %arg3: memref<3x768xf32, #tpu.memory_space<vmem>>, %arg4: memref<1x4x2048xf32, #tpu.memory_space<vmem>>, %arg5: memref<3x1x4x2048xf32, #tpu.memory_space<vmem>>) attributes {dimension_semantics = [#tpu.dimension_semantics<arbitrary>, #tpu.dimension_semantics<arbitrary>], iteration_bounds = array<i64: 4, 4>, scalar_prefetch = 0 : i64, scratch_operands = 0 : i64, tpu.core_type = #tpu.core_type<tc>, window_params = [{transform_indices = @transform_0, window_bounds = array<i64: 2048, 768>}, {pipeline_mode = #tpu.pipeline_mode<synchronous>, transform_indices = @transform_1, window_bounds = array<i64: 3, 768>}, {transform_indices = @transform_2, window_bounds = array<i64: 1, 4, 2048>}, {transform_indices = @transform_3, window_bounds = array<i64: 3, 1, 4, 2048>}]} {
    %mul3A = arith.constant 4 : i32
    %mul3A_0 = arith.muli %arg0, %mul3A : i32
    %add3A = arith.addi %mul3A_0, %arg1 : i32
    %ge3A = arith.constant 5 : i32
    %ge3A_1 = arith.cmpi sge, %add3A, %ge3A : i32
    %convert_element_type3A = arith.extui %ge3A_1 : i1 to i32
    %cond3A = arith.constant 0 : i32
    %cond3A_2 = arith.cmpi ne, %convert_element_type3A, %cond3A : i32
    scf.if %cond3A_2 {
      %get3A = arith.constant 0 : index
      %get3A_3 = arith.constant 0 : index
      %get3A_4 = vector.load %arg3[%get3A, %get3A_3] : memref<3x768xf32, #tpu.memory_space<vmem>>, vector<3x768xf32>
      %get3A_5 = arith.constant 0 : index
      %get3A_6 = arith.constant 0 : index
      %get3A_7 = vector.load %arg2[%get3A_5, %get3A_6] : memref<2048x768xf32, #tpu.memory_space<vmem>>, vector<2048x768xf32>
      %dot_general3A = arith.constant dense<0.000000e+00> : vector<3x2048xf32>
      %dot_general3A_8 = tpu.matmul %get3A_4, %get3A_7, %dot_general3A {dimension_numbers = #tpu.dot_dimension_numbers<[1], [1], [0], [0], [0, 0, 1, 0], [], []>, transpose_lhs_hint = false} : vector<3x768xf32>, vector<2048x768xf32>, vector<3x2048xf32> -> vector<3x2048xf32>
      %reduce_max3A = arith.constant dense<0xFF800000> : vector<2048xf32>
      %reduce_max3A_9 = vector.multi_reduction <maximumf>, %dot_general3A_8, %reduce_max3A [0] : vector<3x2048xf32> to vector<2048xf32>
      %broadcast_in_dim3A = vector.shape_cast %reduce_max3A_9 : vector<2048xf32> to vector<1x2048xf32>
      %sub3A = vector.broadcast %broadcast_in_dim3A : vector<1x2048xf32> to vector<3x2048xf32>
      %sub3A_10 = arith.subf %dot_general3A_8, %sub3A : vector<3x2048xf32>
      %exp3A = math.exp %sub3A_10 : vector<3x2048xf32>
      %reduce_sum3A = arith.constant dense<0.000000e+00> : vector<2048xf32>
      %reduce_sum3A_11 = vector.multi_reduction <add>, %exp3A, %reduce_sum3A [0] : vector<3x2048xf32> to vector<2048xf32>
      %broadcast_in_dim3A_12 = vector.shape_cast %reduce_sum3A_11 : vector<2048xf32> to vector<1x2048xf32>
      %broadcast_in_dim3A_13 = vector.shape_cast %dot_general3A_8 : vector<3x2048xf32> to vector<3x1x2048xf32>
      %swap3A = arith.constant 0 : index
      %swap3A_14 = arith.constant 0 : index
      %swap3A_15 = arith.index_cast %arg1 : i32 to index
      %swap3A_16 = arith.constant 0 : index
      %swap3A_17 = vector.load %arg5[%swap3A, %swap3A_14, %swap3A_15, %swap3A_16] : memref<3x1x4x2048xf32, #tpu.memory_space<vmem>>, vector<3x1x1x2048xf32>
      %swap3A_18 = vector.shape_cast %swap3A_17 : vector<3x1x1x2048xf32> to vector<3x1x2048xf32>
      %swap3A_19 = vector.shape_cast %broadcast_in_dim3A_13 : vector<3x1x2048xf32> to vector<3x1x1x2048xf32>
      tpu.vector_store %arg5[%swap3A, %swap3A_14, %swap3A_15, %swap3A_16], %swap3A_19 {strides = array<i32>} : memref<3x1x4x2048xf32, #tpu.memory_space<vmem>>, vector<3x1x1x2048xf32>,
      %div3A = arith.constant 1.000000e+00 : f32
      %div3A_20 = vector.broadcast %div3A : f32 to vector<1x2048xf32>
      %div3A_21 = arith.divf %div3A_20, %broadcast_in_dim3A_12 : vector<1x2048xf32>
      %swap3A_22 = arith.constant 0 : index
      %swap3A_23 = arith.index_cast %arg1 : i32 to index
      %swap3A_24 = arith.constant 0 : index
      %swap3A_25 = vector.load %arg4[%swap3A_22, %swap3A_23, %swap3A_24] : memref<1x4x2048xf32, #tpu.memory_space<vmem>>, vector<1x1x2048xf32>
      %swap3A_26 = vector.shape_cast %swap3A_25 : vector<1x1x2048xf32> to vector<1x2048xf32>
      %swap3A_27 = vector.shape_cast %div3A_21 : vector<1x2048xf32> to vector<1x1x2048xf32>
      tpu.vector_store %arg4[%swap3A_22, %swap3A_23, %swap3A_24], %swap3A_27 {strides = array<i32>} : memref<1x4x2048xf32, #tpu.memory_space<vmem>>, vector<1x1x2048xf32>,
    } else {
    }
    return
  }
  func.func @transform_0(%arg0: i32, %arg1: i32) -> (i32, i32) {
    %mul3A = arith.constant 4 : i32
    %mul3A_0 = arith.muli %arg0, %mul3A : i32
    %add3A = arith.addi %mul3A_0, %arg1 : i32
    %lt3A = arith.constant 5 : i32
    %lt3A_1 = arith.cmpi slt, %add3A, %lt3A : i32
    %mul3A_2 = arith.constant 4 : i32
    %mul3A_3 = arith.muli %arg0, %mul3A_2 : i32
    %add3A_4 = arith.addi %mul3A_3, %arg1 : i32
    %jit3A = arith.constant 5 : i32
    %select_n3A = arith.select %lt3A_1, %jit3A, %add3A_4 : i32
    %c0_i32 = arith.constant 0 : i32
    %c0_i32_5 = arith.constant 0 : i32
    return %select_n3A, %c0_i32 : i32, i32
  }
  func.func @transform_1(%arg0: i32, %arg1: i32) -> (i32, i32) {
    %c0_i32 = arith.constant 0 : i32
    %c0_i32_0 = arith.constant 0 : i32
    %c0_i32_1 = arith.constant 0 : i32
    return %c0_i32, %c0_i32_0 : i32, i32
  }
  func.func @transform_2(%arg0: i32, %arg1: i32) -> (i32, i32, i32) {
    %c0_i32 = arith.constant 0 : i32
    %c0_i32_0 = arith.constant 0 : i32
    %c0_i32_1 = arith.constant 0 : i32
    return %arg0, %c0_i32, %c0_i32_0 : i32, i32, i32
  }
  func.func @transform_3(%arg0: i32, %arg1: i32) -> (i32, i32, i32, i32) {
    %c0_i32 = arith.constant 0 : i32
    %c0_i32_0 = arith.constant 0 : i32
    %c0_i32_1 = arith.constant 0 : i32
    %c0_i32_2 = arith.constant 0 : i32
    return %c0_i32, %arg0, %c0_i32_0, %c0_i32_1 : i32, i32, i32, i32
  }
}

module attributes {stable_mosaic.version = 14 : i64} {
  func.func @body(%arg0: i32, %arg1: memref<1x4x2048xf32, #tpu.memory_space<vmem>>, %arg2: memref<3x1x4x2048xf32, #tpu.memory_space<vmem>>, %arg3: memref<2048xf32, #tpu.memory_space<vmem>>, %arg4: memref<2048xf32, #tpu.memory_space<vmem>>, %arg5: memref<2048xf32, #tpu.memory_space<vmem>>, %arg6: memref<2048xf32, #tpu.memory_space<vmem>>, %arg7: memref<1x4x2048xf32, #tpu.memory_space<vmem>>, %arg8: memref<3x1x4x2048xf32, #tpu.memory_space<vmem>>) attributes {dimension_semantics = [#tpu.dimension_semantics<arbitrary>], iteration_bounds = array<i64: 5>, scalar_prefetch = 0 : i64, scratch_operands = 0 : i64, tpu.core_type = #tpu.core_type<tc>, window_params = [{transform_indices = @transform_0, window_bounds = array<i64: 1, 4, 2048>}, {transform_indices = @transform_1, window_bounds = array<i64: 3, 1, 4, 2048>}, {transform_indices = @transform_2, window_bounds = array<i64: 2048>}, {transform_indices = @transform_3, window_bounds = array<i64: 2048>}, {transform_indices = @transform_4, window_bounds = array<i64: 2048>}, {transform_indices = @transform_5, window_bounds = array<i64: 2048>}, {transform_indices = @transform_6, window_bounds = array<i64: 1, 4, 2048>}, {transform_indices = @transform_7, window_bounds = array<i64: 3, 1, 4, 2048>}]} {
    %rem3A = arith.constant 4 : i32
    %rem3A_0 = arith.remsi %arg0, %rem3A : i32
    %eq3A = arith.constant 0 : i32
    %eq3A_1 = arith.cmpi eq, %rem3A_0, %eq3A : i32
    %convert_element_type3A = arith.extui %eq3A_1 : i1 to i32
    %cond3A = arith.constant 0 : i32
    %cond3A_2 = arith.cmpi ne, %convert_element_type3A, %cond3A : i32
    scf.if %cond3A_2 {
      %get3A_25 = arith.constant 0 : index
      %get3A_26 = arith.constant 0 : index
      %get3A_27 = arith.constant 0 : index
      %get3A_28 = vector.load %arg1[%get3A_25, %get3A_26, %get3A_27] : memref<1x4x2048xf32, #tpu.memory_space<vmem>>, vector<1x4x2048xf32>
      %swap3A_29 = arith.constant 0 : index
      %swap3A_30 = arith.constant 0 : index
      %swap3A_31 = arith.constant 0 : index
      %swap3A_32 = vector.load %arg7[%swap3A_29, %swap3A_30, %swap3A_31] : memref<1x4x2048xf32, #tpu.memory_space<vmem>>, vector<1x4x2048xf32>
      tpu.vector_store %arg7[%swap3A_29, %swap3A_30, %swap3A_31], %get3A_28 {strides = array<i32>} : memref<1x4x2048xf32, #tpu.memory_space<vmem>>, vector<1x4x2048xf32>,
      %get3A_33 = arith.constant 0 : index
      %get3A_34 = arith.constant 0 : index
      %get3A_35 = arith.constant 0 : index
      %get3A_36 = arith.constant 0 : index
      %get3A_37 = vector.load %arg2[%get3A_33, %get3A_34, %get3A_35, %get3A_36] : memref<3x1x4x2048xf32, #tpu.memory_space<vmem>>, vector<3x1x4x2048xf32>
      %swap3A_38 = arith.constant 0 : index
      %swap3A_39 = arith.constant 0 : index
      %swap3A_40 = arith.constant 0 : index
      %swap3A_41 = arith.constant 0 : index
      %swap3A_42 = vector.load %arg8[%swap3A_38, %swap3A_39, %swap3A_40, %swap3A_41] : memref<3x1x4x2048xf32, #tpu.memory_space<vmem>>, vector<3x1x4x2048xf32>
      tpu.vector_store %arg8[%swap3A_38, %swap3A_39, %swap3A_40, %swap3A_41], %get3A_37 {strides = array<i32>} : memref<3x1x4x2048xf32, #tpu.memory_space<vmem>>, vector<3x1x4x2048xf32>,
    } else {
    }
    %get3A = arith.constant 0 : index
    %get3A_3 = vector.load %arg6[%get3A] : memref<2048xf32, #tpu.memory_space<vmem>>, vector<2048xf32>
    %reshape3A = vector.shape_cast %get3A_3 : vector<2048xf32> to vector<1x2048xf32>
    %swap3A = arith.constant 0 : index
    %swap3A_4 = arith.index_cast %rem3A_0 : i32 to index
    %swap3A_5 = arith.constant 0 : index
    %swap3A_6 = vector.load %arg7[%swap3A, %swap3A_4, %swap3A_5] : memref<1x4x2048xf32, #tpu.memory_space<vmem>>, vector<1x1x2048xf32>
    %swap3A_7 = vector.shape_cast %swap3A_6 : vector<1x1x2048xf32> to vector<1x2048xf32>
    %swap3A_8 = vector.shape_cast %reshape3A : vector<1x2048xf32> to vector<1x1x2048xf32>
    tpu.vector_store %arg7[%swap3A, %swap3A_4, %swap3A_5], %swap3A_8 {strides = array<i32>} : memref<1x4x2048xf32, #tpu.memory_space<vmem>>, vector<1x1x2048xf32>,
    %get3A_9 = arith.constant 0 : index
    %get3A_10 = vector.load %arg3[%get3A_9] : memref<2048xf32, #tpu.memory_space<vmem>>, vector<2048xf32>
    %reshape3A_11 = vector.shape_cast %get3A_10 : vector<2048xf32> to vector<1x1x2048xf32>
    %get3A_12 = arith.constant 0 : index
    %get3A_13 = vector.load %arg4[%get3A_12] : memref<2048xf32, #tpu.memory_space<vmem>>, vector<2048xf32>
    %reshape3A_14 = vector.shape_cast %get3A_13 : vector<2048xf32> to vector<1x1x2048xf32>
    %get3A_15 = arith.constant 0 : index
    %get3A_16 = vector.load %arg5[%get3A_15] : memref<2048xf32, #tpu.memory_space<vmem>>, vector<2048xf32>
    %reshape3A_17 = vector.shape_cast %get3A_16 : vector<2048xf32> to vector<1x1x2048xf32>
    %concatenate3A = tpu.concatenate %reshape3A_11, %reshape3A_14, %reshape3A_17 in 0 : vector<1x1x2048xf32>, vector<1x1x2048xf32>, vector<1x1x2048xf32> -> vector<3x1x2048xf32>
    %swap3A_18 = arith.constant 0 : index
    %swap3A_19 = arith.constant 0 : index
    %swap3A_20 = arith.index_cast %rem3A_0 : i32 to index
    %swap3A_21 = arith.constant 0 : index
    %swap3A_22 = vector.load %arg8[%swap3A_18, %swap3A_19, %swap3A_20, %swap3A_21] : memref<3x1x4x2048xf32, #tpu.memory_space<vmem>>, vector<3x1x1x2048xf32>
    %swap3A_23 = vector.shape_cast %swap3A_22 : vector<3x1x1x2048xf32> to vector<3x1x2048xf32>
    %swap3A_24 = vector.shape_cast %concatenate3A : vector<3x1x2048xf32> to vector<3x1x1x2048xf32>
    tpu.vector_store %arg8[%swap3A_18, %swap3A_19, %swap3A_20, %swap3A_21], %swap3A_24 {strides = array<i32>} : memref<3x1x4x2048xf32, #tpu.memory_space<vmem>>, vector<3x1x1x2048xf32>,
    return
  }
  func.func @transform_0(%arg0: i32) -> (i32, i32, i32) {
    %jit3A = arith.constant 4 : i32
    %div3A = arith.divsi %arg0, %jit3A : i32
    %sign3A = arith.constant 0 : i32
    %sign3A_0 = arith.cmpi sgt, %arg0, %sign3A : i32
    %sign3A_1 = arith.extui %sign3A_0 : i1 to i32
    %sign3A_2 = arith.constant 0 : i32
    %sign3A_3 = arith.cmpi slt, %arg0, %sign3A_2 : i32
    %sign3A_4 = arith.extui %sign3A_3 : i1 to i32
    %sign3A_5 = arith.subi %sign3A_1, %sign3A_4 : i32
    %sign3A_6 = arith.constant 0 : i32
    %sign3A_7 = arith.cmpi sgt, %jit3A, %sign3A_6 : i32
    %sign3A_8 = arith.extui %sign3A_7 : i1 to i32
    %sign3A_9 = arith.constant 0 : i32
    %sign3A_10 = arith.cmpi slt, %jit3A, %sign3A_9 : i32
    %sign3A_11 = arith.extui %sign3A_10 : i1 to i32
    %sign3A_12 = arith.subi %sign3A_8, %sign3A_11 : i32
    %ne3A = arith.cmpi ne, %sign3A_5, %sign3A_12 : i32
    %rem3A = arith.remsi %arg0, %jit3A : i32
    %ne3A_13 = arith.constant 0 : i32
    %ne3A_14 = arith.cmpi ne, %rem3A, %ne3A_13 : i32
    %and3A = arith.andi %ne3A, %ne3A_14 : i1
    %sub3A = arith.constant 1 : i32
    %sub3A_15 = arith.subi %div3A, %sub3A : i32
    %select_n3A = arith.select %and3A, %sub3A_15, %div3A : i32
    %c0_i32 = arith.constant 0 : i32
    %c0_i32_16 = arith.constant 0 : i32
    %c0_i32_17 = arith.constant 0 : i32
    return %select_n3A, %c0_i32, %c0_i32_16 : i32, i32, i32
  }
  func.func @transform_1(%arg0: i32) -> (i32, i32, i32, i32) {
    %jit3A = arith.constant 4 : i32
    %div3A = arith.divsi %arg0, %jit3A : i32
    %sign3A = arith.constant 0 : i32
    %sign3A_0 = arith.cmpi sgt, %arg0, %sign3A : i32
    %sign3A_1 = arith.extui %sign3A_0 : i1 to i32
    %sign3A_2 = arith.constant 0 : i32
    %sign3A_3 = arith.cmpi slt, %arg0, %sign3A_2 : i32
    %sign3A_4 = arith.extui %sign3A_3 : i1 to i32
    %sign3A_5 = arith.subi %sign3A_1, %sign3A_4 : i32
    %sign3A_6 = arith.constant 0 : i32
    %sign3A_7 = arith.cmpi sgt, %jit3A, %sign3A_6 : i32
    %sign3A_8 = arith.extui %sign3A_7 : i1 to i32
    %sign3A_9 = arith.constant 0 : i32
    %sign3A_10 = arith.cmpi slt, %jit3A, %sign3A_9 : i32
    %sign3A_11 = arith.extui %sign3A_10 : i1 to i32
    %sign3A_12 = arith.subi %sign3A_8, %sign3A_11 : i32
    %ne3A = arith.cmpi ne, %sign3A_5, %sign3A_12 : i32
    %rem3A = arith.remsi %arg0, %jit3A : i32
    %ne3A_13 = arith.constant 0 : i32
    %ne3A_14 = arith.cmpi ne, %rem3A, %ne3A_13 : i32
    %and3A = arith.andi %ne3A, %ne3A_14 : i1
    %sub3A = arith.constant 1 : i32
    %sub3A_15 = arith.subi %div3A, %sub3A : i32
    %select_n3A = arith.select %and3A, %sub3A_15, %div3A : i32
    %c0_i32 = arith.constant 0 : i32
    %c0_i32_16 = arith.constant 0 : i32
    %c0_i32_17 = arith.constant 0 : i32
    %c0_i32_18 = arith.constant 0 : i32
    return %c0_i32, %select_n3A, %c0_i32_16, %c0_i32_17 : i32, i32, i32, i32
  }
  func.func @transform_2(%arg0: i32) -> i32 {
    %c0_i32 = arith.constant 0 : i32
    return %arg0 : i32
  }
  func.func @transform_3(%arg0: i32) -> i32 {
    %c0_i32 = arith.constant 0 : i32
    return %arg0 : i32
  }
  func.func @transform_4(%arg0: i32) -> i32 {
    %c0_i32 = arith.constant 0 : i32
    return %arg0 : i32
  }
  func.func @transform_5(%arg0: i32) -> i32 {
    %c0_i32 = arith.constant 0 : i32
    return %arg0 : i32
  }
  func.func @transform_6(%arg0: i32) -> (i32, i32, i32) {
    %jit3A = arith.constant 4 : i32
    %div3A = arith.divsi %arg0, %jit3A : i32
    %sign3A = arith.constant 0 : i32
    %sign3A_0 = arith.cmpi sgt, %arg0, %sign3A : i32
    %sign3A_1 = arith.extui %sign3A_0 : i1 to i32
    %sign3A_2 = arith.constant 0 : i32
    %sign3A_3 = arith.cmpi slt, %arg0, %sign3A_2 : i32
    %sign3A_4 = arith.extui %sign3A_3 : i1 to i32
    %sign3A_5 = arith.subi %sign3A_1, %sign3A_4 : i32
    %sign3A_6 = arith.constant 0 : i32
    %sign3A_7 = arith.cmpi sgt, %jit3A, %sign3A_6 : i32
    %sign3A_8 = arith.extui %sign3A_7 : i1 to i32
    %sign3A_9 = arith.constant 0 : i32
    %sign3A_10 = arith.cmpi slt, %jit3A, %sign3A_9 : i32
    %sign3A_11 = arith.extui %sign3A_10 : i1 to i32
    %sign3A_12 = arith.subi %sign3A_8, %sign3A_11 : i32
    %ne3A = arith.cmpi ne, %sign3A_5, %sign3A_12 : i32
    %rem3A = arith.remsi %arg0, %jit3A : i32
    %ne3A_13 = arith.constant 0 : i32
    %ne3A_14 = arith.cmpi ne, %rem3A, %ne3A_13 : i32
    %and3A = arith.andi %ne3A, %ne3A_14 : i1
    %sub3A = arith.constant 1 : i32
    %sub3A_15 = arith.subi %div3A, %sub3A : i32
    %select_n3A = arith.select %and3A, %sub3A_15, %div3A : i32
    %c0_i32 = arith.constant 0 : i32
    %c0_i32_16 = arith.constant 0 : i32
    %c0_i32_17 = arith.constant 0 : i32
    return %select_n3A, %c0_i32, %c0_i32_16 : i32, i32, i32
  }
  func.func @transform_7(%arg0: i32) -> (i32, i32, i32, i32) {
    %jit3A = arith.constant 4 : i32
    %div3A = arith.divsi %arg0, %jit3A : i32
    %sign3A = arith.constant 0 : i32
    %sign3A_0 = arith.cmpi sgt, %arg0, %sign3A : i32
    %sign3A_1 = arith.extui %sign3A_0 : i1 to i32
    %sign3A_2 = arith.constant 0 : i32
    %sign3A_3 = arith.cmpi slt, %arg0, %sign3A_2 : i32
    %sign3A_4 = arith.extui %sign3A_3 : i1 to i32
    %sign3A_5 = arith.subi %sign3A_1, %sign3A_4 : i32
    %sign3A_6 = arith.constant 0 : i32
    %sign3A_7 = arith.cmpi sgt, %jit3A, %sign3A_6 : i32
    %sign3A_8 = arith.extui %sign3A_7 : i1 to i32
    %sign3A_9 = arith.constant 0 : i32
    %sign3A_10 = arith.cmpi slt, %jit3A, %sign3A_9 : i32
    %sign3A_11 = arith.extui %sign3A_10 : i1 to i32
    %sign3A_12 = arith.subi %sign3A_8, %sign3A_11 : i32
    %ne3A = arith.cmpi ne, %sign3A_5, %sign3A_12 : i32
    %rem3A = arith.remsi %arg0, %jit3A : i32
    %ne3A_13 = arith.constant 0 : i32
    %ne3A_14 = arith.cmpi ne, %rem3A, %ne3A_13 : i32
    %and3A = arith.andi %ne3A, %ne3A_14 : i1
    %sub3A = arith.constant 1 : i32
    %sub3A_15 = arith.subi %div3A, %sub3A : i32
    %select_n3A = arith.select %and3A, %sub3A_15, %div3A : i32
    %c0_i32 = arith.constant 0 : i32
    %c0_i32_16 = arith.constant 0 : i32
    %c0_i32_17 = arith.constant 0 : i32
    %c0_i32_18 = arith.constant 0 : i32
    return %c0_i32, %select_n3A, %c0_i32_16, %c0_i32_17 : i32, i32, i32, i32
  }
}

</mosaic_0001>

<sc_bundles>
// kernel: kernel.5.cloned.1.call-start
scs
__scs_entry_jumppad:
0x0: {  	(pc) =	sbr.rel $0x88, $3  }
0x1: {  	(tag) =	ssettag $0x0;
	lr =	simm.s32 $0x1  }
0x2: {  	[smem:$0x3F9F] =	sst lr;
	_ =	strace $0xD0000000  }
0x3: {  	_ = 	snop  }
0x4: {  	_ = 	snop  }
0x5: {  	_ = 	snop  }
0x6: {  	_ = 	snop  }
0x7: {  	_ = 	snop  }
__scs_overlays_trampoline_lowered:
0x8: {  	[smem:$0x3FAE] =	sst s0  }
0x9: {  	[smem:$0x3FAF] =	sst s1  }
0xa: {  	[smem:$0x3FB0] =	sst s2  }
0xb: {  	[smem:$0x3FB1] =	sst s3  }
0xc: {  	[smem:$0x3FB2] =	sst s4  }
0xd: {  	[smem:$0x3FB3] =	sst s5  }
0xe: {  	[smem:$0x3FB4] =	sst s6  }
0xf: {  	[smem:$0x3FB5] =	sst s7  }
0x10: {  	[smem:$0x3FB6] =	sst s8  }
0x11: {  	[smem:$0x3FB7] =	sst s9;
	s0 =	simm.s32 @!p0 $0x0  }
0x12: {  	s1 =	sld [smem:$0x3F9D];
	s0 =	simm.s32 @p0 $0x1  }
0x13: {  	[smem:$0x3FB8] =	sst s0;
	s0 =	simm.s32 @!p1 $0x0  }
0x14: {  	s2 =	sld [smem:$0x3F9C];
	s0 =	simm.s32 @p1 $0x1  }
0x15: {  	[smem:$0x3FB9] =	sst s0;
	s0 =	simm.s32 @!p2 $0x0  }
0x16: {  	s3 =	sld [smem:$0x3FDB];
	s0 =	simm.s32 @p2 $0x1  }
0x17: {  	s4 =	simm.s32 $0x1BF5;
	[smem:$0x3FBB] =	sst s0  }
0x18: {  	s0 =	sld [smem:$0x3F9E];
	_ =	swait.ge [sflag:s4], $0x0  }
0x19: {  	s7 =	sld [smem:$0x3F9F]  }
0x1a: {  	s8 =	sadd.s32 $0xFFFFE003, lr  }
0x1b: {  	s9 =	sadd.s32 $0xFFFFFEF7, lr;
	s5 =	simm.s32 $0xFFFFFFFF;
	p2 =	slt.u32 s8, $0xFFFFF086  }
0x1c: {  	p1 =	slt.u32 s9, $0xF7A;
	s5 =	simm.s32 @!p2 $0x0  }
0x1d: {  	s5 =	simm.s32 @p1 $0x1;
	p0 =	seq.s32 s7, s2  }
0x1e: {  	s7 =	smul.u32 @!p0 $0xF7A, s2;
	p2 =	seq.s32 @!p0 s5, $0x0  }
0x1f: {  	s9 =	smul.u32 $0xF7A, s1;
	s8 =	simm.s32 @!p0 $0x1BF5;
	p2 =	por !p2, p0  }
0x20: {  	[sflag:s8] =	ssyncset.s32 @!p0 $0xFFFFF086;
	s6 =	sadd.s32 @!p0 s3, s7;
	s7 =	simm.s32 @!p0 $0x108  }
0x21: {  	s3 =	sadd.s32 s3, s9;
	s6 =	sadd.s32 @!p0 $0x88, s6;
	s7 =	simm.s32 @p2 $0x1082  }
0x22: {  	[simem:s7], [sflag:s8] =	dma.local @!p0 [hbm:s6], $0xF7A  }
0x23: {  	s9 =	sor.u32 $0xD0000000, s2;
	s6 =	simm.s32 $0x108;
	_ =	swait.ge @!p0 [sflag:s8], $0x0  }
0x24: {  	s3 =	sadd.s32 $0x88, s3;
	s6 =	simm.s32 @!p1 $0x1082;
	[sflag:s4] =	ssyncset.s32 $0xFFFFF086  }
0x25: {  	[simem:s6], [sflag:s4] =	dma.local [hbm:s3], $0xF7A  }
0x26: {  	[smem:$0x3F9F] =	sst s1;
	(tag) =	ssettag s2;
	_ =	strace s9  }
0x27: {  	s1 =	sld [smem:$0x3FAF]  }
0x28: {  	s2 =	sld [smem:$0x3FB0]  }
0x29: {  	s4 =	sld [smem:$0x3FB2]  }
0x2a: {  	p0 =	seq.s32 s5, $0x0;
	s5 =	sld [smem:$0x3FB3]  }
0x2b: {  	s6 =	sld [smem:$0x3FB4]  }
0x2c: {  	s7 =	sld [smem:$0x3FB5]  }
0x2d: {  	s3 =	simm.s32 $0x108;
	s8 =	sld [smem:$0x3FB6]  }
0x2e: {  	s3 =	simm.s32 @!p0 $0x1082;
	s9 =	sld [smem:$0x3FB7]  }
0x2f: {  	lr =	sadd.s32 s0, s3;
	s0 =	sld [smem:$0x3FAE]  }
0x30: {  	s3 =	sld [smem:$0x3FB1]  }
0x31: {  	[smem:$0x3FBA] =	sst s10  }
0x32: {  	s10 =	sld [smem:$0x3FB8];
	_ =	sdelay $0x3  }
0x33: {  	p0 =	seq.s32 s10, $0x1;
	s10 =	sld [smem:$0x3FBA];
	_ =	sdelay $0x3  }
0x34: {  	[smem:$0x3FBA] =	sst s10  }
0x35: {  	s10 =	sld [smem:$0x3FB9];
	_ =	sdelay $0x3  }
0x36: {  	p1 =	seq.s32 s10, $0x1;
	s10 =	sld [smem:$0x3FBA];
	_ =	sdelay $0x3  }
0x37: {  	[smem:$0x3FBA] =	sst s10  }
0x38: {  	s10 =	sld [smem:$0x3FBB]  }
0x39: {  	_ = 	snop;
	(pc) =	sbr.ind lr, $3  }
0x3a: {  	_ = 	snop  }
0x3b: {  	_ = 	snop  }
0x3c: {  	p2 =	seq.s32 s10, $0x1;
	s10 =	sld [smem:$0x3FBA]  }
0x3d: {  	_ =	shalt  }
0x3e: {  	_ =	shalt  }
0x3f: {  	_ =	shalt  }
0x40: {  	_ =	shalt  }
0x41: {  	_ =	shalt  }
0x42: {  	_ =	shalt  }
0x43: {  	_ =	shalt  }
0x44: {  	_ =	shalt  }
0x45: {  	_ =	shalt  }
0x46: {  	_ =	shalt  }
0x47: {  	_ =	shalt  }
0x48: {  	_ =	shalt  }
0x49: {  	_ =	shalt  }
0x4a: {  	_ =	shalt  }
0x4b: {  	_ =	shalt  }
0x4c: {  	_ =	shalt  }
0x4d: {  	_ =	shalt  }
0x4e: {  	_ =	shalt  }
0x4f: {  	_ =	shalt  }
0x50: {  	_ =	shalt  }
0x51: {  	_ =	shalt  }
0x52: {  	_ =	shalt  }
0x53: {  	_ =	shalt  }
0x54: {  	_ =	shalt  }
0x55: {  	_ =	shalt  }
0x56: {  	_ =	shalt  }
0x57: {  	_ =	shalt  }
0x58: {  	_ =	shalt  }
0x59: {  	_ =	shalt  }
0x5a: {  	_ =	shalt  }
0x5b: {  	_ =	shalt  }
0x5c: {  	_ =	shalt  }
0x5d: {  	_ =	shalt  }
0x5e: {  	_ =	shalt  }
0x5f: {  	_ =	shalt  }
0x60: {  	_ =	shalt  }
0x61: {  	_ =	shalt  }
0x62: {  	_ =	shalt  }
0x63: {  	_ =	shalt  }
0x64: {  	_ =	shalt  }
0x65: {  	_ =	shalt  }
0x66: {  	_ =	shalt  }
0x67: {  	_ =	shalt  }
0x68: {  	_ =	shalt  }
0x69: {  	_ =	shalt  }
0x6a: {  	_ =	shalt  }
0x6b: {  	_ =	shalt  }
0x6c: {  	_ =	shalt  }
0x6d: {  	_ =	shalt  }
0x6e: {  	_ =	shalt  }
0x6f: {  	_ =	shalt  }
0x70: {  	_ =	shalt  }
0x71: {  	_ =	shalt  }
0x72: {  	_ =	shalt  }
0x73: {  	_ =	shalt  }
0x74: {  	_ =	shalt  }
0x75: {  	_ =	shalt  }
0x76: {  	_ =	shalt  }
0x77: {  	_ =	shalt  }
0x78: {  	_ =	shalt  }
0x79: {  	_ =	shalt  }
0x7a: {  	_ =	shalt  }
0x7b: {  	_ =	shalt  }
0x7c: {  	_ =	shalt  }
0x7d: {  	_ =	shalt  }
0x7e: {  	_ =	shalt  }
0x7f: {  	_ =	shalt  }
0x80: {  	_ =	shalt  }
0x81: {  	_ =	shalt  }
0x82: {  	_ =	shalt  }
0x83: {  	_ =	shalt  }
0x84: {  	_ =	shalt  }
0x85: {  	_ =	shalt  }
0x86: {  	_ =	shalt  }
0x87: {  	_ =	shalt  }
.Lfunc_end0:
.L_simem_size_0:
called_computation_lowered:
.L_overlay_start_0:
0x88: {  	s2 =	sld [smem:$0x3FD9]  }
0x89: {  	s3 =	sld [smem:$0x3FFE];
	_ =	sdelay $0x1  }
0x8a: {  	s1 =	srdreg.scid  }
0x8b: {  	s0 =	sand.u32 $0x1, s1  }
0x8c: {  	s14 =	sshll.u32 s0, $0xA;
	s2 =	sadd.s32 s3, s2  }
0x8d: {  	s2 =	sadd.s32 s2, s14  }
0x8e: {  	[smem:$0x3FC6] =	sst s2  }
0x8f: {  	_ = 	snop  }
0x90: {  	s2 =	sld [smem:$0x3FD0];
	_ =	sdelay $0x1  }
0x91: {  	s15 =	sld [smem:$0x3FC9]  }
0x92: {  	s5 =	simm.s32 $0xA;
	s6 =	simm.s32 $0x10;
	s4 =	sld [smem:$0x3FC8]  }
0x93: {  	[smem:s6], [sflag:s5] =	dma.local [hbm:s2], $0x1  }
0x94: {  	_ =	swait.eq [sflag:s5], $0x1  }
0x95: {  	s16 =	sld [smem:$0x10];
	[sflag:s5] =	ssyncset.done $0x0  }
0x96: {  	s17 =	sld [smem:$0x11];
	[sflag:s5] =	ssyncadd.s32 $0xFFFFFFFF  }
0x97: {  	s18 =	sld [smem:$0x12];
	(tm) =	ssettm $0x1  }
0x98: {  	s7 =	sld [smem:$0x3FFB];
	_ =	sdelay $0x3  }
0x99: {  	_ =	strace s7  }
0x9a: {  	s7 =	sld [smem:$0x3FFC];
	_ =	sdelay $0x3  }
0x9b: {  	_ =	strace s7  }
0x9c: {  	s7 =	sld [smem:$0x3FFD];
	_ =	sdelay $0x3  }
0x9d: {  	_ =	strace s7  }
0x9e: {  	_ =	strace $0x8FFFFFFF  }
0x9f: {  	s19 =	sld [smem:$0x3FDB];
	_ =	sdelay $0x1  }
0xa0: {  	s8 =	simm.s32 $_scs_section_size  }
0xa1: {  	s9 =	simm.s32 $_size__tile_overlayer_lowered;
	s10 =	simm.s32 $_tile_overlayer_lowered  }
0xa2: {  	s22 =	simm.s32 $0x1BFF;
	s21 =	sshll.u32 s10, $0x1;
	s7 =	sadd.s32 s8, s19  }
0xa3: {  	s11 =	simm.s32 $0x0;
	s20 =	sshll.u32 s9, $0x1;
	s9 =	sadd.s32 s21, s7  }
0xa4: {  	[timem:s11], [sflag:s22] =	dma.local [hbm:s9], s20  }
0xa5: {  	_ =	swait.ge [sflag:s22], s20  }
0xa6: {  	s8 =	ssub.s32 $0x0, s20;
	[sflag:s22] =	ssyncset.done $0x0  }
0xa7: {  	[sflag:s22] =	ssyncadd.s32 s8;
	_ =	sdelay $0x1  }
0xa8: {  	s23 =	simm.s32 $0x1B8B  }
0xa9: {  	_ =	swait.ge [sflag:s23], $0x1  }
0xaa: {  	[sflag:s23] =	ssyncset.done $0x0  }
0xab: {  	s25 =	simm.s32 $0x1B8E;
	s24 =	sld [smem:$0x3FFE];
	[sflag:s23] =	ssyncadd.s32 $0xFFFFFFFF  }
0xac: {  	s26 =	simm.s32 $execute0_lowered;
	[smem:$0x3FD2] =	sst s25  }
0xad: {  	s9 =	sshll.u32 s26, $0x1;
	_ =	strace $0x80000046;
	[dreg:$0x1] =	wrdreg $0xFFFFFFFF  }
0xae: {  	s28 =	simm.s32 $_size_execute0_lowered;
	s7 =	sadd.s32 s7, s9;
	[dreg:$0x0] =	wrdreg $0x0  }
0xaf: {  	s9 =	sshll.u32 s28, $0x1;
	[dreg:$0x2] =	wrdreg s7  }
0xb0: {  	[dreg:$0x3] =	wrdreg s9  }
0xb1: {  	[dreg:$0x4] =	wrdreg $0xC0  }
0xb2: {  	_ =	task [dreg:s11], $0x5FFFF  }
0xb3: {  	[dreg:$0x1] =	wrdreg $0xFFFFFFFF  }
0xb4: {  	[dreg:$0x0] =	wrdreg $0x60  }
0xb5: {  	[dreg:$0x2] =	wrdreg s15  }
0xb6: {  	[dreg:$0x3] =	wrdreg s4  }
0xb7: {  	[dreg:$0x4] =	wrdreg s17  }
0xb8: {  	[dreg:$0x5] =	wrdreg s16  }
0xb9: {  	[dreg:$0x6] =	wrdreg s18  }
0xba: {  	[dreg:$0x7] =	wrdreg s24  }
0xbb: {  	[dreg:$0x8] =	wrdreg $0x9  }
0xbc: {  	_ =	task.clear_ibuf [dreg:s11], $0x9FFFF;
	_ =	strace $0x90000046  }
0xbd: {  	s29 =	simm.s32 $0x9;
	_ =	strace $0x80000048  }
0xbe: {  	_ =	swait.ge [sflag:s29], $0x1  }
0xbf: {  	[sflag:s29] =	ssyncadd.s32 $0xFFFFFFFF  }
0xc0: {  	_ =	strace $0x90000048  }
0xc1: {  	_ =	sfence  }
0xc2: {  	s30 =	sld [smem:$0x0];
	_ =	sdelay $0x2  }
0xc3: {  	s31 =	sshll.u32 s1, $0xD;
	s1 =	sshrl.u32 s1, $0x2  }
0xc4: {  	s3 =	sand.u32 $0x4000, s31;
	s1 =	sadd.s32 s1, s30  }
0xc5: {  	s0 =	sor.u32 s3, s0;
	s1 =	sshll.u32 s1, $0x11  }
0xc6: {  	s0 =	sor.u32 s1, s0  }
0xc7: {  	s0 =	sadd.s32 $0x8F2B, s0  }
0xc8: {  	[sflag:s0] =	ssyncadd.remote.s32 $0x1  }
0xc9: {  	_ =	sfence.sel $0xFFFF  }
0xca: {  	[dreg:$0x0] =	wrdreg $0xFFFFFFFF;
	(pc) =	sbr.abs _section_cstart, $3  }
0xcb: {  	[dreg:$0x1] =	wrdreg $0xFFFFFFFF  }
0xcc: {  	_ =	task.clear_ibuf [dreg:s11], $0x2FFFF;
	_ =	strace $0x9FFFFFFF  }
0xcd: {  	(tm) =	ssettm $0x7FFFFFFF  }
tec
execute0_lowered:
.L_overlay_start_1:
0x0: {  	(tag) =	ssettag $0x1  }
0x1: {  	s1 =	rddreg [dreg:$0x0]  }
0x2: {  	s2 =	rddreg [dreg:$0x2]  }
0x3: {  	s0 =	srdreg.scid;
	s10 =	rddreg [dreg:$0x3]  }
0x4: {  	s3 =	stileid.u32;
	s11 =	rddreg [dreg:$0x4]  }
0x5: {  	s5 =	rddreg [dreg:$0x5];
	s0 =	sand.u32 $0x1, s0;
	s3 =	sshll.u32 s3, $0x1  }
0x6: {  	s4 =	simm.s32 $0x0;
	s14 =	simm.s32 $0x3;
	s3 =	sor.u32 s0, s3  }
0x7: {  	s16 =	simm.s32 $0x6C00;
	s17 =	simm.s32 $0x1;
	s3 =	smul.u32 $0x140, s3  }
0x8: {  	s18 =	simm.s32 $0x2;
	s22 =	simm.s32 $0xD080;
	s23 =	simm.s32 $0x0  }
0x9: {  	[smem:$0x7FF] =	sst s4;
	s0 =	ssub.s32 $0x2, s0;
	s12 =	sshrl.u32 s3, $0x3  }
0xa: {  	_ =	strace $0x80000047;
	s31 =	sshrl.u32 s0, $0x1;
	s6 =	smul.u32 $0x1800, s12  }
.Ltmp0:
0xb: {  	vm0 =	vmmov $0x1;
	vm1 =	vmmov $0x3;
	vm2 =	vmmov $0x7;
	s0 =	ssub.s32 s0, s31;
	s8 =	sadd.s32 $0x60, s3;
	(pc) =	sbr.rel .LBB2_1-.Ltmp0, $4  }
0xc: {  	vm3 =	vmmov $0xf;
	vm4 =	vmmov $0x1f;
	vm5 =	vmmov $0x3f;
	s7 =	smul.u32 $0x300, s12;
	s13 =	sadd.s32 s12, s5;
	s9 =	sadd.s32 s2, s12  }
0xd: {  	vm6 =	vmmov $0x7f;
	vm7 =	vmmov $0xff;
	vm8 =	vmmov $0x1ff;
	s10 =	sadd.s32 s10, s12;
	s11 =	sadd.s32 s11, s12;
	s6 =	sshrl.u32 s6, $0x3  }
0xe: {  	vm9 =	vmmov $0x3ff;
	vm10 =	vmmov $0x7ff;
	vm11 =	vmmov $0xfff;
	s12 =	sadd.s32 $0x1600, s13;
	s13 =	smax.u32 s0, $0x1;
	s6 =	sadd.s32 s1, s6  }
0xf: {  	vm12 =	vmmov $0x1fff;
	vm13 =	vmmov $0x3fff;
	vm14 =	vmmov $0x7fff;
	s5 =	sadd.s32 s1, s7;
	s7 =	sadd.s32 $0x40, s3;
	s6 =	sadd.s32 $0xC00, s6  }
.LBB2_16:
0x10: {  	s0 =	simm.s32 $0xCC00  }
0x11: {  	[hbm4b:s9+s4] =	stream.linear.scatter [tilespmem:s0], [sflag:$0x3], $0x140, $0x38;
	[tilespmem:$0xD200] =	vst v63  }
0x12: {  	_ =	swait.ge [sflag:s14], $0x140  }
0x13: {  	[sflag:s14] =	ssyncset.done $0x0  }
0x14: {  	s30 =	simm.s32 $0xCD80;
	[sflag:s14] =	ssyncadd.s32 $0xFFFFFEC0  }
0x15: {  	[hbm4b:s10+s4] =	stream.linear.scatter [tilespmem:s30], [sflag:$0x3], $0x140, $0x38;
	[tilespmem:$0xD200] =	vst v63  }
0x16: {  	_ =	swait.ge [sflag:s14], $0x140  }
0x17: {  	[sflag:s14] =	ssyncset.done $0x0  }
0x18: {  	s31 =	simm.s32 $0xCF00;
	[sflag:s14] =	ssyncadd.s32 $0xFFFFFEC0  }
0x19: {  	[hbm4b:s11+s4] =	stream.linear.scatter [tilespmem:s31], [sflag:$0x3], $0x140, $0x38;
	[tilespmem:$0xD200] =	vst v63  }
0x1a: {  	s23 =	sadd.s32 $0x1, s23;
	_ =	swait.ge [sflag:s14], $0x140  }
0x1b: {  	p0 =	sne.s32 s23, s13;
	[sflag:s14] =	ssyncset.done $0x0  }
.Ltmp1:
0x1c: {  	[sflag:s14] =	ssyncadd.s32 $0xFFFFFEC0;
	(pc) =	sbr.rel @!p0 .LBB2_17-.Ltmp1, $4  }
0x1d: {  	[hbm4b:s12+s4] =	stream.linear.scatter [tilespmem:s22], [sflag:$0x3], $0x140, $0x38;
	[tilespmem:$0xD200] =	vst v63  }
0x1e: {  	_ =	swait.ge [sflag:s14], $0x140  }
0x1f: {  	[sflag:s14] =	ssyncset.done $0x0  }
0x20: {  	[sflag:s14] =	ssyncadd.s32 $0xFFFFFEC0  }
.LBB2_1:
0x21: {  	s0 =	rddreg [dreg:$0x1]  }
0x22: {  	[tilespmem:s4], [sflag:$0x3] =	stream.linear.gather [hbm4b:s0+s4], $0xC00, $0x38;
	[tilespmem:$0xD200] =	vst v63  }
0x23: {  	_ =	swait.ge [sflag:s14], $0xC00  }
0x24: {  	[sflag:s14] =	ssyncset.done $0x0  }
0x25: {  	s31 =	simm.s32 $0xC00;
	[sflag:s14] =	ssyncadd.s32 $0xFFFFF400  }
0x26: {  	[tilespmem:s31], [sflag:$0x1] =	stream.linear.gather [hbm4b:s5+s4], $0x6000, $0x38;
	[tilespmem:$0xD200] =	vst v63  }
0x27: {  	s24 =	simm.s32 $0x0  }
0x28: {  	[tilespmem:s16], [sflag:$0x2] =	stream.linear.gather [hbm4b:s6+s4], $0x6000, $0x38;
	[tilespmem:$0xD200] =	vst v63  }
.LBB2_2:
0x29: {  	_ =	swait.ge [sflag:s17], $0x6000  }
0x2a: {  	s25 =	sshll.u32 s24, $0x6;
	s26 =	simm.s32 $0x0;
	[sflag:s17] =	ssyncset.done $0x0  }
0x2b: {  	p1 =	por $0x1, $0x1;
	s28 =	simm.s32 $0x0;
	[sflag:s17] =	ssyncadd.s32 $0xFFFFA000  }
.LBB2_3:
0x2c: {  	s0 =	smul.u32 $0xC000, s28;
	_ =	sdelay $0x1  }
0x2d: {  	s29 =	sshra.s32 s0, $0x2  }
0x2e: {  	s2 =	simm.s32 $0x0;
	s3 =	sand.u32 $0x60, s26;
	s0 =	sor.u32 $0xC00, s29  }
0x2f: {  	s19 =	simm.s32 $0x0;
	s2 =	sand.u32 $0x3FFFFC00, s2;
	[dreg:$0x7] =	wrdreg s0  }
0x30: {  	s21 =	sor.u32 $0x10, s3;
	s19 =	sand.u32 $0x3FFFFE00, s19;
	s0 =	rddreg [dreg:$0x7]  }
0x31: {  	s0 =	sadd.s32 s2, s0;
	s2 =	sor.u32 s21, s19  }
0x32: {  	v1 =	vld [tilespmem:s2+$0x100]  }
0x33: {  	v18 =	vld [tilespmem:s2+$0x0]  }
0x34: {  	s15 =	sadd.s32 s21, s0;
	v29 =	vld [tilespmem:s2+$0x80]  }
0x35: {  	s0 =	sadd.s32 s3, s0;
	v3 =	vld [tilespmem:s15+$0x300]  }
0x36: {  	v0 =	vld [tilespmem:s0+$0x80]  }
0x37: {  	v7 =	vld [tilespmem:s0+$0x100]  }
0x38: {  	v2 =	vld [tilespmem:s15+$0x280]  }
0x39: {  	v44 =	vld [tilespmem:s15+$0x200]  }
0x3a: {  	v45 =	vld [tilespmem:s15+$0x380]  }
0x3b: {  	v39 =	vld [tilespmem:s15+$0x0]  }
0x3c: {  	v14 =	vld [tilespmem:s15+$0x80]  }
0x3d: {  	v55 =	vimm.f32 $0.0e+00;
	v8 =	vld [tilespmem:s15+$0x100]  }
0x3e: {  	v47 =	vimm.f32 $0.0e+00;
	v58 =	vimm.f32 $0.0e+00;
	v51 =	vimm.f32 $0.0e+00;
	s3 =	sor.u32 s3, s19;
	v6 =	vld [tilespmem:s0+$0x0]  }
0x3f: {  	v48 =	vimm.f32 $0.0e+00;
	v49 =	vld [tilespmem:s3+$0x0];
	v4 =	vmul.f32 v3, v1;
	v12 =	vmul.f32 v2, v1  }
0x40: {  	v46 =	vimm.f32 $0.0e+00;
	v20 =	vld [tilespmem:s3+$0x80];
	v9 =	vmul.f32 v44, v1;
	v5 =	vmul.f32 v45, v1  }
0x41: {  	v25 =	vimm.f32 $0.0e+00;
	v41 =	vld [tilespmem:s0+$0x180];
	v15 =	vmul.f32 v39, v1;
	v23 =	vmul.f32 v14, v1  }
0x42: {  	v30 =	vimm.f32 $0.0e+00;
	v56 =	vld [tilespmem:s0+$0x200];
	v13 =	vmul.f32 v8, v1;
	v50 =	vmul.f32 v14, v18  }
0x43: {  	v24 =	vimm.f32 $0.0e+00;
	v32 =	vmul.f32 v2, v18;
	v16 =	vmul.f32 v39, v18;
	[tilespmem:$0x1FFE0] =	vst v4;
	v4 =	vld [tilespmem:s3+$0x100]  }
0x44: {  	v21 =	vimm.f32 $0.0e+00;
	v37 =	vld [tilespmem:s15+$0x180];
	v11 =	vmul.f32 v45, v18;
	v60 =	vmul.f32 v0, v49  }
0x45: {  	v35 =	vimm.f32 $0.0e+00;
	v38 =	vld [tilespmem:s0+$0x280];
	v17 =	vmul.f32 v0, v20;
	v43 =	vmul.f32 v8, v29  }
0x46: {  	v31 =	vimm.f32 $0.0e+00;
	v62 =	vmul.f32 v7, v49;
	v61 =	vmul.f32 v41, v49  }
0x47: {  	v28 =	vimm.f32 $0.0e+00;
	v40 =	vmul.f32 v14, v29;
	v57 =	vmul.f32 v56, v49  }
0x48: {  	v33 =	vimm.f32 $0.0e+00;
	v22 =	vld [tilespmem:s0+$0x300];
	v42 =	vmul.f32 v44, v29;
	v53 =	vmul.f32 v0, v4  }
0x49: {  	v36 =	vimm.f32 $0.0e+00;
	v0 =	vmul.f32 v6, v49;
	v19 =	vmul.f32 v6, v4  }
0x4a: {  	v27 =	vimm.f32 $0.0e+00;
	v54 =	vmul.f32 v38, v49;
	v52 =	vmul.f32 v37, v1  }
0x4b: {  	v59 =	vmul.f32 v37, v18;
	v0 =	vadd.f32 v0, v55;
	v14 =	vadd.f32 v19, v55  }
0x4c: {  	v34 =	vadd.f32 v17, v55;
	v17 =	vimm.f32 $0.0e+00;
	v19 =	vimm.f32 $0.0e+00  }
0x4d: {  	[tilespmem:$0x1FFF0] =	vst v5;
	v10 =	vadd.f32 v16, v0;
	v0 =	vmul.f32 v22, v49;
	v5 =	vadd.f32 v15, v14  }
0x4e: {  	p0 =	por p1, p1;
	s30 =	simm.s32 $0x0;
	s31 =	simm.s32 $0x0;
	v26 =	vld [tilespmem:s0+$0x380];
	v15 =	vimm.f32 $0.0e+00;
	v14 =	vimm.f32 $0.0e+00;
	v16 =	vimm.f32 $0.0e+00  }
.LBB2_4:
0x4f: {  	v17 =	vadd.f32 v60, v17;
	v60 =	vmul.f32 v56, v20  }
0x50: {  	s30 =	sadd.s32 $0x2, s30;
	v63 =	vmul.f32 v39, v29;
	v39 =	vmul.f32 v56, v4  }
0x51: {  	v53 =	vadd.f32 v53, v58;
	v58 =	vmul.f32 v3, v29;
	v37 =	vmul.f32 v37, v29;
	s3 =	sshll.u32 s30, $0x7  }
0x52: {  	s0 =	rddreg [dreg:$0x7];
	s31 =	sadd.s32 $0x20, s31;
	v1 =	vadd.f32 v62, v55;
	v55 =	vmul.f32 v44, v18;
	v62 =	vmul.f32 v45, v29;
	s3 =	sand.u32 $0x3FFFFC00, s3  }
0x53: {  	v44 =	vmul.f32 v26, v49;
	v45 =	vmul.f32 v41, v4;
	s15 =	sand.u32 $0x60, s31;
	s0 =	sadd.s32 s3, s0  }
0x54: {  	v0 =	vadd.f32 v0, v47;
	v49 =	vmul.f32 v2, v29;
	v2 =	vadd.f32 v61, v15;
	s20 =	sor.u32 $0x10, s15;
	s3 =	sadd.s32 s15, s0  }
0x55: {  	v41 =	vmul.f32 v41, v20;
	v46 =	vadd.f32 v57, v46;
	v34 =	vadd.f32 v40, v34;
	s0 =	sadd.s32 s20, s0;
	v56 =	vld [tilespmem:s3+$0x380]  }
0x56: {  	s2 =	sshll.u32 s30, $0x6;
	v17 =	vadd.f32 v50, v17;
	v50 =	vmul.f32 v6, v20;
	v6 =	vmul.f32 v3, v18;
	v3 =	vld [tilespmem:s0+$0x300]  }
0x57: {  	v29 =	vmul.f32 v22, v20;
	s19 =	sand.u32 $0x3FFFFE00, s2;
	v48 =	vadd.f32 v39, v48;
	v21 =	vadd.f32 v60, v21;
	v61 =	vld [tilespmem:s3+$0x80]  }
0x58: {  	v22 =	vmul.f32 v22, v4;
	s2 =	sor.u32 s15, s19;
	v51 =	vadd.f32 v44, v51;
	v14 =	vadd.f32 v45, v14;
	s15 =	sor.u32 s20, s19;
	v57 =	vld [tilespmem:s3+$0x100]  }
0x59: {  	v44 =	vmul.f32 v7, v20;
	v15 =	vadd.f32 v59, v2;
	v47 =	vadd.f32 v6, v0;
	v0 =	vld [tilespmem:s15+$0x100]  }
0x5a: {  	v39 =	vmul.f32 v38, v20;
	v24 =	vadd.f32 v29, v24;
	v46 =	vadd.f32 v55, v46;
	v2 =	vld [tilespmem:s0+$0x280]  }
0x5b: {  	v18 =	vmul.f32 v8, v18;
	v28 =	vadd.f32 v41, v28;
	v16 =	vadd.f32 v44, v16;
	v44 =	vld [tilespmem:s0+$0x200]  }
0x5c: {  	v36 =	vadd.f32 v22, v36;
	v6 =	vmul.f32 v7, v4;
	v7 =	vadd.f32 v54, v25;
	v45 =	vld [tilespmem:s0+$0x380]  }
0x5d: {  	v38 =	vmul.f32 v38, v4;
	v30 =	vadd.f32 v39, v30;
	v21 =	vadd.f32 v42, v21;
	v8 =	vld [tilespmem:s0+$0x100]  }
0x5e: {  	v20 =	vmul.f32 v26, v20;
	v55 =	vadd.f32 v18, v1;
	v48 =	vadd.f32 v9, v48;
	v39 =	vld [tilespmem:s0+$0x0]  }
0x5f: {  	v33 =	vadd.f32 v38, v33;
	v14 =	vadd.f32 v52, v14;
	v18 =	vld [tilespmem:s15+$0x0]  }
0x60: {  	v24 =	vadd.f32 v58, v24;
	v31 =	vadd.f32 v20, v31;
	v20 =	vld [tilespmem:s2+$0x80]  }
0x61: {  	v52 =	vmul.f32 v26, v4;
	v51 =	vadd.f32 v11, v51;
	v4 =	vld [tilespmem:s2+$0x100];
	v28 =	vadd.f32 v37, v28  }
0x62: {  	v41 =	vld [tilespmem:s3+$0x180];
	v58 =	vadd.f32 v23, v53;
	v19 =	vadd.f32 v6, v19  }
0x63: {  	v37 =	vld [tilespmem:s0+$0x180];
	v25 =	vadd.f32 v32, v7;
	v30 =	vadd.f32 v49, v30  }
0x64: {  	v49 =	vld [tilespmem:s2+$0x0];
	v16 =	vadd.f32 v43, v16;
	v19 =	vadd.f32 v13, v19;
	v54 =	vmul.f32 v3, v0  }
0x65: {  	v6 =	vld [tilespmem:s3+$0x0];
	v13 =	vadd.f32 v50, v35;
	v43 =	vmul.f32 v2, v0;
	v29 =	vmul.f32 v44, v0  }
0x66: {  	v38 =	vld [tilespmem:s3+$0x280];
	v42 =	vadd.f32 v52, v27;
	v1 =	vmul.f32 v45, v0;
	v59 =	vmul.f32 v39, v0  }
0x67: {  	v27 =	vld [tilespmem:$0x1FFF0];
	v35 =	vadd.f32 v63, v13;
	v13 =	vmul.f32 v8, v0;
	v32 =	vmul.f32 v2, v18  }
0x68: {  	v33 =	vadd.f32 v12, v33;
	v7 =	vmovc v57;
	v57 =	vld [tilespmem:s0+$0x80];
	v63 =	vmul.f32 v39, v18;
	v52 =	vmul.f32 v61, v20  }
0x69: {  	v31 =	vadd.f32 v62, v31;
	v53 =	vmul.f32 v61, v4;
	v60 =	vmul.f32 v61, v49;
	v61 =	vld [tilespmem:$0x1FFE0]  }
0x6a: {  	v11 =	vmul.f32 v45, v18;
	v9 =	vmovc v29;
	v29 =	vld [tilespmem:s15+$0x80];
	v22 =	vmov v1;
	v1 =	vmul.f32 v6, v49  }
0x6b: {  	v26 =	vmovc v56;
	v56 =	vld [tilespmem:s3+$0x200];
	v62 =	vmov v54;
	v54 =	vmul.f32 v6, v4;
	v34 =	vadd.f32 v52, v34;
	[tilespmem:$0x1FFF0] =	vst v22  }
0x6c: {  	p1 =	slt.u32 s30, $0x2E;
	v52 =	vmul.f32 v37, v0;
	v22 =	vld [tilespmem:s3+$0x300];
	[tilespmem:$0x1FFE0] =	vst v62;
	v62 =	vmul.f32 v7, v49;
	v1 =	vadd.f32 v1, v10  }
.Ltmp2:
0x6d: {  	v5 =	vadd.f32 v54, v5;
	v54 =	vmul.f32 v38, v49;
	v40 =	vmul.f32 v57, v0;
	(pc) =	sbr.rel @p1 .LBB2_4-.Ltmp2, $4  }
0x6e: {  	v50 =	vmul.f32 v57, v18;
	v36 =	vadd.f32 v61, v36;
	v61 =	vmul.f32 v41, v49  }
0x6f: {  	v12 =	vmovc v43;
	v5 =	vadd.f32 v59, v5;
	v59 =	vmul.f32 v37, v18;
	v43 =	vmul.f32 v8, v29  }
0x70: {  	v27 =	vadd.f32 v27, v42;
	v23 =	vmovc v40;
	v40 =	vmul.f32 v57, v29;
	v57 =	vmul.f32 v56, v49  }
0x71: {  	v10 =	vadd.f32 v63, v1;
	v42 =	vmul.f32 v44, v29;
	v0 =	vmul.f32 v22, v49  }
0x72: {  	[tilespmem:$0x1FE20] =	vst v5;
	v1 =	vadd.f32 v62, v55;
	v5 =	vmul.f32 v44, v18;
	v44 =	vmul.f32 v45, v29  }
0x73: {  	v17 =	vadd.f32 v60, v17;
	v45 =	vmul.f32 v56, v20;
	v49 =	vmul.f32 v26, v49  }
0x74: {  	v63 =	vmul.f32 v41, v4;
	v56 =	vmul.f32 v56, v4;
	v15 =	vadd.f32 v61, v15  }
0x75: {  	s0 =	sadd.s32 $0x2400, s29;
	v2 =	vmul.f32 v2, v29;
	v61 =	vmul.f32 v7, v20;
	v0 =	vadd.f32 v0, v47  }
0x76: {  	s29 =	simm.s32 $0x0;
	s2 =	simm.s32 $0x0;
	[tilespmem:$0x1FE10] =	vst v10;
	[dreg:$0x8] =	wrdreg s0;
	v10 =	vadd.f32 v50, v17;
	v17 =	vadd.f32 v53, v58;
	v58 =	vmul.f32 v3, v18  }
0x77: {  	v62 =	vadd.f32 v57, v46;
	v6 =	vmul.f32 v6, v20;
	s2 =	sand.u32 $0x3FFFFC00, s2;
	s3 =	sand.u32 $0x60, s29;
	s0 =	rddreg [dreg:$0x8];
	v49 =	vadd.f32 v49, v51  }
0x78: {  	v7 =	vmul.f32 v7, v4;
	s15 =	sor.u32 $0x10, s3;
	v48 =	vadd.f32 v56, v48;
	s0 =	sadd.s32 s2, s0;
	v0 =	vadd.f32 v58, v0  }
0x79: {  	s19 =	simm.s32 $0x0;
	v57 =	vimm.f32 $0.0e+00;
	v60 =	vadd.f32 v63, v14;
	v16 =	vadd.f32 v61, v16;
	[tilespmem:$0x1FE30] =	vst v10;
	s2 =	sadd.s32 s15, s0  }
0x7a: {  	s19 =	sand.u32 $0x3FFFFE00, s19;
	v10 =	vadd.f32 v59, v15;
	s0 =	sadd.s32 s3, s0;
	v15 =	vmul.f32 v38, v20;
	v14 =	vld [tilespmem:s2+$0x300];
	[tilespmem:$0x1FE50] =	vst v0;
	v0 =	vadd.f32 v54, v25  }
0x7b: {  	v47 =	vmul.f32 v39, v29;
	v5 =	vadd.f32 v5, v62;
	v6 =	vadd.f32 v6, v35;
	s15 =	sor.u32 s15, s19;
	v50 =	vld [tilespmem:s0+$0x80]  }
0x7c: {  	v63 =	vmul.f32 v22, v20;
	v51 =	vld [tilespmem:s15+$0x100];
	v15 =	vadd.f32 v15, v30;
	v0 =	vadd.f32 v32, v0  }
0x7d: {  	v61 =	vimm.f32 $0.0e+00;
	v62 =	vimm.f32 $0.0e+00;
	v46 =	vld [tilespmem:s2+$0x200];
	[tilespmem:$0x1FE40] =	vst v10;
	v10 =	vadd.f32 v52, v60  }
0x7e: {  	v39 =	vld [tilespmem:s2+$0x380];
	v2 =	vadd.f32 v2, v15;
	[tilespmem:$0x1FE70] =	vst v0;
	v0 =	vmul.f32 v3, v29;
	v3 =	vadd.f32 v63, v24  }
0x7f: {  	v53 =	vimm.f32 $0.0e+00;
	v35 =	vld [tilespmem:s15+$0x0];
	[tilespmem:$0x1FE60] =	vst v10;
	v10 =	vadd.f32 v43, v16;
	v16 =	vadd.f32 v45, v21  }
0x80: {  	v56 =	vld [tilespmem:s0+$0x180];
	[tilespmem:$0x1FE90] =	vst v2;
	v2 =	vmul.f32 v8, v18;
	v0 =	vadd.f32 v0, v3;
	v3 =	vadd.f32 v7, v19  }
0x81: {  	[tilespmem:$0x1FEA0] =	vst v5;
	v59 =	vimm.f32 $0.0e+00;
	v54 =	vld [tilespmem:s2+$0x180];
	v5 =	vadd.f32 v42, v16;
	v8 =	vadd.f32 v11, v49  }
0x82: {  	v32 =	vld [tilespmem:s2+$0x280];
	[tilespmem:$0x1FE80] =	vst v10;
	v1 =	vadd.f32 v2, v1;
	v2 =	vadd.f32 v13, v3;
	v3 =	vmul.f32 v38, v4  }
0x83: {  	v55 =	vld [tilespmem:s0+$0x280];
	v60 =	vimm.f32 $0.0e+00;
	v15 =	vimm.f32 $0.0e+00;
	v24 =	vimm.f32 $0.0e+00;
	[tilespmem:$0x1FEC0] =	vst v5  }
0x84: {  	v52 =	vld [tilespmem:s15+$0x80];
	v10 =	vimm.f32 $0.0e+00;
	v7 =	vadd.f32 v40, v34;
	[tilespmem:$0x1FF10] =	vst v8;
	v3 =	vadd.f32 v3, v33  }
0x85: {  	s3 =	sor.u32 s3, s19;
	v21 =	vld [tilespmem:s2+$0x100];
	v49 =	vimm.f32 $0.0e+00;
	v5 =	vmul.f32 v26, v20;
	[tilespmem:$0x1FEB0] =	vst v0;
	v0 =	vmul.f32 v41, v20  }
0x86: {  	v16 =	vld [tilespmem:s3+$0x0];
	v8 =	vmul.f32 v22, v4;
	v34 =	vmul.f32 v54, v35;
	[tilespmem:$0x1FED0] =	vst v7;
	v3 =	vadd.f32 v12, v3  }
0x87: {  	v18 =	vld [tilespmem:s0+$0x200];
	v63 =	vmul.f32 v32, v35;
	[tilespmem:$0x1FEE0] =	vst v1;
	v1 =	vmul.f32 v37, v29;
	v0 =	vadd.f32 v0, v28  }
0x88: {  	v5 =	vadd.f32 v5, v31;
	v7 =	vmul.f32 v26, v4;
	v4 =	vadd.f32 v47, v6;
	[tilespmem:$0x1FFA0] =	vst v3;
	v3 =	vld [tilespmem:$0x1FFF0]  }
0x89: {  	v42 =	vld [tilespmem:s0+$0x0];
	v26 =	vmul.f32 v46, v51;
	v0 =	vadd.f32 v1, v0;
	v1 =	vmul.f32 v32, v51  }
0x8a: {  	v40 =	vld [tilespmem:s2+$0x0];
	v31 =	vmul.f32 v39, v35;
	v6 =	vmul.f32 v46, v52;
	v20 =	vimm.f32 $0.0e+00;
	[tilespmem:$0x1FEF0] =	vst v2  }
0x8b: {  	v22 =	vld [tilespmem:s3+$0x100];
	v45 =	vmul.f32 v56, v16;
	v2 =	vadd.f32 v9, v48;
	[tilespmem:$0x1FF60] =	vst v1;
	v1 =	vadd.f32 v7, v27  }
0x8c: {  	v47 =	vimm.f32 $0.0e+00;
	v30 =	vmul.f32 v18, v16;
	v29 =	vmul.f32 v55, v16;
	[tilespmem:$0x1FF20] =	vst v4  }
0x8d: {  	v4 =	vadd.f32 v44, v5;
	v44 =	vmul.f32 v50, v16;
	[tilespmem:$0x1FF00] =	vst v2;
	v1 =	vadd.f32 v3, v1;
	v3 =	vld [tilespmem:$0x1FFE0]  }
0x8e: {  	v41 =	vimm.f32 $0.0e+00;
	v9 =	vmul.f32 v21, v52;
	v2 =	vld [tilespmem:s2+$0x80];
	[tilespmem:$0x1FF40] =	vst v0;
	v0 =	vmul.f32 v14, v51  }
0x8f: {  	v33 =	vimm.f32 $0.0e+00;
	v48 =	vimm.f32 $0.0e+00;
	[tilespmem:$0x1FF30] =	vst v4;
	v4 =	vmul.f32 v39, v51  }
0x90: {  	v37 =	vld [tilespmem:s3+$0x80];
	v5 =	vmul.f32 v42, v22;
	v7 =	vmul.f32 v40, v51;
	[tilespmem:$0x1FF50] =	vst v0;
	v0 =	vadd.f32 v8, v36  }
0x91: {  	[tilespmem:$0x1FF70] =	vst v4;
	v4 =	vadd.f32 v23, v17;
	v27 =	vmul.f32 v50, v22;
	v17 =	vimm.f32 $0.0e+00  }
0x92: {  	v25 =	vld [tilespmem:s0+$0x100];
	v36 =	vmul.f32 v21, v51;
	v0 =	vadd.f32 v3, v0;
	v3 =	vmul.f32 v42, v16  }
0x93: {  	v43 =	vld [tilespmem:s0+$0x300];
	[tilespmem:$0x1FF80] =	vst v4;
	v8 =	vadd.f32 v5, v24;
	v5 =	vmul.f32 v54, v51;
	v4 =	vmul.f32 v2, v51  }
0x94: {  	v19 =	vmul.f32 v2, v35;
	[tilespmem:$0x1FFB0] =	vst v1;
	v1 =	vmul.f32 v40, v35;
	v3 =	vadd.f32 v3, v24  }
0x95: {  	v38 =	vld [tilespmem:s0+$0x380];
	v2 =	vmul.f32 v2, v52;
	v51 =	vimm.f32 $0.0e+00;
	[tilespmem:$0x1FFC0] =	vst v0;
	v0 =	vmul.f32 v50, v37  }
0x96: {  	v50 =	vimm.f32 $0.0e+00;
	v28 =	vadd.f32 v1, v3;
	v1 =	vadd.f32 v7, v8  }
0x97: {  	[tilespmem:$0x1FF90] =	vst v4;
	v58 =	vadd.f32 v0, v24;
	v0 =	vmul.f32 v25, v16;
	v7 =	vimm.f32 $0.0e+00  }
0x98: {  	s30 =	simm.s32 $0x0;
	v8 =	vimm.f32 $0.0e+00;
	v3 =	vimm.f32 $0.0e+00;
	[tilespmem:$0x1FFD0] =	vst v1;
	v1 =	vmul.f32 v43, v16  }
.LBB2_6:
0x99: {  	s30 =	sadd.s32 $0x2, s30;
	v4 =	vmul.f32 v39, v52;
	v7 =	vadd.f32 v44, v7;
	v44 =	vmul.f32 v18, v37  }
0x9a: {  	v16 =	vmul.f32 v38, v16;
	v39 =	vmul.f32 v56, v22;
	s3 =	sshll.u32 s30, $0x7  }
0x9b: {  	s0 =	rddreg [dreg:$0x8];
	s29 =	sadd.s32 $0x20, s29;
	v11 =	vmul.f32 v40, v52;
	v27 =	vadd.f32 v27, v33;
	v33 =	vmul.f32 v25, v37;
	s3 =	sand.u32 $0x3FFFFC00, s3  }
0x9c: {  	v0 =	vadd.f32 v0, v24;
	v24 =	vmul.f32 v46, v35;
	v1 =	vadd.f32 v1, v10;
	s15 =	sand.u32 $0x60, s29;
	s0 =	sadd.s32 s3, s0  }
0x9d: {  	v10 =	vmul.f32 v18, v22;
	v18 =	vmul.f32 v32, v52;
	v2 =	vadd.f32 v2, v58;
	v58 =	vld [tilespmem:$0x1FF90];
	s20 =	sor.u32 $0x10, s15;
	s3 =	sadd.s32 s15, s0  }
0x9e: {  	v8 =	vadd.f32 v45, v8;
	v32 =	vmul.f32 v14, v35;
	v45 =	vmul.f32 v56, v37;
	s0 =	sadd.s32 s20, s0;
	v40 =	vld [tilespmem:s3+$0x380]  }
0x9f: {  	s2 =	sshll.u32 s30, $0x6;
	v15 =	vadd.f32 v30, v15;
	v20 =	vadd.f32 v16, v20;
	v16 =	vmul.f32 v14, v52;
	v14 =	vld [tilespmem:s0+$0x300]  }
0xa0: {  	v30 =	vmul.f32 v55, v37;
	s19 =	sand.u32 $0x3FFFFE00, s2;
	v7 =	vadd.f32 v19, v7;
	v3 =	vadd.f32 v39, v3;
	v13 =	vld [tilespmem:s3+$0x80]  }
0xa1: {  	v19 =	vmul.f32 v42, v37;
	v33 =	vadd.f32 v33, v62;
	s2 =	sor.u32 s15, s19;
	v17 =	vadd.f32 v10, v17;
	s15 =	sor.u32 s20, s19;
	v42 =	vld [tilespmem:s3+$0x100]  }
0xa2: {  	v8 =	vadd.f32 v34, v8;
	v34 =	vmul.f32 v54, v52;
	v10 =	vadd.f32 v32, v1;
	v1 =	vld [tilespmem:s15+$0x100]  }
0xa3: {  	v52 =	vmul.f32 v25, v22;
	v25 =	vadd.f32 v29, v61;
	v15 =	vadd.f32 v24, v15;
	v32 =	vld [tilespmem:s0+$0x280]  }
0xa4: {  	v29 =	vmul.f32 v43, v37;
	v3 =	vadd.f32 v5, v3;
	v5 =	vadd.f32 v30, v60;
	v46 =	vld [tilespmem:s0+$0x200]  }
0xa5: {  	v30 =	vmul.f32 v38, v37;
	v62 =	vadd.f32 v9, v33;
	v37 =	vmul.f32 v21, v35;
	v39 =	vld [tilespmem:s0+$0x380]  }
0xa6: {  	v54 =	vmul.f32 v55, v22;
	v9 =	vadd.f32 v44, v57;
	v29 =	vadd.f32 v29, v59;
	v21 =	vld [tilespmem:s0+$0x100]  }
0xa7: {  	v55 =	vmul.f32 v38, v22;
	v60 =	vadd.f32 v18, v5;
	v24 =	vadd.f32 v37, v0;
	v37 =	vld [tilespmem:s2+$0x80]  }
0xa8: {  	v18 =	vmul.f32 v43, v22;
	v22 =	vld [tilespmem:s2+$0x100];
	v59 =	vadd.f32 v16, v29;
	v16 =	vadd.f32 v52, v53  }
0xa9: {  	v57 =	vadd.f32 v6, v9;
	v33 =	vadd.f32 v58, v27;
	v27 =	vld [tilespmem:$0x1FF60]  }
0xaa: {  	v9 =	vadd.f32 v19, v51;
	v53 =	vadd.f32 v36, v16;
	v16 =	vld [tilespmem:s2+$0x0]  }
0xab: {  	v35 =	vld [tilespmem:s15+$0x0];
	v17 =	vadd.f32 v26, v17;
	v19 =	vadd.f32 v30, v48;
	v23 =	vmul.f32 v32, v1  }
0xac: {  	v56 =	vld [tilespmem:s3+$0x180];
	v43 =	vadd.f32 v54, v47;
	v6 =	vmul.f32 v46, v1;
	v0 =	vmul.f32 v39, v1  }
0xad: {  	v54 =	vld [tilespmem:s0+$0x180];
	v51 =	vadd.f32 v11, v9;
	v48 =	vadd.f32 v4, v19  }
0xae: {  	v47 =	vadd.f32 v27, v43;
	v27 =	vmul.f32 v13, v22;
	v26 =	vmovc v6;
	v4 =	vmovc v23;
	v9 =	vmov v0;
	v0 =	vld [tilespmem:$0x1FF50]  }
0xaf: {  	v6 =	vadd.f32 v45, v49;
	[tilespmem:$0x1FF60] =	vst v4;
	v4 =	vmul.f32 v13, v37;
	v44 =	vmul.f32 v13, v16;
	v13 =	vld [tilespmem:$0x1FF70]  }
0xb0: {  	v29 =	vld [tilespmem:s0+$0x80]  }
0xb1: {  	v61 =	vadd.f32 v63, v25;
	v52 =	vld [tilespmem:s15+$0x80];
	v49 =	vadd.f32 v34, v6  }
0xb2: {  	v25 =	vmovc v42;
	v5 =	vmul.f32 v14, v1;
	v42 =	vld [tilespmem:s3+$0x0];
	v6 =	vadd.f32 v18, v50;
	v50 =	vadd.f32 v55, v41  }
0xb3: {  	v20 =	vadd.f32 v31, v20;
	v38 =	vmovc v40;
	v40 =	vld [tilespmem:s0+$0x0];
	v36 =	vmul.f32 v21, v1;
	v63 =	vmul.f32 v32, v35  }
0xb4: {  	v31 =	vmul.f32 v39, v35;
	v41 =	vadd.f32 v13, v50;
	v50 =	vadd.f32 v0, v6;
	v6 =	vld [tilespmem:$0x1FFD0]  }
0xb5: {  	v30 =	vmul.f32 v29, v1;
	v19 =	vmul.f32 v29, v35;
	v18 =	vld [tilespmem:s3+$0x200]  }
0xb6: {  	v55 =	vld [tilespmem:s3+$0x280];
	[tilespmem:$0x1FF70] =	vst v9;
	v9 =	vmul.f32 v21, v52;
	v45 =	vmul.f32 v56, v16  }
0xb7: {  	v13 =	vmul.f32 v42, v16;
	v0 =	vmov v5;
	v5 =	vmul.f32 v42, v22  }
0xb8: {  	p1 =	slt.u32 s30, $0x2E;
	v43 =	vld [tilespmem:s3+$0x300];
	v34 =	vmul.f32 v54, v35;
	v12 =	vmul.f32 v40, v1;
	v58 =	vadd.f32 v4, v2  }
.Ltmp3:
0xb9: {  	v11 =	vmul.f32 v40, v35;
	v2 =	vmovc v30;
	v4 =	vadd.f32 v13, v28;
	v13 =	vadd.f32 v5, v6;
	(pc) =	sbr.rel @p1 .LBB2_6-.Ltmp3, $4  }
0xba: {  	[tilespmem:$0x1FF90] =	vst v2;
	v2 =	vmul.f32 v29, v52;
	v30 =	vmul.f32 v18, v16  }
0xbb: {  	v29 =	vmul.f32 v55, v16;
	v28 =	vadd.f32 v11, v4;
	v4 =	vadd.f32 v12, v13  }
0xbc: {  	[tilespmem:$0x1FF50] =	vst v0;
	v0 =	vmul.f32 v25, v16;
	v6 =	vmul.f32 v46, v52  }
0xbd: {  	v5 =	vmul.f32 v54, v1;
	v1 =	vmul.f32 v43, v16;
	[tilespmem:$0x1FFD0] =	vst v4  }
0xbe: {  	v12 =	vld [tilespmem:$0x1FE10]  }
0xbf: {  	v13 =	vld [tilespmem:$0x1FF20]  }
0xc0: {  	v4 =	vadd.f32 v44, v7;
	_ =	sdelay $0x1  }
0xc1: {  	v23 =	vmul.f32 v38, v16;
	v4 =	vadd.f32 v19, v4;
	v19 =	vld [tilespmem:$0x1FE20]  }
0xc2: {  	v44 =	vld [tilespmem:$0x1FE30];
	(xrf2) =	vadd.scan.msk.f32 $0xffff, v12  }
0xc3: {  	v11 =	vadd.f32 v0, v24;
	v24 =	vmul.f32 v18, v22;
	(xrf2) =	vadd.scan.msk.f32 $0xffff, v13;
	v13 =	vadd.f32 v23, v20;
	v23 =	vld [tilespmem:$0x1FED0]  }
0xc4: {  	v8 =	vadd.f32 v45, v8;
	v45 =	vmul.f32 v56, v22;
	v12 =	vadd.f32 v27, v33;
	v27 =	vld [tilespmem:$0x1FF80]  }
0xc5: {  	v15 =	vadd.f32 v30, v15;
	v30 =	vmul.f32 v25, v37;
	v0 =	vadd.f32 v1, v10;
	v33 =	vld [tilespmem:$0x1FEE0]  }
0xc6: {  	v16 =	vadd.f32 v24, v17;
	v24 =	vmul.f32 v14, v35;
	v3 =	vadd.f32 v45, v3;
	v45 =	vld [tilespmem:$0x1FE80];
	(xrf2) =	vadd.scan.msk.f32 $0xffff, v19  }
0xc7: {  	v7 =	vadd.f32 v30, v62;
	v62 =	vld [tilespmem:$0x1FEF0];
	(xrf2) =	vadd.scan.msk.f32 $0xffff, v44  }
0xc8: {  	v0 =	vadd.f32 v24, v0;
	v24 =	vld [tilespmem:$0x1FE40];
	v44 =	vadd.f32 v29, v61;
	(xrf2) =	vadd.scan.msk.f32 $0xffff, v23  }
0xc9: {  	v10 =	vadd.f32 v34, v8;
	v29 =	vld [tilespmem:$0x1FF40];
	(xrf2) =	vadd.scan.msk.f32 $0xffff, v27  }
0xca: {  	v8 =	vadd.f32 v5, v3;
	v3 =	vadd.f32 v63, v44;
	v44 =	vmul.f32 v25, v22;
	v23 =	vld [tilespmem:$0x1FE60];
	(xrf2) =	vadd.scan.msk.f32 $0xffff, v33  }
0xcb: {  	(xrf2) =	vadd.scan.msk.f32 $0xffff, v45;
	v45 =	vld [tilespmem:$0x1FEA0]  }
0xcc: {  	v30 =	vmul.f32 v46, v35;
	v61 =	vmul.f32 v43, v37;
	v46 =	vadd.f32 v44, v53;
	v53 =	vld [tilespmem:$0x1FEC0];
	(xrf2) =	vadd.scan.msk.f32 $0xffff, v62  }
0xcd: {  	v34 =	vmul.f32 v55, v37;
	v20 =	vadd.f32 v2, v58;
	v58 =	vld [tilespmem:$0x1FF00];
	(xrf2) =	vadd.scan.msk.f32 $0xffff, v24  }
0xce: {  	v63 =	vadd.f32 v61, v59;
	v61 =	vld [tilespmem:$0x1FE70];
	v27 =	vmul.f32 v18, v37;
	v19, _, _ =	vpop (xrf2);
	(xrf2) =	vadd.scan.msk.f32 $0xffff, v29  }
0xcf: {  	v21 =	vmul.f32 v21, v35;
	v35 =	vld [tilespmem:$0x1FE90];
	v1 =	vadd.f32 v34, v60;
	v34 =	vmul.f32 v14, v52;
	(xrf2) =	vadd.scan.msk.f32 $0xffff, v23;
	v23, _, _ =	vpop (xrf2)  }
0xd0: {  	v33 =	vmul.f32 v32, v52;
	v17 =	vadd.f32 v27, v57;
	v57 =	vmul.f32 v39, v52;
	v39 =	vld [tilespmem:$0x1FFA0];
	(xrf2) =	vadd.scan.msk.f32 $0xffff, v45;
	v18, _, _ =	vpop (xrf2)  }
0xd1: {  	v9 =	vadd.f32 v9, v7;
	v60 =	vmul.f32 v42, v37;
	v42 =	vld [tilespmem:$0x1FE50];
	v5 =	vadd.f32 v36, v46;
	(xrf2) =	vadd.scan.msk.f32 $0xffff, v53;
	v14, _, _ =	vpop (xrf2)  }
0xd2: {  	v46 =	vld [tilespmem:$0x1FEB0];
	v7 =	vadd.f32 v33, v1;
	v1 =	vadd.f32 v34, v63;
	(xrf2) =	vadd.scan.msk.f32 $0xffff, v58;
	v24, _, _ =	vpop (xrf2)  }
0xd3: {  	v62 =	vmul.f32 v56, v37;
	v63 =	vmul.f32 v38, v37;
	v37 =	vadd.f32 v60, v51;
	v51 =	vld [tilespmem:$0x1FFC0];
	(xrf2) =	vadd.scan.msk.f32 $0xffff, v61;
	v25, _, _ =	vpop (xrf2)  }
0xd4: {  	v15 =	vadd.f32 v30, v15;
	v59 =	vmul.f32 v40, v52;
	v53 =	vld [tilespmem:$0x1FF10];
	(xrf2) =	vadd.scan.msk.f32 $0xffff, v35;
	v30, _, _ =	vpop (xrf2)  }
0xd5: {  	v56 =	vld [tilespmem:$0x1FF30];
	(xrf2) =	vadd.scan.msk.f32 $0xffff, v39;
	v33, _, _ =	vpop (xrf2)  }
0xd6: {  	v44 =	vadd.f32 v59, v37;
	v59 =	vld [tilespmem:$0x1FFB0];
	(xrf2) =	vadd.scan.msk.f32 $0xffff, v42;
	v35, _, _ =	vpop (xrf2)  }
0xd7: {  	v16 =	vadd.f32 v26, v16;
	(xrf2) =	vadd.scan.msk.f32 $0xffff, v46;
	v26, _, _ =	vpop (xrf2)  }
0xd8: {  	v40 =	vmul.f32 v55, v22;
	v55 =	vld [tilespmem:$0x1FF90];
	v36 =	vmul.f32 v54, v52;
	v29 =	vadd.f32 v63, v48;
	(xrf2) =	vadd.scan.msk.f32 $0xffff, v51;
	v52, _, _ =	vpop (xrf2)  }
0xd9: {  	v45 =	vmul.f32 v43, v22;
	v43 =	vld [tilespmem:$0x1FFD0];
	(xrf2) =	vadd.scan.msk.f32 $0xffff, v53;
	v54, _, _ =	vpop (xrf2)  }
0xda: {  	v17 =	vadd.f32 v6, v17;
	v6 =	vadd.f32 v57, v29;
	(xrf2) =	vadd.scan.msk.f32 $0xffff, v56;
	v57, _, _ =	vpop (xrf2)  }
0xdb: {  	v11 =	vadd.f32 v21, v11;
	v58 =	vld [tilespmem:$0x1FF60];
	(xrf2) =	vadd.scan.msk.f32 $0xffff, v59;
	v60, _, _ =	vpop (xrf2)  }
0xdc: {  	v27 =	vadd.f32 v62, v49;
	v49 =	vadd.f32 v40, v47;
	(xrf2) =	vadd.scan.msk.f32 $0xffff, v28;
	v62, _, _ =	vpop (xrf2)  }
0xdd: {  	v2 =	vadd.f32 v31, v13;
	v12 =	vadd.f32 v55, v12;
	v63 =	vld [tilespmem:$0x1FF50];
	(xrf2) =	vadd.scan.msk.f32 $0xffff, v44;
	v40, _, _ =	vpop (xrf2)  }
0xde: {  	v19 =	vbroadcast v19, $0xF;
	v48 =	vmul.f32 v38, v22;
	v27 =	vadd.f32 v36, v27;
	(xrf2) =	vadd.scan.msk.f32 $0xffff, v43;
	v44, _, _ =	vpop (xrf2)  }
0xdf: {  	v23 =	vbroadcast v23, $0xF;
	v18 =	vbroadcast v18, $0xF;
	v21 =	vadd.f32 v45, v50;
	(xrf2) =	vadd.scan.msk.f32 $0xffff, v4;
	v46, _, _ =	vpop (xrf2)  }
0xe0: {  	v14 =	vbroadcast v14, $0xF;
	v61 =	vld [tilespmem:$0x1FF70];
	v24 =	vbroadcast v24, $0xF;
	v29 =	vadd.f32 v58, v49;
	(xrf2) =	vadd.scan.msk.f32 $0xffff, v20;
	v49, _, _ =	vpop (xrf2)  }
0xe1: {  	v22 =	vadd.f32 v48, v41;
	v25 =	vbroadcast v25, $0xF;
	v41 =	vbroadcast v30, $0xF;
	(xrf2) =	vadd.scan.msk.f32 $0xffff, v12;
	v51, _, _ =	vpop (xrf2)  }
0xe2: {  	v21 =	vadd.f32 v63, v21;
	v50 =	vbroadcast v52, $0xF;
	v52 =	vbroadcast v54, $0xF;
	(xrf2) =	vadd.scan.msk.f32 $0xffff, v11;
	v54, _, _ =	vpop (xrf2)  }
0xe3: {  	v14 =	vsel vm0, v19, v14;
	v23 =	vsel vm0, v23, v24;
	v42 =	vbroadcast v33, $0xF;
	(xrf2) =	vadd.scan.msk.f32 $0xffff, v9;
	v56, _, _ =	vpop (xrf2)  }
0xe4: {  	v18 =	vsel vm0, v18, v25;
	v45 =	vbroadcast v35, $0xF;
	v14 =	vsel vm1, v14, v41;
	(xrf2) =	vadd.scan.msk.f32 $0xffff, v5;
	v58, _, _ =	vpop (xrf2)  }
0xe5: {  	v22 =	vadd.f32 v61, v22;
	v48 =	vbroadcast v26, $0xF;
	v55 =	vbroadcast v60, $0xF;
	(xrf2) =	vadd.scan.msk.f32 $0xffff, v10;
	v60, _, _ =	vpop (xrf2)  }
0xe6: {  	v47 =	vsel vm1, v23, v42;
	v18 =	vsel vm1, v18, v45;
	v53 =	vbroadcast v57, $0xF;
	(xrf2) =	vadd.scan.msk.f32 $0xffff, v27;
	v61, _, _ =	vpop (xrf2)  }
0xe7: {  	v14 =	vsel vm2, v14, v48;
	v19 =	vsel vm2, v47, v50;
	v18 =	vsel vm2, v18, v52;
	(xrf2) =	vadd.scan.msk.f32 $0xffff, v8;
	v24, _, _ =	vpop (xrf2)  }
0xe8: {  	v14 =	vsel vm3, v14, v53;
	v57 =	vbroadcast v62, $0xF;
	v13 =	vbroadcast v40, $0xF;
	(xrf2) =	vadd.scan.msk.f32 $0xffff, v15;
	v25, _, _ =	vpop (xrf2)  }
0xe9: {  	v19 =	vsel vm3, v19, v55;
	v59 =	vbroadcast v44, $0xF;
	v4 =	vbroadcast v46, $0xF;
	(xrf2) =	vadd.scan.msk.f32 $0xffff, v17;
	v26, _, _ =	vpop (xrf2)  }
0xea: {  	v18 =	vsel vm3, v18, v57;
	v13 =	vsel vm4, v14, v13;
	v63 =	vbroadcast v49, $0xF;
	(xrf2) =	vadd.scan.msk.f32 $0xffff, v16;
	v27, _, _ =	vpop (xrf2)  }
0xeb: {  	v62 =	vsel vm4, v19, v59;
	v4 =	vsel vm4, v18, v4;
	v12 =	vbroadcast v51, $0xF;
	(xrf2) =	vadd.scan.msk.f32 $0xffff, v3;
	v28, _, _ =	vpop (xrf2)  }
0xec: {  	v13 =	vsel vm5, v13, v63;
	v11 =	vbroadcast v54, $0xF;
	v9 =	vbroadcast v56, $0xF;
	(xrf2) =	vadd.scan.msk.f32 $0xffff, v7;
	v31, _, _ =	vpop (xrf2)  }
0xed: {  	v12 =	vsel vm5, v62, v12;
	v5 =	vbroadcast v58, $0xF;
	v10 =	vbroadcast v60, $0xF;
	(xrf2) =	vadd.scan.msk.f32 $0xffff, v29;
	v33, _, _ =	vpop (xrf2)  }
0xee: {  	v4 =	vsel vm5, v4, v11;
	v9 =	vsel vm6, v13, v9;
	v30 =	vbroadcast v61, $0xF;
	(xrf2) =	vadd.scan.msk.f32 $0xffff, v0;
	v35, _, _ =	vpop (xrf2)  }
0xef: {  	v5 =	vsel vm6, v12, v5;
	v8 =	vbroadcast v24, $0xF;
	v4 =	vsel vm6, v4, v10;
	(xrf2) =	vadd.scan.msk.f32 $0xffff, v1;
	v37, _, _ =	vpop (xrf2)  }
0xf0: {  	v32 =	vbroadcast v25, $0xF;
	v9 =	vsel vm7, v9, v30;
	v34 =	vbroadcast v26, $0xF;
	(xrf2) =	vadd.scan.msk.f32 $0xffff, v21;
	v38, _, _ =	vpop (xrf2)  }
0xf1: {  	v5 =	vsel vm7, v5, v8;
	v36 =	vbroadcast v27, $0xF;
	v3 =	vbroadcast v28, $0xF;
	(xrf2) =	vadd.scan.msk.f32 $0xffff, v2;
	v40, _, _ =	vpop (xrf2)  }
0xf2: {  	v4 =	vsel vm7, v4, v32;
	v8 =	vsel vm8, v9, v34;
	v7 =	vbroadcast v31, $0xF;
	(xrf2) =	vadd.scan.msk.f32 $0xffff, v6;
	v42, _, _ =	vpop (xrf2)  }
0xf3: {  	v5 =	vsel vm8, v5, v36;
	v39 =	vbroadcast v33, $0xF;
	v3 =	vsel vm8, v4, v3;
	(xrf2) =	vadd.scan.msk.f32 $0xffff, v22;
	v43, _, _ =	vpop (xrf2)  }
0xf4: {  	v41 =	vsel vm9, v8, v7;
	v0 =	vbroadcast v35, $0xF;
	v1 =	vbroadcast v37, $0xF;
	v45, _, _ =	vpop (xrf2)  }
0xf5: {  	v5 =	vsel vm9, v5, v39;
	v44 =	vbroadcast v38, $0xF;
	v2 =	vbroadcast v40, $0xF;
	v47, _, _ =	vpop (xrf2)  }
0xf6: {  	v0 =	vsel vm9, v3, v0;
	v1 =	vsel vm10, v41, v1;
	v6 =	vbroadcast v42, $0xF;
	v48, _, _ =	vpop (xrf2)  }
0xf7: {  	v46 =	vsel vm10, v5, v44;
	v0 =	vsel vm10, v0, v2;
	v7 =	vbroadcast v43, $0xF;
	v49, _, _ =	vpop (xrf2)  }
0xf8: {  	v1 =	vsel vm11, v1, v6;
	v3 =	vbroadcast v45, $0xF;
	v5 =	vbroadcast v47, $0xF;
	v50, _, _ =	vpop (xrf2)  }
0xf9: {  	v4 =	vsel vm11, v46, v7;
	v2 =	vbroadcast v48, $0xF;
	v52 =	vbroadcast v49, $0xF;
	v51, _, _ =	vpop (xrf2)  }
0xfa: {  	v0 =	vsel vm11, v0, v3;
	v54 =	vbroadcast v50, $0xF;
	v53, _, _ =	vpop (xrf2);
	v3 =	vbroadcast v51, $0xF  }
0xfb: {  	v1 =	vsel vm12, v1, v5;
	v2 =	vsel vm12, v4, v2;
	v55, _, _ =	vpop (xrf2);
	v4 =	vbroadcast v53, $0xF  }
0xfc: {  	v0 =	vsel vm12, v0, v52;
	v1 =	vsel vm13, v1, v54;
	v2 =	vsel vm13, v2, v3;
	v56, _, _ =	vpop (xrf2)  }
0xfd: {  	v1 =	vsel vm14, v1, v55;
	v0 =	vsel vm13, v0, v4;
	v2 =	vsel vm14, v2, v56;
	v57, _, _ =	vpop (xrf2)  }
0xfe: {  	v0 =	vsel vm14, v0, v57;
	v58 =	vmax.f32 v1, v2  }
0xff: {  	v3 =	vmax.f32 v58, v0  }
0x100: {  	v59 =	vsub.f32 v1, v3  }
0x101: {  	v60 =	vsub.f32 v2, v3  }
0x102: {  	v4 =	vmul.f32 $1.442695020e+00, v59  }
0x103: {  	v3 =	vsub.f32 v0, v3;
	v5 =	vmul.f32 $1.442695020e+00, v60  }
0x104: {  	(erf) = vpow2.f32 v4  }
0x105: {  	v3 =	vmul.f32 $1.442695020e+00, v3;
	(erf) = vpow2.f32 v5;
	_ =	sdelay $0x1  }
0x106: {  	(erf) = vpow2.f32 v3;
	_ =	sdelay $0x5  }
0x107: {  	v61 =	vpop (erf)  }
0x108: {  	v62 =	vpop (erf)  }
0x109: {  	v3 =	vadd.f32 v62, v61  }
0x10a: {  	v63 =	vpop (erf)  }
0x10b: {  	v3 =	vadd.f32 v3, v63;
	_ =	sdelay $0x1  }
0x10c: {  	(erf) = vrcp.f32 v3;
	_ =	sdelay $0x4  }
0x10d: {  	s0 =	sshll.u32 s28, $0x4  }
.Ltmp4:
0x10e: {  	s0 =	sor.u32 s25, s0;
	(pc) =	sbr.rel @p0 .LBB2_3-.Ltmp4, $4  }
0x10f: {  	[tilespmem:s0+$0xCC00] =	vst v1  }
0x110: {  	[tilespmem:s0+$0xCD80] =	vst v2  }
0x111: {  	[tilespmem:s0+$0xCF00] =	vst v0;
	v3 =	vpop (erf)  }
0x112: {  	s28 =	simm.s32 $0x1;
	p1 =	por $0x0, $0x0;
	[tilespmem:s0+$0xD080] =	vst v3  }
0x113: {  	p0 =	seq.s32 s24, $0x4  }
0x114: {  	s0 =	sadd.s32 @!p0 s25, s7  }
0x115: {  	s0 =	sshrl.u32 @!p0 s0, $0x3  }
0x116: {  	s0 =	smul.u32 @!p0 $0x300, s0;
	_ =	sdelay $0x1  }
0x117: {  	s2 =	simm.s32 @!p0 $0x0;
	s3 =	simm.s32 @!p0 $0xC00;
	s0 =	sadd.s32 @!p0 s1, s0  }
0x118: {  	[tilespmem:s3], [sflag:$0x1] =	stream.linear.gather @!p0 [hbm4b:s0+s2], $0x6000, $0x38;
	[tilespmem:$0xD200] =	vst v63  }
0x119: {  	_ =	swait.ge [sflag:s18], $0x6000  }
0x11a: {  	s26 =	sor.u32 $0x20, s25;
	s28 =	simm.s32 $0x0;
	[sflag:s18] =	ssyncset.done $0x0  }
0x11b: {  	p2 =	por $0x1, $0x1;
	s29 =	simm.s32 $0x0;
	[sflag:s18] =	ssyncadd.s32 $0xFFFFA000  }
.LBB2_9:
0x11c: {  	s0 =	smul.u32 $0xC000, s29;
	_ =	sdelay $0x1  }
0x11d: {  	s30 =	sshra.s32 s0, $0x2  }
0x11e: {  	s2 =	simm.s32 $0x0;
	s3 =	sand.u32 $0x60, s28;
	s0 =	sadd.s32 $0x6C00, s30  }
0x11f: {  	s19 =	simm.s32 $0x0;
	s2 =	sand.u32 $0x3FFFFC00, s2;
	[dreg:$0x9] =	wrdreg s0  }
0x120: {  	s21 =	sor.u32 $0x10, s3;
	s19 =	sand.u32 $0x3FFFFE00, s19;
	s0 =	rddreg [dreg:$0x9]  }
0x121: {  	s0 =	sadd.s32 s2, s0;
	s2 =	sor.u32 s21, s19  }
0x122: {  	v1 =	vld [tilespmem:s2+$0x100]  }
0x123: {  	v15 =	vld [tilespmem:s2+$0x0]  }
0x124: {  	s15 =	sadd.s32 s21, s0;
	v25 =	vld [tilespmem:s2+$0x80]  }
0x125: {  	s0 =	sadd.s32 s3, s0;
	v4 =	vld [tilespmem:s15+$0x300]  }
0x126: {  	v0 =	vld [tilespmem:s0+$0x80]  }
0x127: {  	v3 =	vld [tilespmem:s15+$0x280]  }
0x128: {  	v44 =	vld [tilespmem:s15+$0x200]  }
0x129: {  	v45 =	vld [tilespmem:s15+$0x380]  }
0x12a: {  	v5 =	vld [tilespmem:s15+$0x100]  }
0x12b: {  	v32 =	vld [tilespmem:s15+$0x0]  }
0x12c: {  	v7 =	vld [tilespmem:s15+$0x80]  }
0x12d: {  	v55 =	vimm.f32 $0.0e+00;
	s3 =	sor.u32 s3, s19;
	v11 =	vld [tilespmem:s0+$0x0]  }
0x12e: {  	v47 =	vimm.f32 $0.0e+00;
	v58 =	vimm.f32 $0.0e+00;
	v51 =	vimm.f32 $0.0e+00;
	v49 =	vld [tilespmem:s3+$0x0]  }
0x12f: {  	v48 =	vimm.f32 $0.0e+00;
	v24 =	vld [tilespmem:s3+$0x80];
	v63 =	vmul.f32 v4, v1;
	v2 =	vmul.f32 v3, v1  }
0x130: {  	v46 =	vimm.f32 $0.0e+00;
	v37 =	vld [tilespmem:s0+$0x180];
	v13 =	vmul.f32 v44, v1;
	v6 =	vmul.f32 v45, v1  }
0x131: {  	v26 =	vimm.f32 $0.0e+00;
	v41 =	vld [tilespmem:s15+$0x180];
	v12 =	vmul.f32 v32, v1;
	v19 =	vmul.f32 v7, v1  }
0x132: {  	v22 =	vimm.f32 $0.0e+00;
	v56 =	vld [tilespmem:s0+$0x200];
	v18 =	vmul.f32 v5, v1;
	v50 =	vmul.f32 v7, v15  }
0x133: {  	v23 =	vimm.f32 $0.0e+00;
	v42 =	vld [tilespmem:s0+$0x280];
	v29 =	vmul.f32 v3, v15;
	v16 =	vmul.f32 v32, v15  }
0x134: {  	v38 =	vimm.f32 $0.0e+00;
	v28 =	vld [tilespmem:s0+$0x300];
	v14 =	vmul.f32 v45, v15;
	v60 =	vmul.f32 v0, v49  }
0x135: {  	v34 =	vimm.f32 $0.0e+00;
	v17 =	vmul.f32 v0, v24;
	v20 =	vmul.f32 v11, v49;
	[tilespmem:$0x1FDF0] =	vst v2;
	v2 =	vld [tilespmem:s3+$0x100]  }
0x136: {  	v31 =	vimm.f32 $0.0e+00;
	v43 =	vmul.f32 v5, v25;
	v61 =	vmul.f32 v37, v49  }
0x137: {  	v36 =	vimm.f32 $0.0e+00;
	v35 =	vmul.f32 v7, v25;
	v57 =	vmul.f32 v56, v49  }
0x138: {  	v40 =	vimm.f32 $0.0e+00;
	v8 =	vld [tilespmem:s0+$0x100];
	v39 =	vmul.f32 v44, v25;
	v54 =	vmul.f32 v42, v49  }
0x139: {  	v52 =	vmul.f32 v41, v1;
	v33 =	vadd.f32 v17, v55;
	v17 =	vadd.f32 v20, v55  }
0x13a: {  	v27 =	vimm.f32 $0.0e+00;
	v62 =	vmul.f32 v28, v49;
	v21 =	vmul.f32 v11, v2  }
0x13b: {  	v59 =	vmul.f32 v41, v15;
	v20 =	vimm.f32 $0.0e+00;
	v9 =	vadd.f32 v16, v17  }
0x13c: {  	v30 =	vld [tilespmem:s0+$0x380];
	v16 =	vimm.f32 $0.0e+00;
	v17 =	vimm.f32 $0.0e+00;
	v7 =	vadd.f32 v21, v55  }
0x13d: {  	v53 =	vmul.f32 v0, v2;
	v0 =	vmul.f32 v8, v49;
	v21 =	vimm.f32 $0.0e+00  }
0x13e: {  	p1 =	por p2, p2;
	s31 =	simm.s32 $0x0;
	[tilespmem:$0x1FE00] =	vst v6;
	s3 =	simm.s32 $0x0;
	v10 =	vadd.f32 v12, v7;
	v7 =	vimm.f32 $0.0e+00;
	v12 =	vimm.f32 $0.0e+00  }
.LBB2_10:
0x13f: {  	s31 =	sadd.s32 $0x2, s31  }
0x140: {  	[tilespmem:$0x1FDE0] =	vst v63;
	v1 =	vmul.f32 v44, v15;
	v63 =	vmul.f32 v45, v25;
	s15 =	sshll.u32 s31, $0x7  }
0x141: {  	s0 =	rddreg [dreg:$0x9];
	s3 =	sadd.s32 $0x20, s3;
	v44 =	vmul.f32 v30, v49;
	v45 =	vmul.f32 v37, v2;
	s15 =	sand.u32 $0x3FFFFC00, s15  }
0x142: {  	v49 =	vmul.f32 v3, v25;
	v37 =	vmul.f32 v37, v24;
	v0 =	vadd.f32 v0, v55;
	s2 =	sshll.u32 s31, $0x6;
	s19 =	sand.u32 $0x60, s3;
	s20 =	sadd.s32 s15, s0  }
0x143: {  	v20 =	vadd.f32 v60, v20;
	v55 =	vmul.f32 v56, v24;
	v47 =	vadd.f32 v62, v47;
	s2 =	sand.u32 $0x3FFFFE00, s2;
	s21 =	sor.u32 $0x10, s19;
	s0 =	sadd.s32 s19, s20  }
0x144: {  	v62 =	vmul.f32 v56, v2;
	v53 =	vadd.f32 v53, v58;
	v58 =	vmul.f32 v4, v25;
	s15 =	sor.u32 s19, s2;
	s19 =	sor.u32 s21, s2;
	s21 =	sadd.s32 s21, s20;
	v56 =	vld [tilespmem:s0+$0x380]  }
0x145: {  	v20 =	vadd.f32 v50, v20;
	v50 =	vmul.f32 v11, v24;
	v11 =	vmul.f32 v4, v15;
	v4 =	vld [tilespmem:s21+$0x300]  }
0x146: {  	v41 =	vmul.f32 v41, v25;
	v60 =	vmul.f32 v32, v25;
	v3 =	vadd.f32 v61, v16;
	v61 =	vld [tilespmem:s0+$0x80]  }
0x147: {  	v46 =	vadd.f32 v57, v46;
	v32 =	vmul.f32 v42, v24;
	v33 =	vadd.f32 v35, v33;
	v57 =	vld [tilespmem:s0+$0x100]  }
0x148: {  	v51 =	vadd.f32 v44, v51;
	v44 =	vmul.f32 v8, v24;
	v16 =	vadd.f32 v59, v3;
	v59 =	vld [tilespmem:s19+$0x100]  }
0x149: {  	v25 =	vmul.f32 v28, v24;
	v7 =	vadd.f32 v45, v7;
	v31 =	vadd.f32 v37, v31;
	v3 =	vld [tilespmem:s21+$0x280]  }
0x14a: {  	v48 =	vadd.f32 v62, v48;
	v17 =	vadd.f32 v44, v17;
	v44 =	vld [tilespmem:s21+$0x200]  }
0x14b: {  	v26 =	vadd.f32 v32, v26;
	v22 =	vadd.f32 v25, v22;
	v45 =	vld [tilespmem:s21+$0x380]  }
0x14c: {  	v12 =	vadd.f32 v55, v12;
	v15 =	vmul.f32 v5, v15;
	v46 =	vadd.f32 v1, v46;
	v5 =	vld [tilespmem:s21+$0x100]  }
0x14d: {  	v7 =	vadd.f32 v52, v7;
	v51 =	vadd.f32 v14, v51;
	v32 =	vld [tilespmem:s21+$0x0]  }
0x14e: {  	v28 =	vmul.f32 v28, v2;
	v31 =	vadd.f32 v41, v31;
	v47 =	vadd.f32 v11, v47;
	v1 =	vld [tilespmem:s21+$0x80]  }
0x14f: {  	v11 =	vmul.f32 v8, v2;
	v8 =	vadd.f32 v54, v21;
	v55 =	vadd.f32 v15, v0;
	v15 =	vld [tilespmem:s19+$0x0]  }
0x150: {  	v62 =	vmul.f32 v42, v2;
	v26 =	vadd.f32 v49, v26;
	v22 =	vadd.f32 v58, v22;
	v49 =	vld [tilespmem:s15+$0x0]  }
0x151: {  	v52 =	vmul.f32 v30, v2;
	v12 =	vadd.f32 v39, v12;
	v48 =	vadd.f32 v13, v48;
	v2 =	vld [tilespmem:s15+$0x100]  }
0x152: {  	v36 =	vadd.f32 v62, v36;
	v37 =	vld [tilespmem:s0+$0x180];
	v39 =	vadd.f32 v28, v40  }
0x153: {  	v24 =	vmul.f32 v30, v24;
	v41 =	vld [tilespmem:s21+$0x180];
	v58 =	vadd.f32 v19, v53;
	v17 =	vadd.f32 v43, v17  }
0x154: {  	v28 =	vld [tilespmem:$0x1FE00];
	v27 =	vadd.f32 v52, v27;
	v23 =	vadd.f32 v11, v23  }
0x155: {  	v19 =	vld [tilespmem:$0x1FDF0];
	v21 =	vadd.f32 v29, v8;
	v29 =	vadd.f32 v24, v34;
	v54 =	vmul.f32 v4, v59  }
0x156: {  	v11 =	vld [tilespmem:s0+$0x0];
	v23 =	vadd.f32 v18, v23;
	v43 =	vmul.f32 v3, v59;
	v25 =	vmul.f32 v44, v59  }
0x157: {  	v24 =	vld [tilespmem:s15+$0x80];
	v18 =	vadd.f32 v50, v38;
	v0 =	vmul.f32 v45, v59;
	v6 =	vmul.f32 v32, v59  }
0x158: {  	v42 =	vld [tilespmem:s0+$0x280];
	v34 =	vadd.f32 v63, v29;
	v35 =	vmul.f32 v1, v59;
	v50 =	vmul.f32 v1, v15  }
0x159: {  	v29 =	vmul.f32 v3, v15;
	v62 =	vmul.f32 v32, v15;
	v27 =	vadd.f32 v28, v27;
	v28 =	vmovc v0;
	v0 =	vld [tilespmem:$0x1FDE0]  }
0x15a: {  	v30 =	vmovc v56;
	v14 =	vmul.f32 v45, v15;
	v56 =	vld [tilespmem:s0+$0x200];
	v36 =	vadd.f32 v19, v36;
	v53 =	vmul.f32 v61, v2  }
0x15b: {  	v38 =	vadd.f32 v60, v18;
	v18 =	vmul.f32 v5, v59;
	v13 =	vmovc v25;
	v25 =	vld [tilespmem:s19+$0x80];
	v52 =	vmul.f32 v11, v49  }
0x15c: {  	v8 =	vmovc v57;
	v60 =	vmul.f32 v61, v49;
	v19 =	vmovc v43;
	v57 =	vmul.f32 v61, v24;
	v63 =	vmov v54  }
0x15d: {  	p2 =	slt.u32 s31, $0x2E;
	v61 =	vmul.f32 v37, v49;
	v54 =	vmul.f32 v42, v49;
	[tilespmem:$0x1FE00] =	vst v28;
	v28 =	vld [tilespmem:s0+$0x300];
	v52 =	vadd.f32 v52, v9  }
.Ltmp5:
0x15e: {  	v33 =	vadd.f32 v57, v33;
	v40 =	vadd.f32 v0, v39;
	v39 =	vmul.f32 v11, v2;
	(pc) =	sbr.rel @p2 .LBB2_10-.Ltmp5, $4  }
0x15f: {  	[tilespmem:$0x1FDF0] =	vst v19;
	v57 =	vmul.f32 v56, v49;
	v9 =	vadd.f32 v62, v52;
	v52 =	vmul.f32 v41, v59  }
0x160: {  	v19 =	vmovc v35;
	v59 =	vmul.f32 v41, v15;
	v35 =	vmul.f32 v1, v25;
	v1 =	vadd.f32 v39, v10  }
0x161: {  	v43 =	vmul.f32 v5, v25;
	v0 =	vmul.f32 v8, v49  }
0x162: {  	v62 =	vmul.f32 v28, v49;
	v39 =	vmul.f32 v44, v25;
	v10 =	vadd.f32 v6, v1  }
0x163: {  	v0 =	vadd.f32 v0, v55  }
0x164: {  	v1 =	vmul.f32 v44, v15;
	v20 =	vadd.f32 v60, v20;
	v16 =	vadd.f32 v61, v16  }
0x165: {  	v60 =	vmul.f32 v37, v2;
	v46 =	vadd.f32 v57, v46;
	v47 =	vadd.f32 v62, v47  }
0x166: {  	[tilespmem:$0x1FC30] =	vst v9;
	v62 =	vmul.f32 v56, v2;
	v9 =	vadd.f32 v50, v20;
	v20 =	vadd.f32 v53, v58  }
0x167: {  	v44 =	vmul.f32 v56, v24;
	v58 =	vadd.f32 v60, v7;
	v7 =	vadd.f32 v59, v16  }
0x168: {  	v16 =	vmul.f32 v42, v24;
	v48 =	vadd.f32 v62, v48;
	v62 =	vmul.f32 v28, v24  }
0x169: {  	v3 =	vmul.f32 v3, v25;
	v56 =	vmul.f32 v4, v15;
	v1 =	vadd.f32 v1, v46  }
0x16a: {  	s0 =	sadd.s32 $0x8400, s30;
	v4 =	vmul.f32 v4, v25;
	v16 =	vadd.f32 v16, v26;
	v22 =	vadd.f32 v62, v22  }
0x16b: {  	s30 =	simm.s32 $0x0;
	s2 =	simm.s32 $0x0;
	[dreg:$0xa] =	wrdreg s0;
	v60 =	vmul.f32 v8, v24;
	v8 =	vmul.f32 v8, v2;
	v12 =	vadd.f32 v44, v12;
	[tilespmem:$0x1FC40] =	vst v9  }
0x16c: {  	v6 =	vmul.f32 v45, v25;
	s2 =	sand.u32 $0x3FFFFC00, s2;
	s3 =	sand.u32 $0x60, s30;
	s0 =	rddreg [dreg:$0xa];
	[tilespmem:$0x1FCB0] =	vst v1;
	v3 =	vadd.f32 v3, v16;
	v1 =	vadd.f32 v4, v22  }
0x16d: {  	v45 =	vmul.f32 v30, v49;
	s19 =	simm.s32 $0x0;
	s15 =	sor.u32 $0x10, s3;
	s0 =	sadd.s32 s2, s0;
	[tilespmem:$0x1FC50] =	vst v7;
	v4 =	vadd.f32 v8, v23;
	v8 =	vadd.f32 v35, v33  }
0x16e: {  	v11 =	vmul.f32 v11, v24;
	s19 =	sand.u32 $0x3FFFFE00, s19;
	s2 =	sadd.s32 s15, s0;
	[tilespmem:$0x1FCA0] =	vst v3;
	v3 =	vmul.f32 v5, v15;
	v5 =	vadd.f32 v39, v12  }
0x16f: {  	v55 =	vmul.f32 v32, v25;
	v45 =	vadd.f32 v45, v51;
	v9 =	vadd.f32 v56, v47;
	s15 =	sor.u32 s15, s19;
	v7 =	vld [tilespmem:s2+$0x300];
	[tilespmem:$0x1FCE0] =	vst v8  }
0x170: {  	v47 =	vld [tilespmem:s15+$0x100];
	v12 =	vmul.f32 v28, v2;
	v8 =	vadd.f32 v11, v38;
	[tilespmem:$0x1FCD0] =	vst v5;
	v5 =	vmul.f32 v30, v24  }
0x171: {  	s0 =	sadd.s32 s3, s0;
	v32 =	vld [tilespmem:s2+$0x380];
	v11 =	vmul.f32 v30, v2;
	v0 =	vadd.f32 v3, v0;
	v3 =	vadd.f32 v18, v4  }
0x172: {  	v51 =	vld [tilespmem:s0+$0x80];
	[tilespmem:$0x1FC60] =	vst v9;
	v4 =	vmul.f32 v42, v2;
	v2 =	vadd.f32 v55, v8;
	v5 =	vadd.f32 v5, v34  }
0x173: {  	v44 =	vld [tilespmem:s2+$0x200];
	[tilespmem:$0x1FD00] =	vst v3;
	v3 =	vadd.f32 v13, v48  }
0x174: {  	v49 =	vld [tilespmem:s15+$0x80];
	[tilespmem:$0x1FD30] =	vst v2;
	v2 =	vadd.f32 v6, v5  }
0x175: {  	v61 =	vadd.f32 v54, v21;
	v9 =	vadd.f32 v52, v58;
	[tilespmem:$0x1FD10] =	vst v3;
	v3 =	vld [tilespmem:s2+$0x80]  }
0x176: {  	v56 =	vld [tilespmem:s0+$0x180];
	[tilespmem:$0x1FD40] =	vst v2;
	v2 =	vmul.f32 v32, v47  }
0x177: {  	v35 =	vld [tilespmem:s2+$0x0];
	[tilespmem:$0x1FC70] =	vst v9;
	v9 =	vadd.f32 v29, v61  }
0x178: {  	v17 =	vadd.f32 v60, v17;
	v29 =	vld [tilespmem:s2+$0x280];
	[tilespmem:$0x1FD80] =	vst v2;
	v2 =	vadd.f32 v19, v20  }
0x179: {  	v57 =	vimm.f32 $0.0e+00;
	v59 =	vimm.f32 $0.0e+00;
	v53 =	vimm.f32 $0.0e+00;
	s3 =	sor.u32 s3, s19;
	v15 =	vld [tilespmem:s2+$0x100];
	[tilespmem:$0x1FC80] =	vst v9  }
0x17a: {  	v46 =	vimm.f32 $0.0e+00;
	v9 =	vadd.f32 v43, v17;
	v17 =	vld [tilespmem:s3+$0x0];
	[tilespmem:$0x1FD90] =	vst v2;
	v2 =	vmul.f32 v3, v47  }
0x17b: {  	v26 =	vimm.f32 $0.0e+00;
	v60 =	vimm.f32 $0.0e+00;
	[tilespmem:$0x1FCC0] =	vst v1;
	v1 =	vmul.f32 v37, v24;
	v18 =	vld [tilespmem:s3+$0x100]  }
0x17c: {  	v62 =	vimm.f32 $0.0e+00;
	v16 =	vimm.f32 $0.0e+00;
	v38 =	vimm.f32 $0.0e+00;
	[tilespmem:$0x1FDA0] =	vst v2;
	v2 =	vld [tilespmem:$0x1FDF0]  }
0x17d: {  	v43 =	vld [tilespmem:s0+$0x0];
	v24 =	vmul.f32 v44, v47;
	v1 =	vadd.f32 v1, v31;
	[tilespmem:$0x1FCF0] =	vst v0;
	v0 =	vmul.f32 v41, v25  }
0x17e: {  	v22 =	vld [tilespmem:s0+$0x200];
	[tilespmem:$0x1FC90] =	vst v9;
	v9 =	vadd.f32 v14, v45;
	v8 =	vmul.f32 v35, v47;
	v13 =	vimm.f32 $0.0e+00  }
0x17f: {  	v31 =	vld [tilespmem:s15+$0x0];
	v25 =	vimm.f32 $0.0e+00;
	v34 =	vmul.f32 v15, v47;
	v6 =	vadd.f32 v4, v36  }
0x180: {  	[tilespmem:$0x1FC20] =	vst v10;
	v55 =	vld [tilespmem:s0+$0x280];
	v14 =	vmul.f32 v15, v49;
	v0 =	vadd.f32 v0, v1;
	v1 =	vmul.f32 v29, v47  }
0x181: {  	v54 =	vld [tilespmem:s2+$0x180];
	[tilespmem:$0x1FD20] =	vst v9;
	v50 =	vmul.f32 v51, v17;
	v28 =	vmul.f32 v51, v18;
	v2 =	vadd.f32 v2, v6  }
0x182: {  	v48 =	vimm.f32 $0.0e+00;
	v9 =	vmul.f32 v43, v18;
	v52 =	vmul.f32 v56, v17;
	[tilespmem:$0x1FD50] =	vst v0  }
0x183: {  	v45 =	vimm.f32 $0.0e+00;
	v37 =	vmul.f32 v22, v17;
	v0 =	vmul.f32 v7, v47;
	[tilespmem:$0x1FDB0] =	vst v2;
	v2 =	vld [tilespmem:$0x1FE00]  }
0x184: {  	[tilespmem:$0x1FD70] =	vst v1;
	v1 =	vadd.f32 v11, v27;
	v61 =	vmul.f32 v29, v31;
	v10 =	vmul.f32 v32, v31  }
0x185: {  	v36 =	vld [tilespmem:s3+$0x80];
	v11 =	vmul.f32 v44, v49;
	v33 =	vmul.f32 v55, v17;
	[tilespmem:$0x1FD60] =	vst v0;
	v0 =	vadd.f32 v12, v40  }
0x186: {  	v39 =	vmul.f32 v54, v31;
	v9 =	vadd.f32 v9, v26;
	v12 =	vimm.f32 $0.0e+00  }
0x187: {  	v21 =	vld [tilespmem:s0+$0x100];
	v20 =	vimm.f32 $0.0e+00;
	v40 =	vimm.f32 $0.0e+00;
	v0 =	vadd.f32 v63, v0  }
0x188: {  	v42 =	vld [tilespmem:s0+$0x300];
	v23 =	vmul.f32 v3, v31;
	v6 =	vmul.f32 v43, v17;
	v1 =	vadd.f32 v2, v1  }
0x189: {  	v27 =	vadd.f32 v8, v9;
	v9 =	vimm.f32 $0.0e+00;
	v8 =	vimm.f32 $0.0e+00;
	[tilespmem:$0x1FDD0] =	vst v0  }
0x18a: {  	v41 =	vld [tilespmem:s0+$0x380];
	v0 =	vmul.f32 v51, v36;
	v6 =	vadd.f32 v6, v26;
	[tilespmem:$0x1FDC0] =	vst v1;
	v1 =	vmul.f32 v35, v31  }
0x18b: {  	v3 =	vmul.f32 v3, v49;
	v63 =	vimm.f32 $0.0e+00;
	v51 =	vimm.f32 $0.0e+00  }
0x18c: {  	v58 =	vadd.f32 v0, v26;
	v0 =	vmul.f32 v21, v17;
	v30 =	vadd.f32 v1, v6  }
0x18d: {  	s31 =	simm.s32 $0x0;
	v6 =	vmul.f32 v54, v47;
	v1 =	vmul.f32 v42, v17;
	v47 =	vimm.f32 $0.0e+00  }
.LBB2_12:
0x18e: {  	v2 =	vmul.f32 v32, v49;
	v12 =	vadd.f32 v50, v12;
	v50 =	vmul.f32 v22, v36  }
0x18f: {  	v17 =	vmul.f32 v41, v17;
	v4 =	vmul.f32 v35, v49  }
0x190: {  	v28 =	vadd.f32 v28, v38;
	v38 =	vmul.f32 v21, v36;
	v32 =	vmul.f32 v55, v36  }
0x191: {  	s31 =	sadd.s32 $0x2, s31;
	s0 =	rddreg [dreg:$0xa];
	v1 =	vadd.f32 v1, v20;
	v20 =	vmul.f32 v22, v18;
	v22 =	vmul.f32 v29, v49  }
0x192: {  	s30 =	sadd.s32 $0x20, s30;
	s2 =	sshll.u32 s31, $0x6;
	s3 =	sshll.u32 s31, $0x7;
	v13 =	vadd.f32 v52, v13;
	v52 =	vmul.f32 v56, v36;
	v12 =	vadd.f32 v23, v12  }
0x193: {  	s15 =	sand.u32 $0x60, s30;
	s3 =	sand.u32 $0x3FFFFC00, s3;
	s2 =	sand.u32 $0x3FFFFE00, s2;
	v23 =	vmul.f32 v43, v36;
	v25 =	vadd.f32 v17, v25;
	v17 =	vmul.f32 v7, v49  }
0x194: {  	v43 =	vmul.f32 v21, v18;
	v21 =	vadd.f32 v33, v62;
	v33 =	vmul.f32 v42, v36;
	s19 =	sadd.s32 s3, s0;
	s3 =	sor.u32 s15, s2  }
0x195: {  	s20 =	sor.u32 $0x10, s15;
	v13 =	vadd.f32 v39, v13;
	v39 =	vmul.f32 v54, v49;
	v49 =	vmul.f32 v41, v36;
	s0 =	sadd.s32 s15, s19;
	v36 =	vld [tilespmem:s3+$0x80]  }
0x196: {  	s21 =	sadd.s32 s20, s19;
	v35 =	vld [tilespmem:s0+$0x380]  }
0x197: {  	v0 =	vadd.f32 v0, v26;
	v29 =	vmul.f32 v7, v31;
	v7 =	vld [tilespmem:s21+$0x300]  }
0x198: {  	v26 =	vmul.f32 v44, v31;
	v44 =	vmul.f32 v56, v18;
	v16 =	vadd.f32 v37, v16;
	v5 =	vld [tilespmem:s0+$0x80]  }
0x199: {  	v38 =	vadd.f32 v38, v63;
	v9 =	vadd.f32 v20, v9;
	s15 =	sor.u32 s20, s2;
	v37 =	vld [tilespmem:s0+$0x100]  }
0x19a: {  	v8 =	vadd.f32 v44, v8;
	v20 =	vadd.f32 v29, v1;
	v1 =	vld [tilespmem:s15+$0x100]  }
0x19b: {  	v33 =	vadd.f32 v33, v59;
	v63 =	vadd.f32 v14, v38;
	v29 =	vld [tilespmem:s21+$0x280]  }
0x19c: {  	v31 =	vmul.f32 v15, v31;
	v14 =	vadd.f32 v50, v57;
	v8 =	vadd.f32 v6, v8;
	v44 =	vld [tilespmem:s21+$0x200]  }
0x19d: {  	v54 =	vmul.f32 v55, v18;
	v6 =	vadd.f32 v32, v60;
	v32 =	vld [tilespmem:s21+$0x380];
	v59 =	vadd.f32 v17, v33  }
0x19e: {  	v55 =	vmul.f32 v41, v18;
	v15 =	vld [tilespmem:s21+$0x100];
	v17 =	vadd.f32 v43, v53;
	v57 =	vadd.f32 v11, v14  }
0x19f: {  	v14 =	vadd.f32 v23, v51;
	v60 =	vadd.f32 v22, v6;
	v22 =	vmul.f32 v42, v18;
	v18 =	vld [tilespmem:s3+$0x100]  }
0x1a0: {  	v53 =	vadd.f32 v34, v17;
	v17 =	vld [tilespmem:s3+$0x0]  }
0x1a1: {  	v51 =	vadd.f32 v4, v14;
	v14 =	vld [tilespmem:$0x1FDA0]  }
0x1a2: {  	v16 =	vadd.f32 v26, v16;
	v26 =	vadd.f32 v31, v0;
	v31 =	vld [tilespmem:s15+$0x0]  }
0x1a3: {  	v56 =	vld [tilespmem:s0+$0x180]  }
0x1a4: {  	v3 =	vadd.f32 v3, v58;
	v45 =	vadd.f32 v54, v45;
	v54 =	vld [tilespmem:s21+$0x180]  }
0x1a5: {  	v9 =	vadd.f32 v24, v9;
	v33 =	vld [tilespmem:s21+$0x80];
	v11 =	vmul.f32 v44, v1;
	v58 =	vmul.f32 v5, v36  }
0x1a6: {  	v50 =	vmul.f32 v5, v17;
	v38 =	vadd.f32 v14, v28;
	v28 =	vmul.f32 v5, v18;
	v5 =	vld [tilespmem:$0x1FD80]  }
0x1a7: {  	v23 =	vadd.f32 v49, v47;
	v49 =	vld [tilespmem:s15+$0x80];
	v24 =	vmov v11;
	v11 =	vadd.f32 v52, v48  }
0x1a8: {  	v62 =	vadd.f32 v61, v21;
	v4 =	vadd.f32 v22, v46;
	v22 =	vld [tilespmem:s0+$0x200]  }
0x1a9: {  	v41 =	vmovc v35;
	v35 =	vld [tilespmem:s21+$0x0];
	v0 =	vmul.f32 v32, v1;
	v48 =	vadd.f32 v39, v11;
	v11 =	vadd.f32 v55, v40  }
0x1aa: {  	v25 =	vadd.f32 v10, v25;
	v43 =	vld [tilespmem:s0+$0x0];
	v21 =	vmovc v37;
	v6 =	vmul.f32 v7, v1;
	v37 =	vmul.f32 v29, v1  }
0x1ab: {  	v34 =	vmul.f32 v15, v1;
	v61 =	vmul.f32 v29, v31;
	v40 =	vadd.f32 v5, v11;
	v5 =	vmovc v0;
	v0 =	vld [tilespmem:$0x1FD60]  }
0x1ac: {  	v47 =	vadd.f32 v2, v23;
	v10 =	vmul.f32 v32, v31;
	v23 =	vmul.f32 v33, v31;
	v14 =	vld [tilespmem:$0x1FD70]  }
0x1ad: {  	v52 =	vmul.f32 v33, v1;
	v2 =	vmovc v37;
	v58 =	vadd.f32 v58, v3;
	v3 =	vmul.f32 v33, v49;
	v55 =	vld [tilespmem:s0+$0x280]  }
0x1ae: {  	v42 =	vld [tilespmem:s0+$0x300];
	[tilespmem:$0x1FD70] =	vst v2;
	v37 =	vmul.f32 v22, v17;
	v19 =	vmul.f32 v35, v1  }
0x1af: {  	p2 =	slt.u32 s31, $0x2E;
	v39 =	vmul.f32 v35, v31;
	[tilespmem:$0x1FD80] =	vst v5;
	v5 =	vmul.f32 v43, v17  }
.Ltmp6:
0x1b0: {  	v2 =	vmovc v52;
	v52 =	vmul.f32 v56, v17;
	v46 =	vadd.f32 v0, v4;
	v4 =	vmul.f32 v43, v18;
	(pc) =	sbr.rel @p2 .LBB2_12-.Ltmp6, $4  }
0x1b1: {  	[tilespmem:$0x1FDA0] =	vst v2;
	v45 =	vadd.f32 v14, v45;
	v14 =	vmul.f32 v15, v49;
	v2 =	vadd.f32 v5, v30  }
0x1b2: {  	v11 =	vmul.f32 v44, v49;
	v33 =	vmul.f32 v55, v17;
	v4 =	vadd.f32 v4, v27  }
0x1b3: {  	v0 =	vmovc v6;
	v30 =	vadd.f32 v39, v2;
	v6 =	vmul.f32 v54, v1;
	v1 =	vmul.f32 v42, v17  }
0x1b4: {  	v39 =	vmul.f32 v54, v31;
	[tilespmem:$0x1FD60] =	vst v0;
	v0 =	vmul.f32 v21, v17;
	v27 =	vadd.f32 v19, v4  }
0x1b5: {  	v2 =	vld [tilespmem:$0x1FC30]  }
0x1b6: {  	v19 =	vld [tilespmem:$0x1FD30]  }
0x1b7: {  	v4 =	vld [tilespmem:$0x1FC20];
	_ =	sdelay $0x2  }
0x1b8: {  	(xrf2) =	vadd.scan.msk.f32 $0xffff, v2  }
0x1b9: {  	v5 =	vld [tilespmem:$0x1FC40];
	(xrf2) =	vadd.scan.msk.f32 $0xffff, v19  }
0x1ba: {  	(xrf2) =	vadd.scan.msk.f32 $0xffff, v4;
	v4 =	vld [tilespmem:$0x1FCE0];
	_ =	sdelay $0x3  }
0x1bb: {  	(xrf2) =	vadd.scan.msk.f32 $0xffff, v5  }
0x1bc: {  	(xrf2) =	vadd.scan.msk.f32 $0xffff, v4;
	v4 =	vadd.f32 v0, v26;
	v0 =	vadd.f32 v1, v20;
	v20 =	vld [tilespmem:$0x1FD90]  }
0x1bd: {  	v26 =	vld [tilespmem:$0x1FCF0];
	_ =	sdelay $0x3  }
0x1be: {  	v5 =	vmul.f32 v22, v18;
	(xrf2) =	vadd.scan.msk.f32 $0xffff, v20;
	v20 =	vld [tilespmem:$0x1FC90]  }
0x1bf: {  	(xrf2) =	vadd.scan.msk.f32 $0xffff, v26;
	v26 =	vld [tilespmem:$0x1FD00]  }
0x1c0: {  	v5 =	vadd.f32 v5, v9;
	v9 =	vadd.f32 v37, v16;
	v37 =	vld [tilespmem:$0x1FC50]  }
0x1c1: {  	v19 =	vadd.f32 v50, v12;
	v50 =	vmul.f32 v41, v17  }
0x1c2: {  	v52 =	vadd.f32 v52, v13;
	v13 =	vadd.f32 v28, v38;
	v28 =	vmul.f32 v7, v31  }
0x1c3: {  	v2 =	vadd.f32 v23, v19;
	v23 =	vmul.f32 v56, v18;
	v19 =	vadd.f32 v50, v25;
	v50 =	vld [tilespmem:$0x1FD50];
	(xrf2) =	vadd.scan.msk.f32 $0xffff, v20  }
0x1c4: {  	v38 =	vmul.f32 v21, v36;
	v0 =	vadd.f32 v28, v0;
	v28 =	vld [tilespmem:$0x1FC70];
	(xrf2) =	vadd.scan.msk.f32 $0xffff, v26  }
0x1c5: {  	v12 =	vadd.f32 v39, v52;
	v52 =	vmul.f32 v55, v36;
	v8 =	vadd.f32 v23, v8;
	(xrf2) =	vadd.scan.msk.f32 $0xffff, v37;
	v37 =	vld [tilespmem:$0x1FCB0]  }
0x1c6: {  	v62 =	vadd.f32 v33, v62;
	v33 =	vmul.f32 v42, v36;
	v39 =	vld [tilespmem:$0x1FCD0];
	v16 =	vadd.f32 v38, v63  }
0x1c7: {  	v8 =	vadd.f32 v6, v8;
	v6 =	vadd.f32 v52, v60;
	v52 =	vld [tilespmem:$0x1FD10]  }
0x1c8: {  	v38 =	vadd.f32 v33, v59;
	v63 =	vld [tilespmem:$0x1FC80];
	v1 =	vadd.f32 v61, v62;
	v17, _, _ =	vpop (xrf2);
	(xrf2) =	vadd.scan.msk.f32 $0xffff, v50  }
0x1c9: {  	v14 =	vadd.f32 v14, v16;
	v60 =	vmul.f32 v29, v49;
	v61 =	vmul.f32 v7, v49;
	v16 =	vld [tilespmem:$0x1FCA0];
	v25, _, _ =	vpop (xrf2);
	(xrf2) =	vadd.scan.msk.f32 $0xffff, v28  }
0x1ca: {  	v26, _, _ =	vpop (xrf2);
	(xrf2) =	vadd.scan.msk.f32 $0xffff, v37;
	v37 =	vld [tilespmem:$0x1FDB0]  }
0x1cb: {  	v23, _, _ =	vpop (xrf2);
	v50 =	vmul.f32 v22, v36;
	v28 =	vadd.f32 v60, v6;
	v6 =	vadd.f32 v61, v38;
	v38 =	vld [tilespmem:$0x1FC60];
	(xrf2) =	vadd.scan.msk.f32 $0xffff, v39  }
0x1cc: {  	v62 =	vmul.f32 v21, v18;
	v29, _, _ =	vpop (xrf2);
	v39 =	vmul.f32 v43, v36;
	v43 =	vld [tilespmem:$0x1FCC0];
	(xrf2) =	vadd.scan.msk.f32 $0xffff, v52  }
0x1cd: {  	v22 =	vadd.f32 v50, v57;
	v33, _, _ =	vpop (xrf2);
	v52 =	vld [tilespmem:$0x1FDD0];
	(xrf2) =	vadd.scan.msk.f32 $0xffff, v63  }
0x1ce: {  	v15 =	vmul.f32 v15, v31;
	v59 =	vmul.f32 v44, v31;
	v31 =	vadd.f32 v62, v53;
	v53 =	vld [tilespmem:$0x1FD20];
	(xrf2) =	vadd.scan.msk.f32 $0xffff, v16;
	v16, _, _ =	vpop (xrf2)  }
0x1cf: {  	v44 =	vmul.f32 v56, v36;
	v56 =	vld [tilespmem:$0x1FD40];
	(xrf2) =	vadd.scan.msk.f32 $0xffff, v37;
	v20, _, _ =	vpop (xrf2)  }
0x1d0: {  	v9 =	vadd.f32 v59, v9;
	v59 =	vld [tilespmem:$0x1FDC0];
	(xrf2) =	vadd.scan.msk.f32 $0xffff, v38;
	v21, _, _ =	vpop (xrf2)  }
0x1d1: {  	v3 =	vadd.f32 v3, v58;
	v11 =	vadd.f32 v11, v22;
	(xrf2) =	vadd.scan.msk.f32 $0xffff, v43;
	v22, _, _ =	vpop (xrf2)  }
0x1d2: {  	v35 =	vmul.f32 v35, v49;
	v58 =	vmul.f32 v41, v18;
	v7 =	vadd.f32 v34, v31;
	(xrf2) =	vadd.scan.msk.f32 $0xffff, v52;
	v34, _, _ =	vpop (xrf2)  }
0x1d3: {  	v4 =	vadd.f32 v15, v4;
	v50 =	vmul.f32 v41, v36;
	v15 =	vadd.f32 v39, v51;
	(xrf2) =	vadd.scan.msk.f32 $0xffff, v53;
	v36, _, _ =	vpop (xrf2)  }
0x1d4: {  	v10 =	vadd.f32 v10, v19;
	v37 =	vadd.f32 v58, v40;
	v40 =	vld [tilespmem:$0x1FDA0];
	(xrf2) =	vadd.scan.msk.f32 $0xffff, v56;
	v38, _, _ =	vpop (xrf2)  }
0x1d5: {  	v54 =	vmul.f32 v54, v49;
	v5 =	vadd.f32 v24, v5;
	v15 =	vadd.f32 v35, v15;
	(xrf2) =	vadd.scan.msk.f32 $0xffff, v59;
	v60, _, _ =	vpop (xrf2)  }
0x1d6: {  	v24 =	vadd.f32 v44, v48;
	v17 =	vbroadcast v17, $0xF;
	v57 =	vmul.f32 v55, v18;
	(xrf2) =	vadd.scan.msk.f32 $0xffff, v30;
	v30, _, _ =	vpop (xrf2)  }
0x1d7: {  	v25 =	vbroadcast v25, $0xF;
	v26 =	vbroadcast v26, $0xF;
	v31 =	vadd.f32 v50, v47;
	v47 =	vld [tilespmem:$0x1FD60];
	(xrf2) =	vadd.scan.msk.f32 $0xffff, v15;
	v63, _, _ =	vpop (xrf2)  }
0x1d8: {  	v23 =	vbroadcast v23, $0xF;
	v61 =	vmul.f32 v42, v18;
	v62 =	vadd.f32 v57, v45;
	v45 =	vld [tilespmem:$0x1FD80];
	(xrf2) =	vadd.scan.msk.f32 $0xffff, v27;
	v39, _, _ =	vpop (xrf2)  }
0x1d9: {  	v29 =	vbroadcast v29, $0xF;
	v33 =	vbroadcast v33, $0xF;
	v13 =	vadd.f32 v40, v13;
	(xrf2) =	vadd.scan.msk.f32 $0xffff, v2;
	v42, _, _ =	vpop (xrf2)  }
0x1da: {  	v32 =	vmul.f32 v32, v49;
	v24 =	vadd.f32 v54, v24;
	v18 =	vadd.f32 v61, v46;
	(xrf2) =	vadd.scan.msk.f32 $0xffff, v3;
	v44, _, _ =	vpop (xrf2)  }
0x1db: {  	v17 =	vsel vm0, v17, v23;
	v49 =	vsel vm0, v25, v29;
	v50 =	vsel vm0, v26, v33;
	(xrf2) =	vadd.scan.msk.f32 $0xffff, v13;
	v46, _, _ =	vpop (xrf2)  }
0x1dc: {  	v19 =	vadd.f32 v32, v31;
	v18 =	vadd.f32 v47, v18;
	v16 =	vbroadcast v16, $0xF;
	v43 =	vld [tilespmem:$0x1FD70];
	(xrf2) =	vadd.scan.msk.f32 $0xffff, v4;
	v48, _, _ =	vpop (xrf2)  }
0x1dd: {  	v20 =	vbroadcast v20, $0xF;
	v32 =	vadd.f32 v45, v37;
	v52 =	vbroadcast v21, $0xF;
	(xrf2) =	vadd.scan.msk.f32 $0xffff, v14;
	v51, _, _ =	vpop (xrf2)  }
0x1de: {  	v16 =	vsel vm1, v17, v16;
	v53 =	vbroadcast v22, $0xF;
	v55 =	vbroadcast v34, $0xF;
	(xrf2) =	vadd.scan.msk.f32 $0xffff, v7;
	v54, _, _ =	vpop (xrf2)  }
0x1df: {  	v20 =	vsel vm1, v49, v20;
	v56 =	vbroadcast v36, $0xF;
	v17 =	vsel vm1, v50, v52;
	(xrf2) =	vadd.scan.msk.f32 $0xffff, v12;
	v57, _, _ =	vpop (xrf2)  }
0x1e0: {  	v16 =	vsel vm2, v16, v53;
	v58 =	vbroadcast v38, $0xF;
	v20 =	vsel vm2, v20, v55;
	(xrf2) =	vadd.scan.msk.f32 $0xffff, v24;
	v59, _, _ =	vpop (xrf2)  }
0x1e1: {  	v31 =	vadd.f32 v43, v62;
	v17 =	vsel vm2, v17, v56;
	v60 =	vbroadcast v60, $0xF;
	(xrf2) =	vadd.scan.msk.f32 $0xffff, v8;
	v61, _, _ =	vpop (xrf2)  }
0x1e2: {  	v16 =	vsel vm3, v16, v58;
	v62 =	vbroadcast v30, $0xF;
	v15 =	vbroadcast v63, $0xF;
	(xrf2) =	vadd.scan.msk.f32 $0xffff, v9;
	v63, _, _ =	vpop (xrf2)  }
0x1e3: {  	v20 =	vsel vm3, v20, v60;
	v25 =	vbroadcast v39, $0xF;
	v2 =	vbroadcast v42, $0xF;
	(xrf2) =	vadd.scan.msk.f32 $0xffff, v11;
	v26, _, _ =	vpop (xrf2)  }
0x1e4: {  	v17 =	vsel vm3, v17, v62;
	v15 =	vsel vm4, v16, v15;
	v3 =	vbroadcast v44, $0xF;
	(xrf2) =	vadd.scan.msk.f32 $0xffff, v5;
	v27, _, _ =	vpop (xrf2)  }
0x1e5: {  	v29 =	vsel vm4, v20, v25;
	v2 =	vsel vm4, v17, v2;
	v13 =	vbroadcast v46, $0xF;
	(xrf2) =	vadd.scan.msk.f32 $0xffff, v1;
	v30, _, _ =	vpop (xrf2)  }
0x1e6: {  	v3 =	vsel vm5, v15, v3;
	v4 =	vbroadcast v48, $0xF;
	v14 =	vbroadcast v51, $0xF;
	(xrf2) =	vadd.scan.msk.f32 $0xffff, v28;
	v33, _, _ =	vpop (xrf2)  }
0x1e7: {  	v13 =	vsel vm5, v29, v13;
	v7 =	vbroadcast v54, $0xF;
	v12 =	vbroadcast v57, $0xF;
	(xrf2) =	vadd.scan.msk.f32 $0xffff, v31;
	v34, _, _ =	vpop (xrf2)  }
0x1e8: {  	v2 =	vsel vm5, v2, v4;
	v3 =	vsel vm6, v3, v14;
	v35 =	vbroadcast v59, $0xF;
	(xrf2) =	vadd.scan.msk.f32 $0xffff, v0;
	v36, _, _ =	vpop (xrf2)  }
0x1e9: {  	v7 =	vsel vm6, v13, v7;
	v2 =	vsel vm6, v2, v12;
	v8 =	vbroadcast v61, $0xF;
	(xrf2) =	vadd.scan.msk.f32 $0xffff, v6;
	v37, _, _ =	vpop (xrf2)  }
0x1ea: {  	v3 =	vsel vm7, v3, v35;
	v38 =	vbroadcast v63, $0xF;
	v39 =	vbroadcast v26, $0xF;
	(xrf2) =	vadd.scan.msk.f32 $0xffff, v18;
	v40, _, _ =	vpop (xrf2)  }
0x1eb: {  	v7 =	vsel vm7, v7, v8;
	v5 =	vbroadcast v27, $0xF;
	v1 =	vbroadcast v30, $0xF;
	(xrf2) =	vadd.scan.msk.f32 $0xffff, v10;
	v41, _, _ =	vpop (xrf2)  }
0x1ec: {  	v2 =	vsel vm7, v2, v38;
	v3 =	vsel vm8, v3, v39;
	v42 =	vbroadcast v33, $0xF;
	(xrf2) =	vadd.scan.msk.f32 $0xffff, v19;
	v43, _, _ =	vpop (xrf2)  }
0x1ed: {  	v5 =	vsel vm8, v7, v5;
	v1 =	vsel vm8, v2, v1;
	v45 =	vbroadcast v34, $0xF;
	(xrf2) =	vadd.scan.msk.f32 $0xffff, v32;
	v44, _, _ =	vpop (xrf2)  }
0x1ee: {  	v3 =	vsel vm9, v3, v42;
	v0 =	vbroadcast v36, $0xF;
	v6 =	vbroadcast v37, $0xF;
	v46, _, _ =	vpop (xrf2)  }
0x1ef: {  	v5 =	vsel vm9, v5, v45;
	v48 =	vbroadcast v40, $0xF;
	v8 =	vbroadcast v41, $0xF;
	v47, _, _ =	vpop (xrf2)  }
0x1f0: {  	v0 =	vsel vm9, v1, v0;
	v49 =	vsel vm10, v3, v6;
	v51 =	vbroadcast v43, $0xF;
	v50, _, _ =	vpop (xrf2)  }
0x1f1: {  	v5 =	vsel vm10, v5, v48;
	v0 =	vsel vm10, v0, v8;
	v2 =	vbroadcast v44, $0xF;
	v52, _, _ =	vpop (xrf2)  }
0x1f2: {  	v1 =	vsel vm11, v49, v51;
	v4 =	vbroadcast v46, $0xF;
	v7 =	vbroadcast v47, $0xF;
	v53, _, _ =	vpop (xrf2)  }
0x1f3: {  	v2 =	vsel vm11, v5, v2;
	v3 =	vbroadcast v50, $0xF;
	v8 =	vbroadcast v52, $0xF;
	v54, _, _ =	vpop (xrf2)  }
0x1f4: {  	v0 =	vsel vm11, v0, v4;
	v6 =	vbroadcast v53, $0xF;
	v55, _, _ =	vpop (xrf2);
	v5 =	vbroadcast v54, $0xF  }
0x1f5: {  	v1 =	vsel vm12, v1, v7;
	v2 =	vsel vm12, v2, v3;
	v56, _, _ =	vpop (xrf2);
	v4 =	vbroadcast v55, $0xF  }
0x1f6: {  	v0 =	vsel vm12, v0, v8;
	v1 =	vsel vm13, v1, v6;
	v2 =	vsel vm13, v2, v5;
	v57, _, _ =	vpop (xrf2)  }
0x1f7: {  	v1 =	vsel vm14, v1, v56;
	v0 =	vsel vm13, v0, v4;
	v2 =	vsel vm14, v2, v57;
	v58, _, _ =	vpop (xrf2)  }
0x1f8: {  	v0 =	vsel vm14, v0, v58;
	v59 =	vmax.f32 v1, v2  }
0x1f9: {  	v3 =	vmax.f32 v59, v0  }
0x1fa: {  	v60 =	vsub.f32 v1, v3  }
0x1fb: {  	v5 =	vsub.f32 v2, v3  }
0x1fc: {  	v4 =	vmul.f32 $1.442695020e+00, v60  }
0x1fd: {  	v3 =	vsub.f32 v0, v3;
	v5 =	vmul.f32 $1.442695020e+00, v5  }
0x1fe: {  	(erf) = vpow2.f32 v4  }
0x1ff: {  	v3 =	vmul.f32 $1.442695020e+00, v3;
	(erf) = vpow2.f32 v5;
	_ =	sdelay $0x1  }
0x200: {  	(erf) = vpow2.f32 v3;
	_ =	sdelay $0x5  }
0x201: {  	v61 =	vpop (erf)  }
0x202: {  	v62 =	vpop (erf)  }
0x203: {  	v3 =	vadd.f32 v62, v61  }
0x204: {  	v63 =	vpop (erf)  }
0x205: {  	v3 =	vadd.f32 v3, v63;
	_ =	sdelay $0x1  }
0x206: {  	(erf) = vrcp.f32 v3;
	_ =	sdelay $0x4  }
0x207: {  	s0 =	sshll.u32 s29, $0x4  }
.Ltmp7:
0x208: {  	s0 =	sor.u32 s26, s0;
	(pc) =	sbr.rel @p1 .LBB2_9-.Ltmp7, $4  }
0x209: {  	[tilespmem:s0+$0xCC00] =	vst v1  }
0x20a: {  	[tilespmem:s0+$0xCD80] =	vst v2  }
0x20b: {  	[tilespmem:s0+$0xCF00] =	vst v0;
	v3 =	vpop (erf)  }
0x20c: {  	s29 =	simm.s32 $0x1;
	p2 =	por $0x0, $0x0;
	[tilespmem:s0+$0xD080] =	vst v3  }
.Ltmp8:
0x20d: {  	(pc) =	sbr.rel @p0 .LBB2_16-.Ltmp8, $1  }
0x20e: {  	_ =	sdelay $0x3  }
0x20f: {  	s0 =	sadd.s32 s25, s8  }
.Ltmp9:
0x210: {  	s0 =	sshrl.u32 s0, $0x3;
	(pc) =	sbr.rel .LBB2_2-.Ltmp9, $3  }
0x211: {  	s0 =	smul.u32 $0x300, s0;
	_ =	sdelay $0x1  }
0x212: {  	s24 =	sadd.s32 $0x1, s24;
	s0 =	sadd.s32 s1, s0  }
0x213: {  	[tilespmem:s16], [sflag:$0x2] =	stream.linear.gather [hbm4b:s0+s4], $0x6000, $0x38;
	[tilespmem:$0xD200] =	vst v63  }
.LBB2_17:
0x214: {  	_ =	sfence.sel $0x180000  }
0x215: {  	[bflag:$0x0] =	sbarrier.arrive $0xFFFF  }
0x216: {  	_ =	strace $0x90000047  }
0x217: {  	s0 =	stileid.u32;
	[bflag:$0x2] =	sbarrier.arrive $0xFFFF  }
0x218: {  	p0 =	sne.s32 s0, $0x0;
	s0 =	rddreg [dreg:$0x6]  }
0x219: {  	s0 =	sadd.s32 @!p0 $0x100000, s0  }
0x21a: {  	[sflag:s0] =	ssyncadd.tile.s32 @!p0 $0x1;
	_ =	shalt  }
.Lfunc_end2:
_tile_overlayer_lowered:
.L_overlay_start_2:
0x21b: {  	(tag) =	ssettag $0x2  }
0x21c: {  	s0 =	rddreg [dreg:$0x0];
	s2 =	stileid.u32  }
0x21d: {  	s1 =	rddreg [dreg:$0x1];
	p0 =	sne.s32 s2, $0x0  }
0x21e: {  	s3 =	rddreg [dreg:$0x2];
	[bflag:$0x3] =	sbarrier.arrive $0xFFFF;
	s2 =	simm.s32 @!p0 $0x1C03  }
0x21f: {  	[timem:s3], [sflag:s2] =	dma.local @!p0 [hbm:s0], s1  }
0x220: {  	s0 =	simm.s32 @!p0 $0x3  }
0x221: {  	_ =	swait.ge @!p0 [sflag:s0], s1  }
0x222: {  	s1 =	ssub.s32 @!p0 $0x0, s1;
	[sflag:s0] =	ssyncset.done @!p0 $0x0  }
0x223: {  	[sflag:s0] =	ssyncadd.s32 @!p0 s1  }
0x224: {  	[bflag:$0x3] =	sbarrier.arrive $0xFFFF  }
0x225: {  	_ =	shalt  }

</sc_bundles>
